<compile_context>
chip_gen: v7x
topology: tpu7x:2x2x1
jax: 0.10.2.dev20260603
libtpu: 0.0.44.dev20260713+nightly
codegen_flags: <defaults>
</compile_context>

<pallas_src>
import jax
import jax.numpy as jnp
from jax import lax
from jax.experimental import pallas as pl
from jax.experimental.pallas import tpu as pltpu
from jax.experimental.pallas import tpu_sc as plsc

N_NODES = 10000
IN_F = 128
HID = 128
NCLS = 16
N_EDGES = 320000

NC = 2
NS = 16
NW = NC * NS
CHUNK = 128
STRIPE = 640
ROW_PAD = NS * STRIPE

E_AUG = N_EDGES + N_NODES
CPT = 84
E_PAD = CPT * CHUNK * NW
NGRP = 3
G = CPT // NGRP

_MESH = plsc.VectorSubcoreMesh(core_axis_name="c", subcore_axis_name="s")


def _sc_degree(dst3d, ones16, zdeg):

    def body(dst_hbm, ones_hbm, z_hbm, out_hbm, dst_v, ones_v, acc):
        c = lax.axis_index("c")
        s = lax.axis_index("s")
        wid = c * NS + s
        pltpu.sync_copy(ones_hbm, ones_v)
        pltpu.sync_copy(z_hbm, acc.at[pl.ds(s * STRIPE, STRIPE)])
        plsc.subcore_barrier()

        for grp in range(NGRP):
            pltpu.sync_copy(dst_hbm.at[wid * NGRP + grp], dst_v)

            def step(j, carry):
                pltpu.sync_copy(ones_v, acc.at[dst_v.at[j]], add=True)
                return carry

            lax.fori_loop(0, G, step, 0)
        plsc.subcore_barrier()
        pltpu.sync_copy(acc.at[pl.ds(s * STRIPE, STRIPE)],
                        out_hbm.at[c, pl.ds(s * STRIPE, STRIPE)])

    k = pl.kernel(
        body,
        out_type=jax.ShapeDtypeStruct((NC, ROW_PAD, 16), jnp.float32),
        mesh=_MESH,
        scratch_types=[
            pltpu.VMEM((G, CHUNK), jnp.int32),
            pltpu.VMEM((CHUNK, 16), jnp.float32),
            pltpu.VMEM_SHARED((ROW_PAD, 16), jnp.float32),
        ],
    )
    return k(dst3d, ones16, zdeg)


def _sc_edge_pass(h, src3d, dst3d, zrows):

    def body(h_hbm, src_hbm, dst_hbm, z_hbm, out_hbm, src_g, dst_g,
             rows0, rows1, sem0, sem1, acc):
        c = lax.axis_index("c")
        s = lax.axis_index("s")
        wid = c * NS + s
        rows = (rows0, rows1)
        sems = (sem0, sem1)
        pltpu.sync_copy(z_hbm, acc.at[pl.ds(s * STRIPE, STRIPE)])
        plsc.subcore_barrier()

        for grp in range(NGRP):
            pltpu.sync_copy(src_hbm.at[wid * NGRP + grp], src_g)
            pltpu.sync_copy(dst_hbm.at[wid * NGRP + grp], dst_g)
            for b in range(2):
                pltpu.async_copy(h_hbm.at[src_g.at[b]], rows[b], sems[b])

            def step(t, carry):
                for b in range(2):
                    j = t * 2 + b
                    pltpu.make_async_copy(h_hbm.at[src_g.at[j]], rows[b],
                                          sems[b]).wait()
                    pltpu.sync_copy(rows[b], acc.at[dst_g.at[j]], add=True)
                    pltpu.async_copy(h_hbm.at[src_g.at[j + 2]], rows[b],
                                     sems[b])
                return carry

            lax.fori_loop(0, G // 2 - 1, step, 0)
            for b in range(2):
                j = G - 2 + b
                pltpu.make_async_copy(h_hbm.at[src_g.at[j]], rows[b],
                                      sems[b]).wait()
                pltpu.sync_copy(rows[b], acc.at[dst_g.at[j]], add=True)
        plsc.subcore_barrier()
        pltpu.sync_copy(acc.at[pl.ds(s * STRIPE, STRIPE)],
                        out_hbm.at[c, pl.ds(s * STRIPE, STRIPE)])

    k = pl.kernel(
        body,
        out_type=jax.ShapeDtypeStruct((NC, ROW_PAD, HID), jnp.float32),
        mesh=_MESH,
        scratch_types=[
            pltpu.VMEM((G, CHUNK), jnp.int32),
            pltpu.VMEM((G, CHUNK), jnp.int32),
            pltpu.VMEM((CHUNK, HID), jnp.float32),
            pltpu.VMEM((CHUNK, HID), jnp.float32),
            pltpu.SemaphoreType.DMA,
            pltpu.SemaphoreType.DMA,
            pltpu.VMEM_SHARED((ROW_PAD, HID), jnp.float32),
        ],
    )
    return k(h, src3d, dst3d, zrows)


BLK = 1000


def _tc_mm(x, w1t):

    def body(x_ref, w_ref, o_ref):
        o_ref[...] = jnp.dot(x_ref[...], w_ref[...],
                             preferred_element_type=jnp.float32)

    return pl.pallas_call(
        body,
        grid=(N_NODES // BLK,),
        in_specs=[
            pl.BlockSpec((BLK, IN_F), lambda i: (i, 0)),
            pl.BlockSpec((IN_F, HID), lambda i: (0, 0)),
        ],
        out_specs=pl.BlockSpec((BLK, HID), lambda i: (i, 0)),
        out_shape=jax.ShapeDtypeStruct((N_NODES, HID), jnp.float32),
    )(x, w1t)


def _tc_stage1(mm, degp):

    def body(mm_ref, d0_ref, d1_ref, h_ref, dis_ref):
        deg = d0_ref[0, :, 0] + d1_ref[0, :, 0]
        dis = lax.rsqrt(deg)
        h_ref[...] = mm_ref[...] * dis[:, None]
        dis_ref[...] = jnp.broadcast_to(dis[:, None], (BLK, 16))

    return pl.pallas_call(
        body,
        grid=(N_NODES // BLK,),
        in_specs=[
            pl.BlockSpec((BLK, HID), lambda i: (i, 0)),
            pl.BlockSpec((1, BLK, 16), lambda i: (0, i, 0)),
            pl.BlockSpec((1, BLK, 16), lambda i: (1, i, 0)),
        ],
        out_specs=[
            pl.BlockSpec((BLK, HID), lambda i: (i, 0)),
            pl.BlockSpec((BLK, 16), lambda i: (i, 0)),
        ],
        out_shape=[
            jax.ShapeDtypeStruct((N_NODES, HID), jnp.float32),
            jax.ShapeDtypeStruct((N_NODES, 16), jnp.float32),
        ],
    )(mm, degp, degp)


def _tc_stage2(q, dis16, b, wt):

    def body(q0_ref, q1_ref, dis_ref, b_ref, w_ref, out_ref):
        dis = dis_ref[:, 0]
        o = (q0_ref[0] + q1_ref[0]) * dis[:, None] + b_ref[...]
        h = jnp.maximum(o, 0.0)
        hw = jnp.dot(h, w_ref[...], preferred_element_type=jnp.float32)
        out_ref[...] = hw * dis[:, None]

    return pl.pallas_call(
        body,
        grid=(N_NODES // BLK,),
        in_specs=[
            pl.BlockSpec((1, BLK, HID), lambda i: (0, i, 0)),
            pl.BlockSpec((1, BLK, HID), lambda i: (1, i, 0)),
            pl.BlockSpec((BLK, 16), lambda i: (i, 0)),
            pl.BlockSpec((1, HID), lambda i: (0, 0)),
            pl.BlockSpec((HID, HID), lambda i: (0, 0)),
        ],
        out_specs=pl.BlockSpec((BLK, HID), lambda i: (i, 0)),
        out_shape=jax.ShapeDtypeStruct((N_NODES, HID), jnp.float32),
    )(q, q, dis16, b, wt)


def _tc_stage3(r, dis16, b, wlt, bl):

    def body(r0_ref, r1_ref, dis_ref, b_ref, w_ref, bl_ref, out_ref):
        dis = dis_ref[:, 0]
        o = (r0_ref[0] + r1_ref[0]) * dis[:, None] + b_ref[...]
        h = jnp.maximum(o, 0.0)
        logits = jnp.dot(h, w_ref[...],
                         preferred_element_type=jnp.float32) + bl_ref[...]
        m = jnp.max(logits, axis=1, keepdims=True)
        e = jnp.exp(logits - m)
        lse = jnp.log(jnp.sum(e, axis=1, keepdims=True)) + m
        out_ref[...] = logits - lse

    return pl.pallas_call(
        body,
        grid=(N_NODES // BLK,),
        in_specs=[
            pl.BlockSpec((1, BLK, HID), lambda i: (0, i, 0)),
            pl.BlockSpec((1, BLK, HID), lambda i: (1, i, 0)),
            pl.BlockSpec((BLK, 16), lambda i: (i, 0)),
            pl.BlockSpec((1, HID), lambda i: (0, 0)),
            pl.BlockSpec((HID, NCLS), lambda i: (0, 0)),
            pl.BlockSpec((1, NCLS), lambda i: (0, 0)),
        ],
        out_specs=pl.BlockSpec((BLK, NCLS), lambda i: (i, 0)),
        out_shape=jax.ShapeDtypeStruct((N_NODES, NCLS), jnp.float32),
    )(r, r, dis16, b, wlt, bl)


def kernel(x, edge_index, W1, b1, W2, b2, Wl, bl):
    ei = edge_index.astype(jnp.int32)
    loop = jnp.arange(N_NODES, dtype=jnp.int32)
    npad = E_PAD - E_AUG
    padlane = jnp.arange(npad, dtype=jnp.int32) % 128
    src = jnp.concatenate([ei[0], loop, padlane])
    dst = jnp.concatenate([ei[1], loop, N_NODES + padlane])
    src3d = src.reshape(NW * NGRP, G, CHUNK)
    dst3d = dst.reshape(NW * NGRP, G, CHUNK)

    ones16 = jnp.ones((CHUNK, 16), jnp.float32)
    zdeg = jnp.zeros((STRIPE, 16), jnp.float32)
    zrows = jnp.zeros((STRIPE, HID), jnp.float32)

    mm = _tc_mm(x, W1.T)
    degp = _sc_degree(dst3d, ones16, zdeg)
    h1, dis16 = _tc_stage1(mm, degp)
    q = _sc_edge_pass(h1, src3d, dst3d, zrows)
    h2 = _tc_stage2(q, dis16, b1.reshape(1, HID), W2.T)
    r = _sc_edge_pass(h2, src3d, dst3d, zrows)
    return _tc_stage3(r, dis16, b2.reshape(1, HID), Wl.T,
                      bl.reshape(1, NCLS))

# --- scband reference (transcript-rebuilt; emitter-appended) ---
"""Pipeline reference for scband-gcn-88519275971050 (READ-ONLY COPY).

The authoritative reference and input builder live on the scoring server;
editing this copy changes nothing except your own understanding.
"""

import jax, jax.numpy as jnp
import numpy as np

N_NODES = 10000
N_EDGES = 320000
IN_FEATS = 128
HID_FEATS = 128
NUM_CLASSES = 16


def gcn_conv(x, edge_index, W, b, num_nodes):
    # PyG GCNConv: add self-loops, symmetric normalization, linear transform, scatter-add
    src = edge_index[0]
    dst = edge_index[1]
    loop = jnp.arange(num_nodes, dtype=src.dtype)
    src = jnp.concatenate([src, loop])
    dst = jnp.concatenate([dst, loop])
    deg = jnp.zeros((num_nodes,), dtype=x.dtype).at[dst].add(1.0)
    deg_inv_sqrt = jnp.where(deg > 0, deg ** -0.5, 0.0)
    norm = deg_inv_sqrt[src] * deg_inv_sqrt[dst]
    h = x @ W.T  # PyG Linear weight is [out, in]
    msgs = h[src] * norm[:, None]
    out = jnp.zeros((num_nodes, h.shape[1]), dtype=x.dtype).at[dst].add(msgs)
    return out + b


def setup_inputs(seed: int = 0) -> dict:
    key = jax.random.key(seed)
    ks = jax.random.split(key, 8)
    x = jax.random.normal(ks[0], (N_NODES, IN_FEATS), dtype=jnp.float32)
    edge_index = jax.random.randint(ks[1], (2, N_EDGES), 0, N_NODES, dtype=jnp.int64)
    s1 = 1.0 / np.sqrt(IN_FEATS)
    s2 = 1.0 / np.sqrt(HID_FEATS)
    W1 = jax.random.uniform(ks[2], (HID_FEATS, IN_FEATS), jnp.float32, -s1, s1)
    b1 = jnp.zeros((HID_FEATS,), dtype=jnp.float32)
    W2 = jax.random.uniform(ks[3], (HID_FEATS, HID_FEATS), jnp.float32, -s2, s2)
    b2 = jnp.zeros((HID_FEATS,), dtype=jnp.float32)
    Wl = jax.random.uniform(ks[4], (NUM_CLASSES, HID_FEATS), jnp.float32, -s2, s2)
    bl = jax.random.uniform(ks[5], (NUM_CLASSES,), jnp.float32, -s2, s2)
    return {"x": x, "edge_index": edge_index, "W1": W1, "b1": b1, "W2": W2, "b2": b2, "Wl": Wl, "bl": bl}


def reference(x, edge_index, W1, b1, W2, b2, Wl, bl):
    h = jax.nn.relu(gcn_conv(x, edge_index, W1, b1, N_NODES))
    h = jax.nn.relu(gcn_conv(h, edge_index, W2, b2, N_NODES))
    logits = h @ Wl.T + bl
    return jax.nn.log_softmax(logits, axis=1)

if __name__ == "__main__":
    import jax
    _d = setup_inputs()
    print(jax.jit(kernel)(*tuple(_d.values())))

</pallas_src>

<mosaic_0001>
#map = affine_map<(d0, d1) -> (0, 0, 0)>
#map1 = affine_map<(d0, d1) -> (0, 0)>
module attributes {stable_mosaic.version = 14 : i64} {
  func.func @body(%arg0: i32, %arg1: i32, %arg2: memref<96x28x128xi32, #tpu.memory_space<hbm>>, %arg3: memref<128x16xf32, #tpu.memory_space<hbm>>, %arg4: memref<640x16xf32, #tpu.memory_space<hbm>>, %arg5: memref<2x10240x16xf32, #tpu.memory_space<hbm>>, %arg6: memref<28x128xi32, #tpu.memory_space<vmem>>, %arg7: memref<128x16xf32, #tpu.memory_space<vmem>>, %arg8: memref<10240x16xf32, #tpu.memory_space<vmem_shared>>) attributes {dimension_semantics = [#tpu.dimension_semantics<core_parallel>, #tpu.dimension_semantics<subcore_parallel>], iteration_bounds = array<i64: 2, 16>, scalar_prefetch = 0 : i64, scratch_operands = 3 : i64, tpu.core_type = #tpu.core_type<sc_vector_subcore>, window_params = [{transform_indices = #map}, {transform_indices = #map1}, {transform_indices = #map1}, {transform_indices = #map}]} {
    %mul3A = arith.constant 16 : i32
    %mul3A_0 = arith.muli %arg0, %mul3A : i32
    %add3A = arith.addi %mul3A_0, %arg1 : i32
    "tpu.region"() ({
      %run_scoped3A = tpu.sem_alloc : memref<!tpu.dma_semaphore, #tpu.memory_space<semaphore_mem>>
      tpu.enqueue_dma source(%arg3 : memref<128x16xf32, #tpu.memory_space<hbm>>) target(%arg7 : memref<128x16xf32, #tpu.memory_space<vmem>>) target_semaphore(%run_scoped3A : memref<!tpu.dma_semaphore, #tpu.memory_space<semaphore_mem>>)
      tpu.wait_dma2 semaphore(%run_scoped3A : memref<!tpu.dma_semaphore, #tpu.memory_space<semaphore_mem>>) src(%arg3 : memref<128x16xf32, #tpu.memory_space<hbm>>) dst(%arg7 : memref<128x16xf32, #tpu.memory_space<vmem>>)
      tpu.yield
    }) : () -> ()
    %mul3A_1 = arith.constant 640 : i32
    %mul3A_2 = arith.muli %arg1, %mul3A_1 : i32
    "tpu.region"() ({
      %run_scoped3A = tpu.sem_alloc : memref<!tpu.dma_semaphore, #tpu.memory_space<semaphore_mem>>
      %dma_start3A = arith.constant 0 : i32
      %dma_start3A_37 = tpu.memref_slice %arg8[%mul3A_2, %dma_start3A] : memref<10240x16xf32, #tpu.memory_space<vmem_shared>> -> memref<640x16xf32, #tpu.memory_space<vmem_shared>>
      tpu.enqueue_dma source(%arg4 : memref<640x16xf32, #tpu.memory_space<hbm>>) target(%dma_start3A_37 : memref<640x16xf32, #tpu.memory_space<vmem_shared>>) target_semaphore(%run_scoped3A : memref<!tpu.dma_semaphore, #tpu.memory_space<semaphore_mem>>)
      %dma_wait3A = arith.constant 0 : i32
      %dma_wait3A_38 = tpu.memref_slice %arg8[%mul3A_2, %dma_wait3A] : memref<10240x16xf32, #tpu.memory_space<vmem_shared>> -> memref<640x16xf32, #tpu.memory_space<vmem_shared>>
      tpu.wait_dma2 semaphore(%run_scoped3A : memref<!tpu.dma_semaphore, #tpu.memory_space<semaphore_mem>>) src(%arg4 : memref<640x16xf32, #tpu.memory_space<hbm>>) dst(%dma_wait3A_38 : memref<640x16xf32, #tpu.memory_space<vmem_shared>>)
      tpu.yield
    }) : () -> ()
    %barrier3A = arith.constant 0 : index
    tpu.barrier barrier_id(%barrier3A)
    %mul3A_3 = arith.constant 3 : i32
    %mul3A_4 = arith.muli %add3A, %mul3A_3 : i32
    %add3A_5 = arith.constant 0 : i32
    %add3A_6 = arith.addi %mul3A_4, %add3A_5 : i32
    "tpu.region"() ({
      %run_scoped3A = tpu.sem_alloc : memref<!tpu.dma_semaphore, #tpu.memory_space<semaphore_mem>>
      %dma_start3A = arith.constant 0 : i32
      %dma_start3A_37 = arith.constant 0 : i32
      %dma_start3A_38 = tpu.memref_slice %arg2[%add3A_6, %dma_start3A, %dma_start3A_37] : memref<96x28x128xi32, #tpu.memory_space<hbm>> -> memref<1x28x128xi32, #tpu.memory_space<hbm>>
      %dma_start3A_39 = tpu.memref_squeeze %dma_start3A_38 : memref<1x28x128xi32, #tpu.memory_space<hbm>> -> memref<28x128xi32, #tpu.memory_space<hbm>>
      %dma_start3A_40 = arith.constant 0 : i32
      %dma_start3A_41 = arith.constant 0 : i32
      %dma_start3A_42 = tpu.memref_slice %arg2[%add3A_6, %dma_start3A_40, %dma_start3A_41] : memref<96x28x128xi32, #tpu.memory_space<hbm>> -> memref<1x28x128xi32, #tpu.memory_space<hbm>>
      %dma_start3A_43 = tpu.memref_squeeze %dma_start3A_42 : memref<1x28x128xi32, #tpu.memory_space<hbm>> -> memref<28x128xi32, #tpu.memory_space<hbm>>
      tpu.enqueue_dma source(%dma_start3A_43 : memref<28x128xi32, #tpu.memory_space<hbm>>) target(%arg6 : memref<28x128xi32, #tpu.memory_space<vmem>>) target_semaphore(%run_scoped3A : memref<!tpu.dma_semaphore, #tpu.memory_space<semaphore_mem>>)
      %dma_wait3A = arith.constant 0 : i32
      %dma_wait3A_44 = arith.constant 0 : i32
      %dma_wait3A_45 = tpu.memref_slice %arg2[%add3A_6, %dma_wait3A, %dma_wait3A_44] : memref<96x28x128xi32, #tpu.memory_space<hbm>> -> memref<1x28x128xi32, #tpu.memory_space<hbm>>
      %dma_wait3A_46 = tpu.memref_squeeze %dma_wait3A_45 : memref<1x28x128xi32, #tpu.memory_space<hbm>> -> memref<28x128xi32, #tpu.memory_space<hbm>>
      %dma_wait3A_47 = arith.constant 0 : i32
      %dma_wait3A_48 = arith.constant 0 : i32
      %dma_wait3A_49 = tpu.memref_slice %arg2[%add3A_6, %dma_wait3A_47, %dma_wait3A_48] : memref<96x28x128xi32, #tpu.memory_space<hbm>> -> memref<1x28x128xi32, #tpu.memory_space<hbm>>
      %dma_wait3A_50 = tpu.memref_squeeze %dma_wait3A_49 : memref<1x28x128xi32, #tpu.memory_space<hbm>> -> memref<28x128xi32, #tpu.memory_space<hbm>>
      tpu.wait_dma2 semaphore(%run_scoped3A : memref<!tpu.dma_semaphore, #tpu.memory_space<semaphore_mem>>) src(%dma_wait3A_50 : memref<28x128xi32, #tpu.memory_space<hbm>>) dst(%arg6 : memref<28x128xi32, #tpu.memory_space<vmem>>)
      tpu.yield
    }) : () -> ()
    %scan3A = arith.constant 0 : i32
    %scan3A_7 = arith.constant 0 : i32
    %scan3A_8 = arith.constant 28 : i32
    %scan3A_9 = arith.addi %scan3A_7, %scan3A_8 : i32
    %scan3A_10 = arith.constant 1 : i32
    scf.for %scan3A_37 = %scan3A_7 to %scan3A_9 step %scan3A_10  : i32 {
      "tpu.region"() ({
        %run_scoped3A = tpu.sem_alloc : memref<!tpu.dma_semaphore, #tpu.memory_space<semaphore_mem>>
        %dma_start3A = arith.constant 0 : i32
        %dma_start3A_38 = tpu.memref_slice %arg6[%scan3A_37, %dma_start3A] : memref<28x128xi32, #tpu.memory_space<vmem>> -> memref<1x128xi32, #tpu.memory_space<vmem>>
        %dma_start3A_39 = tpu.memref_squeeze %dma_start3A_38 : memref<1x128xi32, #tpu.memory_space<vmem>> -> memref<128xi32, #tpu.memory_space<vmem>>
        %dma_start3A_40 = arith.constant 0 : i32
        %dma_start3A_41 = arith.constant 0 : i32
        %dma_start3A_42 = tpu.memref_slice %arg8[%dma_start3A_40, %dma_start3A_41] : memref<10240x16xf32, #tpu.memory_space<vmem_shared>> -> memref<10240x16xf32, #tpu.memory_space<vmem_shared>>
        tpu.enqueue_indirect_dma source(%arg7 : memref<128x16xf32, #tpu.memory_space<vmem>>) target(%dma_start3A_42 : memref<10240x16xf32, #tpu.memory_space<vmem_shared>>) offsets(%dma_start3A_39 : memref<128xi32, #tpu.memory_space<vmem>>) semaphore(%run_scoped3A : memref<!tpu.dma_semaphore, #tpu.memory_space<semaphore_mem>>) {add = true}
        %dma_wait3A = arith.constant 0 : i32
        %dma_wait3A_43 = tpu.memref_slice %arg6[%scan3A_37, %dma_wait3A] : memref<28x128xi32, #tpu.memory_space<vmem>> -> memref<1x128xi32, #tpu.memory_space<vmem>>
        %dma_wait3A_44 = tpu.memref_squeeze %dma_wait3A_43 : memref<1x128xi32, #tpu.memory_space<vmem>> -> memref<128xi32, #tpu.memory_space<vmem>>
        %dma_wait3A_45 = arith.constant 0 : i32
        %dma_wait3A_46 = arith.constant 0 : i32
        %dma_wait3A_47 = tpu.memref_slice %arg8[%dma_wait3A_45, %dma_wait3A_46] : memref<10240x16xf32, #tpu.memory_space<vmem_shared>> -> memref<10240x16xf32, #tpu.memory_space<vmem_shared>>
        tpu.wait_indirect_dma semaphore(%run_scoped3A : memref<!tpu.dma_semaphore, #tpu.memory_space<semaphore_mem>>) src(%arg7 : memref<128x16xf32, #tpu.memory_space<vmem>>) dst(%dma_wait3A_47 : memref<10240x16xf32, #tpu.memory_space<vmem_shared>>)
        tpu.yield
      }) : () -> ()
    }
    %scan3A_11 = arith.constant 28 : i32
    %mul3A_12 = arith.constant 3 : i32
    %mul3A_13 = arith.muli %add3A, %mul3A_12 : i32
    %add3A_14 = arith.constant 1 : i32
    %add3A_15 = arith.addi %mul3A_13, %add3A_14 : i32
    "tpu.region"() ({
      %run_scoped3A = tpu.sem_alloc : memref<!tpu.dma_semaphore, #tpu.memory_space<semaphore_mem>>
      %dma_start3A = arith.constant 0 : i32
      %dma_start3A_37 = arith.constant 0 : i32
      %dma_start3A_38 = tpu.memref_slice %arg2[%add3A_15, %dma_start3A, %dma_start3A_37] : memref<96x28x128xi32, #tpu.memory_space<hbm>> -> memref<1x28x128xi32, #tpu.memory_space<hbm>>
      %dma_start3A_39 = tpu.memref_squeeze %dma_start3A_38 : memref<1x28x128xi32, #tpu.memory_space<hbm>> -> memref<28x128xi32, #tpu.memory_space<hbm>>
      %dma_start3A_40 = arith.constant 0 : i32
      %dma_start3A_41 = arith.constant 0 : i32
      %dma_start3A_42 = tpu.memref_slice %arg2[%add3A_15, %dma_start3A_40, %dma_start3A_41] : memref<96x28x128xi32, #tpu.memory_space<hbm>> -> memref<1x28x128xi32, #tpu.memory_space<hbm>>
      %dma_start3A_43 = tpu.memref_squeeze %dma_start3A_42 : memref<1x28x128xi32, #tpu.memory_space<hbm>> -> memref<28x128xi32, #tpu.memory_space<hbm>>
      tpu.enqueue_dma source(%dma_start3A_43 : memref<28x128xi32, #tpu.memory_space<hbm>>) target(%arg6 : memref<28x128xi32, #tpu.memory_space<vmem>>) target_semaphore(%run_scoped3A : memref<!tpu.dma_semaphore, #tpu.memory_space<semaphore_mem>>)
      %dma_wait3A = arith.constant 0 : i32
      %dma_wait3A_44 = arith.constant 0 : i32
      %dma_wait3A_45 = tpu.memref_slice %arg2[%add3A_15, %dma_wait3A, %dma_wait3A_44] : memref<96x28x128xi32, #tpu.memory_space<hbm>> -> memref<1x28x128xi32, #tpu.memory_space<hbm>>
      %dma_wait3A_46 = tpu.memref_squeeze %dma_wait3A_45 : memref<1x28x128xi32, #tpu.memory_space<hbm>> -> memref<28x128xi32, #tpu.memory_space<hbm>>
      %dma_wait3A_47 = arith.constant 0 : i32
      %dma_wait3A_48 = arith.constant 0 : i32
      %dma_wait3A_49 = tpu.memref_slice %arg2[%add3A_15, %dma_wait3A_47, %dma_wait3A_48] : memref<96x28x128xi32, #tpu.memory_space<hbm>> -> memref<1x28x128xi32, #tpu.memory_space<hbm>>
      %dma_wait3A_50 = tpu.memref_squeeze %dma_wait3A_49 : memref<1x28x128xi32, #tpu.memory_space<hbm>> -> memref<28x128xi32, #tpu.memory_space<hbm>>
      tpu.wait_dma2 semaphore(%run_scoped3A : memref<!tpu.dma_semaphore, #tpu.memory_space<semaphore_mem>>) src(%dma_wait3A_50 : memref<28x128xi32, #tpu.memory_space<hbm>>) dst(%arg6 : memref<28x128xi32, #tpu.memory_space<vmem>>)
      tpu.yield
    }) : () -> ()
    %scan3A_16 = arith.constant 0 : i32
    %scan3A_17 = arith.constant 0 : i32
    %scan3A_18 = arith.constant 28 : i32
    %scan3A_19 = arith.addi %scan3A_17, %scan3A_18 : i32
    %scan3A_20 = arith.constant 1 : i32
    scf.for %scan3A_37 = %scan3A_17 to %scan3A_19 step %scan3A_20  : i32 {
      "tpu.region"() ({
        %run_scoped3A = tpu.sem_alloc : memref<!tpu.dma_semaphore, #tpu.memory_space<semaphore_mem>>
        %dma_start3A = arith.constant 0 : i32
        %dma_start3A_38 = tpu.memref_slice %arg6[%scan3A_37, %dma_start3A] : memref<28x128xi32, #tpu.memory_space<vmem>> -> memref<1x128xi32, #tpu.memory_space<vmem>>
        %dma_start3A_39 = tpu.memref_squeeze %dma_start3A_38 : memref<1x128xi32, #tpu.memory_space<vmem>> -> memref<128xi32, #tpu.memory_space<vmem>>
        %dma_start3A_40 = arith.constant 0 : i32
        %dma_start3A_41 = arith.constant 0 : i32
        %dma_start3A_42 = tpu.memref_slice %arg8[%dma_start3A_40, %dma_start3A_41] : memref<10240x16xf32, #tpu.memory_space<vmem_shared>> -> memref<10240x16xf32, #tpu.memory_space<vmem_shared>>
        tpu.enqueue_indirect_dma source(%arg7 : memref<128x16xf32, #tpu.memory_space<vmem>>) target(%dma_start3A_42 : memref<10240x16xf32, #tpu.memory_space<vmem_shared>>) offsets(%dma_start3A_39 : memref<128xi32, #tpu.memory_space<vmem>>) semaphore(%run_scoped3A : memref<!tpu.dma_semaphore, #tpu.memory_space<semaphore_mem>>) {add = true}
        %dma_wait3A = arith.constant 0 : i32
        %dma_wait3A_43 = tpu.memref_slice %arg6[%scan3A_37, %dma_wait3A] : memref<28x128xi32, #tpu.memory_space<vmem>> -> memref<1x128xi32, #tpu.memory_space<vmem>>
        %dma_wait3A_44 = tpu.memref_squeeze %dma_wait3A_43 : memref<1x128xi32, #tpu.memory_space<vmem>> -> memref<128xi32, #tpu.memory_space<vmem>>
        %dma_wait3A_45 = arith.constant 0 : i32
        %dma_wait3A_46 = arith.constant 0 : i32
        %dma_wait3A_47 = tpu.memref_slice %arg8[%dma_wait3A_45, %dma_wait3A_46] : memref<10240x16xf32, #tpu.memory_space<vmem_shared>> -> memref<10240x16xf32, #tpu.memory_space<vmem_shared>>
        tpu.wait_indirect_dma semaphore(%run_scoped3A : memref<!tpu.dma_semaphore, #tpu.memory_space<semaphore_mem>>) src(%arg7 : memref<128x16xf32, #tpu.memory_space<vmem>>) dst(%dma_wait3A_47 : memref<10240x16xf32, #tpu.memory_space<vmem_shared>>)
        tpu.yield
      }) : () -> ()
    }
    %scan3A_21 = arith.constant 28 : i32
    %mul3A_22 = arith.constant 3 : i32
    %mul3A_23 = arith.muli %add3A, %mul3A_22 : i32
    %add3A_24 = arith.constant 2 : i32
    %add3A_25 = arith.addi %mul3A_23, %add3A_24 : i32
    "tpu.region"() ({
      %run_scoped3A = tpu.sem_alloc : memref<!tpu.dma_semaphore, #tpu.memory_space<semaphore_mem>>
      %dma_start3A = arith.constant 0 : i32
      %dma_start3A_37 = arith.constant 0 : i32
      %dma_start3A_38 = tpu.memref_slice %arg2[%add3A_25, %dma_start3A, %dma_start3A_37] : memref<96x28x128xi32, #tpu.memory_space<hbm>> -> memref<1x28x128xi32, #tpu.memory_space<hbm>>
      %dma_start3A_39 = tpu.memref_squeeze %dma_start3A_38 : memref<1x28x128xi32, #tpu.memory_space<hbm>> -> memref<28x128xi32, #tpu.memory_space<hbm>>
      %dma_start3A_40 = arith.constant 0 : i32
      %dma_start3A_41 = arith.constant 0 : i32
      %dma_start3A_42 = tpu.memref_slice %arg2[%add3A_25, %dma_start3A_40, %dma_start3A_41] : memref<96x28x128xi32, #tpu.memory_space<hbm>> -> memref<1x28x128xi32, #tpu.memory_space<hbm>>
      %dma_start3A_43 = tpu.memref_squeeze %dma_start3A_42 : memref<1x28x128xi32, #tpu.memory_space<hbm>> -> memref<28x128xi32, #tpu.memory_space<hbm>>
      tpu.enqueue_dma source(%dma_start3A_43 : memref<28x128xi32, #tpu.memory_space<hbm>>) target(%arg6 : memref<28x128xi32, #tpu.memory_space<vmem>>) target_semaphore(%run_scoped3A : memref<!tpu.dma_semaphore, #tpu.memory_space<semaphore_mem>>)
      %dma_wait3A = arith.constant 0 : i32
      %dma_wait3A_44 = arith.constant 0 : i32
      %dma_wait3A_45 = tpu.memref_slice %arg2[%add3A_25, %dma_wait3A, %dma_wait3A_44] : memref<96x28x128xi32, #tpu.memory_space<hbm>> -> memref<1x28x128xi32, #tpu.memory_space<hbm>>
      %dma_wait3A_46 = tpu.memref_squeeze %dma_wait3A_45 : memref<1x28x128xi32, #tpu.memory_space<hbm>> -> memref<28x128xi32, #tpu.memory_space<hbm>>
      %dma_wait3A_47 = arith.constant 0 : i32
      %dma_wait3A_48 = arith.constant 0 : i32
      %dma_wait3A_49 = tpu.memref_slice %arg2[%add3A_25, %dma_wait3A_47, %dma_wait3A_48] : memref<96x28x128xi32, #tpu.memory_space<hbm>> -> memref<1x28x128xi32, #tpu.memory_space<hbm>>
      %dma_wait3A_50 = tpu.memref_squeeze %dma_wait3A_49 : memref<1x28x128xi32, #tpu.memory_space<hbm>> -> memref<28x128xi32, #tpu.memory_space<hbm>>
      tpu.wait_dma2 semaphore(%run_scoped3A : memref<!tpu.dma_semaphore, #tpu.memory_space<semaphore_mem>>) src(%dma_wait3A_50 : memref<28x128xi32, #tpu.memory_space<hbm>>) dst(%arg6 : memref<28x128xi32, #tpu.memory_space<vmem>>)
      tpu.yield
    }) : () -> ()
    %scan3A_26 = arith.constant 0 : i32
    %scan3A_27 = arith.constant 0 : i32
    %scan3A_28 = arith.constant 28 : i32
    %scan3A_29 = arith.addi %scan3A_27, %scan3A_28 : i32
    %scan3A_30 = arith.constant 1 : i32
    scf.for %scan3A_37 = %scan3A_27 to %scan3A_29 step %scan3A_30  : i32 {
      "tpu.region"() ({
        %run_scoped3A = tpu.sem_alloc : memref<!tpu.dma_semaphore, #tpu.memory_space<semaphore_mem>>
        %dma_start3A = arith.constant 0 : i32
        %dma_start3A_38 = tpu.memref_slice %arg6[%scan3A_37, %dma_start3A] : memref<28x128xi32, #tpu.memory_space<vmem>> -> memref<1x128xi32, #tpu.memory_space<vmem>>
        %dma_start3A_39 = tpu.memref_squeeze %dma_start3A_38 : memref<1x128xi32, #tpu.memory_space<vmem>> -> memref<128xi32, #tpu.memory_space<vmem>>
        %dma_start3A_40 = arith.constant 0 : i32
        %dma_start3A_41 = arith.constant 0 : i32
        %dma_start3A_42 = tpu.memref_slice %arg8[%dma_start3A_40, %dma_start3A_41] : memref<10240x16xf32, #tpu.memory_space<vmem_shared>> -> memref<10240x16xf32, #tpu.memory_space<vmem_shared>>
        tpu.enqueue_indirect_dma source(%arg7 : memref<128x16xf32, #tpu.memory_space<vmem>>) target(%dma_start3A_42 : memref<10240x16xf32, #tpu.memory_space<vmem_shared>>) offsets(%dma_start3A_39 : memref<128xi32, #tpu.memory_space<vmem>>) semaphore(%run_scoped3A : memref<!tpu.dma_semaphore, #tpu.memory_space<semaphore_mem>>) {add = true}
        %dma_wait3A = arith.constant 0 : i32
        %dma_wait3A_43 = tpu.memref_slice %arg6[%scan3A_37, %dma_wait3A] : memref<28x128xi32, #tpu.memory_space<vmem>> -> memref<1x128xi32, #tpu.memory_space<vmem>>
        %dma_wait3A_44 = tpu.memref_squeeze %dma_wait3A_43 : memref<1x128xi32, #tpu.memory_space<vmem>> -> memref<128xi32, #tpu.memory_space<vmem>>
        %dma_wait3A_45 = arith.constant 0 : i32
        %dma_wait3A_46 = arith.constant 0 : i32
        %dma_wait3A_47 = tpu.memref_slice %arg8[%dma_wait3A_45, %dma_wait3A_46] : memref<10240x16xf32, #tpu.memory_space<vmem_shared>> -> memref<10240x16xf32, #tpu.memory_space<vmem_shared>>
        tpu.wait_indirect_dma semaphore(%run_scoped3A : memref<!tpu.dma_semaphore, #tpu.memory_space<semaphore_mem>>) src(%arg7 : memref<128x16xf32, #tpu.memory_space<vmem>>) dst(%dma_wait3A_47 : memref<10240x16xf32, #tpu.memory_space<vmem_shared>>)
        tpu.yield
      }) : () -> ()
    }
    %scan3A_31 = arith.constant 28 : i32
    %barrier3A_32 = arith.constant 0 : index
    tpu.barrier barrier_id(%barrier3A_32)
    %mul3A_33 = arith.constant 640 : i32
    %mul3A_34 = arith.muli %arg1, %mul3A_33 : i32
    %mul3A_35 = arith.constant 640 : i32
    %mul3A_36 = arith.muli %arg1, %mul3A_35 : i32
    "tpu.region"() ({
      %run_scoped3A = tpu.sem_alloc : memref<!tpu.dma_semaphore, #tpu.memory_space<semaphore_mem>>
      %dma_start3A = arith.constant 0 : i32
      %dma_start3A_37 = tpu.memref_slice %arg5[%arg0, %mul3A_36, %dma_start3A] : memref<2x10240x16xf32, #tpu.memory_space<hbm>> -> memref<1x640x16xf32, #tpu.memory_space<hbm>>
      %dma_start3A_38 = tpu.memref_squeeze %dma_start3A_37 : memref<1x640x16xf32, #tpu.memory_space<hbm>> -> memref<640x16xf32, #tpu.memory_space<hbm>>
      %dma_start3A_39 = arith.constant 0 : i32
      %dma_start3A_40 = tpu.memref_slice %arg8[%mul3A_34, %dma_start3A_39] : memref<10240x16xf32, #tpu.memory_space<vmem_shared>> -> memref<640x16xf32, #tpu.memory_space<vmem_shared>>
      tpu.enqueue_dma source(%dma_start3A_40 : memref<640x16xf32, #tpu.memory_space<vmem_shared>>) target(%dma_start3A_38 : memref<640x16xf32, #tpu.memory_space<hbm>>) target_semaphore(%run_scoped3A : memref<!tpu.dma_semaphore, #tpu.memory_space<semaphore_mem>>)
      %dma_wait3A = arith.constant 0 : i32
      %dma_wait3A_41 = tpu.memref_slice %arg5[%arg0, %mul3A_36, %dma_wait3A] : memref<2x10240x16xf32, #tpu.memory_space<hbm>> -> memref<1x640x16xf32, #tpu.memory_space<hbm>>
      %dma_wait3A_42 = tpu.memref_squeeze %dma_wait3A_41 : memref<1x640x16xf32, #tpu.memory_space<hbm>> -> memref<640x16xf32, #tpu.memory_space<hbm>>
      %dma_wait3A_43 = arith.constant 0 : i32
      %dma_wait3A_44 = tpu.memref_slice %arg8[%mul3A_34, %dma_wait3A_43] : memref<10240x16xf32, #tpu.memory_space<vmem_shared>> -> memref<640x16xf32, #tpu.memory_space<vmem_shared>>
      tpu.wait_dma2 semaphore(%run_scoped3A : memref<!tpu.dma_semaphore, #tpu.memory_space<semaphore_mem>>) src(%dma_wait3A_44 : memref<640x16xf32, #tpu.memory_space<vmem_shared>>) dst(%dma_wait3A_42 : memref<640x16xf32, #tpu.memory_space<hbm>>)
      tpu.yield
    }) : () -> ()
    return
  }
}

#map = affine_map<(d0, d1) -> (0, 0)>
#map1 = affine_map<(d0, d1) -> (0, 0, 0)>
module attributes {stable_mosaic.version = 14 : i64} {
  func.func @body(%arg0: i32, %arg1: i32, %arg2: memref<10000x128xf32, #tpu.memory_space<hbm>>, %arg3: memref<96x28x128xi32, #tpu.memory_space<hbm>>, %arg4: memref<96x28x128xi32, #tpu.memory_space<hbm>>, %arg5: memref<640x128xf32, #tpu.memory_space<hbm>>, %arg6: memref<2x10240x128xf32, #tpu.memory_space<hbm>>, %arg7: memref<28x128xi32, #tpu.memory_space<vmem>>, %arg8: memref<28x128xi32, #tpu.memory_space<vmem>>, %arg9: memref<128x128xf32, #tpu.memory_space<vmem>>, %arg10: memref<128x128xf32, #tpu.memory_space<vmem>>, %arg11: memref<!tpu.dma_semaphore, #tpu.memory_space<semaphore_mem>>, %arg12: memref<!tpu.dma_semaphore, #tpu.memory_space<semaphore_mem>>, %arg13: memref<10240x128xf32, #tpu.memory_space<vmem_shared>>) attributes {dimension_semantics = [#tpu.dimension_semantics<core_parallel>, #tpu.dimension_semantics<subcore_parallel>], iteration_bounds = array<i64: 2, 16>, scalar_prefetch = 0 : i64, scratch_operands = 7 : i64, tpu.core_type = #tpu.core_type<sc_vector_subcore>, window_params = [{transform_indices = #map}, {transform_indices = #map1}, {transform_indices = #map1}, {transform_indices = #map}, {transform_indices = #map1}]} {
    %mul3A = arith.constant 16 : i32
    %mul3A_0 = arith.muli %arg0, %mul3A : i32
    %add3A = arith.addi %mul3A_0, %arg1 : i32
    %mul3A_1 = arith.constant 640 : i32
    %mul3A_2 = arith.muli %arg1, %mul3A_1 : i32
    "tpu.region"() ({
      %run_scoped3A_136 = tpu.sem_alloc : memref<!tpu.dma_semaphore, #tpu.memory_space<semaphore_mem>>
      %dma_start3A_137 = arith.constant 0 : i32
      %dma_start3A_138 = tpu.memref_slice %arg13[%mul3A_2, %dma_start3A_137] : memref<10240x128xf32, #tpu.memory_space<vmem_shared>> -> memref<640x128xf32, #tpu.memory_space<vmem_shared>>
      tpu.enqueue_dma source(%arg5 : memref<640x128xf32, #tpu.memory_space<hbm>>) target(%dma_start3A_138 : memref<640x128xf32, #tpu.memory_space<vmem_shared>>) target_semaphore(%run_scoped3A_136 : memref<!tpu.dma_semaphore, #tpu.memory_space<semaphore_mem>>)
      %dma_wait3A_139 = arith.constant 0 : i32
      %dma_wait3A_140 = tpu.memref_slice %arg13[%mul3A_2, %dma_wait3A_139] : memref<10240x128xf32, #tpu.memory_space<vmem_shared>> -> memref<640x128xf32, #tpu.memory_space<vmem_shared>>
      tpu.wait_dma2 semaphore(%run_scoped3A_136 : memref<!tpu.dma_semaphore, #tpu.memory_space<semaphore_mem>>) src(%arg5 : memref<640x128xf32, #tpu.memory_space<hbm>>) dst(%dma_wait3A_140 : memref<640x128xf32, #tpu.memory_space<vmem_shared>>)
      tpu.yield
    }) : () -> ()
    %barrier3A = arith.constant 0 : index
    tpu.barrier barrier_id(%barrier3A)
    %mul3A_3 = arith.constant 3 : i32
    %mul3A_4 = arith.muli %add3A, %mul3A_3 : i32
    %add3A_5 = arith.constant 0 : i32
    %add3A_6 = arith.addi %mul3A_4, %add3A_5 : i32
    "tpu.region"() ({
      %run_scoped3A_136 = tpu.sem_alloc : memref<!tpu.dma_semaphore, #tpu.memory_space<semaphore_mem>>
      %dma_start3A_137 = arith.constant 0 : i32
      %dma_start3A_138 = arith.constant 0 : i32
      %dma_start3A_139 = tpu.memref_slice %arg3[%add3A_6, %dma_start3A_137, %dma_start3A_138] : memref<96x28x128xi32, #tpu.memory_space<hbm>> -> memref<1x28x128xi32, #tpu.memory_space<hbm>>
      %dma_start3A_140 = tpu.memref_squeeze %dma_start3A_139 : memref<1x28x128xi32, #tpu.memory_space<hbm>> -> memref<28x128xi32, #tpu.memory_space<hbm>>
      %dma_start3A_141 = arith.constant 0 : i32
      %dma_start3A_142 = arith.constant 0 : i32
      %dma_start3A_143 = tpu.memref_slice %arg3[%add3A_6, %dma_start3A_141, %dma_start3A_142] : memref<96x28x128xi32, #tpu.memory_space<hbm>> -> memref<1x28x128xi32, #tpu.memory_space<hbm>>
      %dma_start3A_144 = tpu.memref_squeeze %dma_start3A_143 : memref<1x28x128xi32, #tpu.memory_space<hbm>> -> memref<28x128xi32, #tpu.memory_space<hbm>>
      tpu.enqueue_dma source(%dma_start3A_144 : memref<28x128xi32, #tpu.memory_space<hbm>>) target(%arg7 : memref<28x128xi32, #tpu.memory_space<vmem>>) target_semaphore(%run_scoped3A_136 : memref<!tpu.dma_semaphore, #tpu.memory_space<semaphore_mem>>)
      %dma_wait3A_145 = arith.constant 0 : i32
      %dma_wait3A_146 = arith.constant 0 : i32
      %dma_wait3A_147 = tpu.memref_slice %arg3[%add3A_6, %dma_wait3A_145, %dma_wait3A_146] : memref<96x28x128xi32, #tpu.memory_space<hbm>> -> memref<1x28x128xi32, #tpu.memory_space<hbm>>
      %dma_wait3A_148 = tpu.memref_squeeze %dma_wait3A_147 : memref<1x28x128xi32, #tpu.memory_space<hbm>> -> memref<28x128xi32, #tpu.memory_space<hbm>>
      %dma_wait3A_149 = arith.constant 0 : i32
      %dma_wait3A_150 = arith.constant 0 : i32
      %dma_wait3A_151 = tpu.memref_slice %arg3[%add3A_6, %dma_wait3A_149, %dma_wait3A_150] : memref<96x28x128xi32, #tpu.memory_space<hbm>> -> memref<1x28x128xi32, #tpu.memory_space<hbm>>
      %dma_wait3A_152 = tpu.memref_squeeze %dma_wait3A_151 : memref<1x28x128xi32, #tpu.memory_space<hbm>> -> memref<28x128xi32, #tpu.memory_space<hbm>>
      tpu.wait_dma2 semaphore(%run_scoped3A_136 : memref<!tpu.dma_semaphore, #tpu.memory_space<semaphore_mem>>) src(%dma_wait3A_152 : memref<28x128xi32, #tpu.memory_space<hbm>>) dst(%arg7 : memref<28x128xi32, #tpu.memory_space<vmem>>)
      tpu.yield
    }) : () -> ()
    %mul3A_7 = arith.constant 3 : i32
    %mul3A_8 = arith.muli %add3A, %mul3A_7 : i32
    %add3A_9 = arith.constant 0 : i32
    %add3A_10 = arith.addi %mul3A_8, %add3A_9 : i32
    "tpu.region"() ({
      %run_scoped3A_136 = tpu.sem_alloc : memref<!tpu.dma_semaphore, #tpu.memory_space<semaphore_mem>>
      %dma_start3A_137 = arith.constant 0 : i32
      %dma_start3A_138 = arith.constant 0 : i32
      %dma_start3A_139 = tpu.memref_slice %arg4[%add3A_10, %dma_start3A_137, %dma_start3A_138] : memref<96x28x128xi32, #tpu.memory_space<hbm>> -> memref<1x28x128xi32, #tpu.memory_space<hbm>>
      %dma_start3A_140 = tpu.memref_squeeze %dma_start3A_139 : memref<1x28x128xi32, #tpu.memory_space<hbm>> -> memref<28x128xi32, #tpu.memory_space<hbm>>
      %dma_start3A_141 = arith.constant 0 : i32
      %dma_start3A_142 = arith.constant 0 : i32
      %dma_start3A_143 = tpu.memref_slice %arg4[%add3A_10, %dma_start3A_141, %dma_start3A_142] : memref<96x28x128xi32, #tpu.memory_space<hbm>> -> memref<1x28x128xi32, #tpu.memory_space<hbm>>
      %dma_start3A_144 = tpu.memref_squeeze %dma_start3A_143 : memref<1x28x128xi32, #tpu.memory_space<hbm>> -> memref<28x128xi32, #tpu.memory_space<hbm>>
      tpu.enqueue_dma source(%dma_start3A_144 : memref<28x128xi32, #tpu.memory_space<hbm>>) target(%arg8 : memref<28x128xi32, #tpu.memory_space<vmem>>) target_semaphore(%run_scoped3A_136 : memref<!tpu.dma_semaphore, #tpu.memory_space<semaphore_mem>>)
      %dma_wait3A_145 = arith.constant 0 : i32
      %dma_wait3A_146 = arith.constant 0 : i32
      %dma_wait3A_147 = tpu.memref_slice %arg4[%add3A_10, %dma_wait3A_145, %dma_wait3A_146] : memref<96x28x128xi32, #tpu.memory_space<hbm>> -> memref<1x28x128xi32, #tpu.memory_space<hbm>>
      %dma_wait3A_148 = tpu.memref_squeeze %dma_wait3A_147 : memref<1x28x128xi32, #tpu.memory_space<hbm>> -> memref<28x128xi32, #tpu.memory_space<hbm>>
      %dma_wait3A_149 = arith.constant 0 : i32
      %dma_wait3A_150 = arith.constant 0 : i32
      %dma_wait3A_151 = tpu.memref_slice %arg4[%add3A_10, %dma_wait3A_149, %dma_wait3A_150] : memref<96x28x128xi32, #tpu.memory_space<hbm>> -> memref<1x28x128xi32, #tpu.memory_space<hbm>>
      %dma_wait3A_152 = tpu.memref_squeeze %dma_wait3A_151 : memref<1x28x128xi32, #tpu.memory_space<hbm>> -> memref<28x128xi32, #tpu.memory_space<hbm>>
      tpu.wait_dma2 semaphore(%run_scoped3A_136 : memref<!tpu.dma_semaphore, #tpu.memory_space<semaphore_mem>>) src(%dma_wait3A_152 : memref<28x128xi32, #tpu.memory_space<hbm>>) dst(%arg8 : memref<28x128xi32, #tpu.memory_space<vmem>>)
      tpu.yield
    }) : () -> ()
    %dma_start3A = arith.constant 0 : i32
    %dma_start3A_11 = arith.constant 0 : i32
    %dma_start3A_12 = tpu.memref_slice %arg7[%dma_start3A, %dma_start3A_11] : memref<28x128xi32, #tpu.memory_space<vmem>> -> memref<1x128xi32, #tpu.memory_space<vmem>>
    %dma_start3A_13 = tpu.memref_squeeze %dma_start3A_12 : memref<1x128xi32, #tpu.memory_space<vmem>> -> memref<128xi32, #tpu.memory_space<vmem>>
    %dma_start3A_14 = arith.constant 0 : i32
    %dma_start3A_15 = arith.constant 0 : i32
    %dma_start3A_16 = tpu.memref_slice %arg2[%dma_start3A_14, %dma_start3A_15] : memref<10000x128xf32, #tpu.memory_space<hbm>> -> memref<10000x128xf32, #tpu.memory_space<hbm>>
    tpu.enqueue_indirect_dma source(%dma_start3A_16 : memref<10000x128xf32, #tpu.memory_space<hbm>>) target(%arg9 : memref<128x128xf32, #tpu.memory_space<vmem>>) offsets(%dma_start3A_13 : memref<128xi32, #tpu.memory_space<vmem>>) semaphore(%arg11 : memref<!tpu.dma_semaphore, #tpu.memory_space<semaphore_mem>>)
    %dma_start3A_17 = arith.constant 1 : i32
    %dma_start3A_18 = arith.constant 0 : i32
    %dma_start3A_19 = tpu.memref_slice %arg7[%dma_start3A_17, %dma_start3A_18] : memref<28x128xi32, #tpu.memory_space<vmem>> -> memref<1x128xi32, #tpu.memory_space<vmem>>
    %dma_start3A_20 = tpu.memref_squeeze %dma_start3A_19 : memref<1x128xi32, #tpu.memory_space<vmem>> -> memref<128xi32, #tpu.memory_space<vmem>>
    %dma_start3A_21 = arith.constant 0 : i32
    %dma_start3A_22 = arith.constant 0 : i32
    %dma_start3A_23 = tpu.memref_slice %arg2[%dma_start3A_21, %dma_start3A_22] : memref<10000x128xf32, #tpu.memory_space<hbm>> -> memref<10000x128xf32, #tpu.memory_space<hbm>>
    tpu.enqueue_indirect_dma source(%dma_start3A_23 : memref<10000x128xf32, #tpu.memory_space<hbm>>) target(%arg10 : memref<128x128xf32, #tpu.memory_space<vmem>>) offsets(%dma_start3A_20 : memref<128xi32, #tpu.memory_space<vmem>>) semaphore(%arg12 : memref<!tpu.dma_semaphore, #tpu.memory_space<semaphore_mem>>)
    %scan3A = arith.constant 0 : i32
    %scan3A_24 = arith.constant 0 : i32
    %scan3A_25 = arith.constant 13 : i32
    %scan3A_26 = arith.addi %scan3A_24, %scan3A_25 : i32
    %scan3A_27 = arith.constant 1 : i32
    scf.for %scan3A_136 = %scan3A_24 to %scan3A_26 step %scan3A_27  : i32 {
      %mul3A_137 = arith.constant 2 : i32
      %mul3A_138 = arith.muli %scan3A_136, %mul3A_137 : i32
      %add3A_139 = arith.constant 0 : i32
      %add3A_140 = arith.addi %mul3A_138, %add3A_139 : i32
      %dma_wait3A_141 = arith.constant 0 : i32
      %dma_wait3A_142 = tpu.memref_slice %arg7[%add3A_140, %dma_wait3A_141] : memref<28x128xi32, #tpu.memory_space<vmem>> -> memref<1x128xi32, #tpu.memory_space<vmem>>
      %dma_wait3A_143 = tpu.memref_squeeze %dma_wait3A_142 : memref<1x128xi32, #tpu.memory_space<vmem>> -> memref<128xi32, #tpu.memory_space<vmem>>
      %dma_wait3A_144 = arith.constant 0 : i32
      %dma_wait3A_145 = arith.constant 0 : i32
      %dma_wait3A_146 = tpu.memref_slice %arg2[%dma_wait3A_144, %dma_wait3A_145] : memref<10000x128xf32, #tpu.memory_space<hbm>> -> memref<10000x128xf32, #tpu.memory_space<hbm>>
      tpu.wait_indirect_dma semaphore(%arg11 : memref<!tpu.dma_semaphore, #tpu.memory_space<semaphore_mem>>) src(%dma_wait3A_146 : memref<10000x128xf32, #tpu.memory_space<hbm>>) dst(%arg9 : memref<128x128xf32, #tpu.memory_space<vmem>>)
      "tpu.region"() ({
        %run_scoped3A_173 = tpu.sem_alloc : memref<!tpu.dma_semaphore, #tpu.memory_space<semaphore_mem>>
        %dma_start3A_174 = arith.constant 0 : i32
        %dma_start3A_175 = tpu.memref_slice %arg8[%add3A_140, %dma_start3A_174] : memref<28x128xi32, #tpu.memory_space<vmem>> -> memref<1x128xi32, #tpu.memory_space<vmem>>
        %dma_start3A_176 = tpu.memref_squeeze %dma_start3A_175 : memref<1x128xi32, #tpu.memory_space<vmem>> -> memref<128xi32, #tpu.memory_space<vmem>>
        %dma_start3A_177 = arith.constant 0 : i32
        %dma_start3A_178 = arith.constant 0 : i32
        %dma_start3A_179 = tpu.memref_slice %arg13[%dma_start3A_177, %dma_start3A_178] : memref<10240x128xf32, #tpu.memory_space<vmem_shared>> -> memref<10240x128xf32, #tpu.memory_space<vmem_shared>>
        tpu.enqueue_indirect_dma source(%arg9 : memref<128x128xf32, #tpu.memory_space<vmem>>) target(%dma_start3A_179 : memref<10240x128xf32, #tpu.memory_space<vmem_shared>>) offsets(%dma_start3A_176 : memref<128xi32, #tpu.memory_space<vmem>>) semaphore(%run_scoped3A_173 : memref<!tpu.dma_semaphore, #tpu.memory_space<semaphore_mem>>) {add = true}
        %dma_wait3A_180 = arith.constant 0 : i32
        %dma_wait3A_181 = tpu.memref_slice %arg8[%add3A_140, %dma_wait3A_180] : memref<28x128xi32, #tpu.memory_space<vmem>> -> memref<1x128xi32, #tpu.memory_space<vmem>>
        %dma_wait3A_182 = tpu.memref_squeeze %dma_wait3A_181 : memref<1x128xi32, #tpu.memory_space<vmem>> -> memref<128xi32, #tpu.memory_space<vmem>>
        %dma_wait3A_183 = arith.constant 0 : i32
        %dma_wait3A_184 = arith.constant 0 : i32
        %dma_wait3A_185 = tpu.memref_slice %arg13[%dma_wait3A_183, %dma_wait3A_184] : memref<10240x128xf32, #tpu.memory_space<vmem_shared>> -> memref<10240x128xf32, #tpu.memory_space<vmem_shared>>
        tpu.wait_indirect_dma semaphore(%run_scoped3A_173 : memref<!tpu.dma_semaphore, #tpu.memory_space<semaphore_mem>>) src(%arg9 : memref<128x128xf32, #tpu.memory_space<vmem>>) dst(%dma_wait3A_185 : memref<10240x128xf32, #tpu.memory_space<vmem_shared>>)
        tpu.yield
      }) : () -> ()
      %add3A_147 = arith.constant 2 : i32
      %add3A_148 = arith.addi %add3A_140, %add3A_147 : i32
      %dma_start3A_149 = arith.constant 0 : i32
      %dma_start3A_150 = tpu.memref_slice %arg7[%add3A_148, %dma_start3A_149] : memref<28x128xi32, #tpu.memory_space<vmem>> -> memref<1x128xi32, #tpu.memory_space<vmem>>
      %dma_start3A_151 = tpu.memref_squeeze %dma_start3A_150 : memref<1x128xi32, #tpu.memory_space<vmem>> -> memref<128xi32, #tpu.memory_space<vmem>>
      %dma_start3A_152 = arith.constant 0 : i32
      %dma_start3A_153 = arith.constant 0 : i32
      %dma_start3A_154 = tpu.memref_slice %arg2[%dma_start3A_152, %dma_start3A_153] : memref<10000x128xf32, #tpu.memory_space<hbm>> -> memref<10000x128xf32, #tpu.memory_space<hbm>>
      tpu.enqueue_indirect_dma source(%dma_start3A_154 : memref<10000x128xf32, #tpu.memory_space<hbm>>) target(%arg9 : memref<128x128xf32, #tpu.memory_space<vmem>>) offsets(%dma_start3A_151 : memref<128xi32, #tpu.memory_space<vmem>>) semaphore(%arg11 : memref<!tpu.dma_semaphore, #tpu.memory_space<semaphore_mem>>)
      %mul3A_155 = arith.constant 2 : i32
      %mul3A_156 = arith.muli %scan3A_136, %mul3A_155 : i32
      %add3A_157 = arith.constant 1 : i32
      %add3A_158 = arith.addi %mul3A_156, %add3A_157 : i32
      %dma_wait3A_159 = arith.constant 0 : i32
      %dma_wait3A_160 = tpu.memref_slice %arg7[%add3A_158, %dma_wait3A_159] : memref<28x128xi32, #tpu.memory_space<vmem>> -> memref<1x128xi32, #tpu.memory_space<vmem>>
      %dma_wait3A_161 = tpu.memref_squeeze %dma_wait3A_160 : memref<1x128xi32, #tpu.memory_space<vmem>> -> memref<128xi32, #tpu.memory_space<vmem>>
      %dma_wait3A_162 = arith.constant 0 : i32
      %dma_wait3A_163 = arith.constant 0 : i32
      %dma_wait3A_164 = tpu.memref_slice %arg2[%dma_wait3A_162, %dma_wait3A_163] : memref<10000x128xf32, #tpu.memory_space<hbm>> -> memref<10000x128xf32, #tpu.memory_space<hbm>>
      tpu.wait_indirect_dma semaphore(%arg12 : memref<!tpu.dma_semaphore, #tpu.memory_space<semaphore_mem>>) src(%dma_wait3A_164 : memref<10000x128xf32, #tpu.memory_space<hbm>>) dst(%arg10 : memref<128x128xf32, #tpu.memory_space<vmem>>)
      "tpu.region"() ({
        %run_scoped3A_173 = tpu.sem_alloc : memref<!tpu.dma_semaphore, #tpu.memory_space<semaphore_mem>>
        %dma_start3A_174 = arith.constant 0 : i32
        %dma_start3A_175 = tpu.memref_slice %arg8[%add3A_158, %dma_start3A_174] : memref<28x128xi32, #tpu.memory_space<vmem>> -> memref<1x128xi32, #tpu.memory_space<vmem>>
        %dma_start3A_176 = tpu.memref_squeeze %dma_start3A_175 : memref<1x128xi32, #tpu.memory_space<vmem>> -> memref<128xi32, #tpu.memory_space<vmem>>
        %dma_start3A_177 = arith.constant 0 : i32
        %dma_start3A_178 = arith.constant 0 : i32
        %dma_start3A_179 = tpu.memref_slice %arg13[%dma_start3A_177, %dma_start3A_178] : memref<10240x128xf32, #tpu.memory_space<vmem_shared>> -> memref<10240x128xf32, #tpu.memory_space<vmem_shared>>
        tpu.enqueue_indirect_dma source(%arg10 : memref<128x128xf32, #tpu.memory_space<vmem>>) target(%dma_start3A_179 : memref<10240x128xf32, #tpu.memory_space<vmem_shared>>) offsets(%dma_start3A_176 : memref<128xi32, #tpu.memory_space<vmem>>) semaphore(%run_scoped3A_173 : memref<!tpu.dma_semaphore, #tpu.memory_space<semaphore_mem>>) {add = true}
        %dma_wait3A_180 = arith.constant 0 : i32
        %dma_wait3A_181 = tpu.memref_slice %arg8[%add3A_158, %dma_wait3A_180] : memref<28x128xi32, #tpu.memory_space<vmem>> -> memref<1x128xi32, #tpu.memory_space<vmem>>
        %dma_wait3A_182 = tpu.memref_squeeze %dma_wait3A_181 : memref<1x128xi32, #tpu.memory_space<vmem>> -> memref<128xi32, #tpu.memory_space<vmem>>
        %dma_wait3A_183 = arith.constant 0 : i32
        %dma_wait3A_184 = arith.constant 0 : i32
        %dma_wait3A_185 = tpu.memref_slice %arg13[%dma_wait3A_183, %dma_wait3A_184] : memref<10240x128xf32, #tpu.memory_space<vmem_shared>> -> memref<10240x128xf32, #tpu.memory_space<vmem_shared>>
        tpu.wait_indirect_dma semaphore(%run_scoped3A_173 : memref<!tpu.dma_semaphore, #tpu.memory_space<semaphore_mem>>) src(%arg10 : memref<128x128xf32, #tpu.memory_space<vmem>>) dst(%dma_wait3A_185 : memref<10240x128xf32, #tpu.memory_space<vmem_shared>>)
        tpu.yield
      }) : () -> ()
      %add3A_165 = arith.constant 2 : i32
      %add3A_166 = arith.addi %add3A_158, %add3A_165 : i32
      %dma_start3A_167 = arith.constant 0 : i32
      %dma_start3A_168 = tpu.memref_slice %arg7[%add3A_166, %dma_start3A_167] : memref<28x128xi32, #tpu.memory_space<vmem>> -> memref<1x128xi32, #tpu.memory_space<vmem>>
      %dma_start3A_169 = tpu.memref_squeeze %dma_start3A_168 : memref<1x128xi32, #tpu.memory_space<vmem>> -> memref<128xi32, #tpu.memory_space<vmem>>
      %dma_start3A_170 = arith.constant 0 : i32
      %dma_start3A_171 = arith.constant 0 : i32
      %dma_start3A_172 = tpu.memref_slice %arg2[%dma_start3A_170, %dma_start3A_171] : memref<10000x128xf32, #tpu.memory_space<hbm>> -> memref<10000x128xf32, #tpu.memory_space<hbm>>
      tpu.enqueue_indirect_dma source(%dma_start3A_172 : memref<10000x128xf32, #tpu.memory_space<hbm>>) target(%arg10 : memref<128x128xf32, #tpu.memory_space<vmem>>) offsets(%dma_start3A_169 : memref<128xi32, #tpu.memory_space<vmem>>) semaphore(%arg12 : memref<!tpu.dma_semaphore, #tpu.memory_space<semaphore_mem>>)
    }
    %scan3A_28 = arith.constant 13 : i32
    %dma_wait3A = arith.constant 26 : i32
    %dma_wait3A_29 = arith.constant 0 : i32
    %dma_wait3A_30 = tpu.memref_slice %arg7[%dma_wait3A, %dma_wait3A_29] : memref<28x128xi32, #tpu.memory_space<vmem>> -> memref<1x128xi32, #tpu.memory_space<vmem>>
    %dma_wait3A_31 = tpu.memref_squeeze %dma_wait3A_30 : memref<1x128xi32, #tpu.memory_space<vmem>> -> memref<128xi32, #tpu.memory_space<vmem>>
    %dma_wait3A_32 = arith.constant 0 : i32
    %dma_wait3A_33 = arith.constant 0 : i32
    %dma_wait3A_34 = tpu.memref_slice %arg2[%dma_wait3A_32, %dma_wait3A_33] : memref<10000x128xf32, #tpu.memory_space<hbm>> -> memref<10000x128xf32, #tpu.memory_space<hbm>>
    tpu.wait_indirect_dma semaphore(%arg11 : memref<!tpu.dma_semaphore, #tpu.memory_space<semaphore_mem>>) src(%dma_wait3A_34 : memref<10000x128xf32, #tpu.memory_space<hbm>>) dst(%arg9 : memref<128x128xf32, #tpu.memory_space<vmem>>)
    %run_scoped3A = arith.constant 26 : i32
    "tpu.region"() ({
      %run_scoped3A_136 = tpu.sem_alloc : memref<!tpu.dma_semaphore, #tpu.memory_space<semaphore_mem>>
      %dma_start3A_137 = arith.constant 0 : i32
      %dma_start3A_138 = tpu.memref_slice %arg8[%run_scoped3A, %dma_start3A_137] : memref<28x128xi32, #tpu.memory_space<vmem>> -> memref<1x128xi32, #tpu.memory_space<vmem>>
      %dma_start3A_139 = tpu.memref_squeeze %dma_start3A_138 : memref<1x128xi32, #tpu.memory_space<vmem>> -> memref<128xi32, #tpu.memory_space<vmem>>
      %dma_start3A_140 = arith.constant 0 : i32
      %dma_start3A_141 = arith.constant 0 : i32
      %dma_start3A_142 = tpu.memref_slice %arg13[%dma_start3A_140, %dma_start3A_141] : memref<10240x128xf32, #tpu.memory_space<vmem_shared>> -> memref<10240x128xf32, #tpu.memory_space<vmem_shared>>
      tpu.enqueue_indirect_dma source(%arg9 : memref<128x128xf32, #tpu.memory_space<vmem>>) target(%dma_start3A_142 : memref<10240x128xf32, #tpu.memory_space<vmem_shared>>) offsets(%dma_start3A_139 : memref<128xi32, #tpu.memory_space<vmem>>) semaphore(%run_scoped3A_136 : memref<!tpu.dma_semaphore, #tpu.memory_space<semaphore_mem>>) {add = true}
      %dma_wait3A_143 = arith.constant 0 : i32
      %dma_wait3A_144 = tpu.memref_slice %arg8[%run_scoped3A, %dma_wait3A_143] : memref<28x128xi32, #tpu.memory_space<vmem>> -> memref<1x128xi32, #tpu.memory_space<vmem>>
      %dma_wait3A_145 = tpu.memref_squeeze %dma_wait3A_144 : memref<1x128xi32, #tpu.memory_space<vmem>> -> memref<128xi32, #tpu.memory_space<vmem>>
      %dma_wait3A_146 = arith.constant 0 : i32
      %dma_wait3A_147 = arith.constant 0 : i32
      %dma_wait3A_148 = tpu.memref_slice %arg13[%dma_wait3A_146, %dma_wait3A_147] : memref<10240x128xf32, #tpu.memory_space<vmem_shared>> -> memref<10240x128xf32, #tpu.memory_space<vmem_shared>>
      tpu.wait_indirect_dma semaphore(%run_scoped3A_136 : memref<!tpu.dma_semaphore, #tpu.memory_space<semaphore_mem>>) src(%arg9 : memref<128x128xf32, #tpu.memory_space<vmem>>) dst(%dma_wait3A_148 : memref<10240x128xf32, #tpu.memory_space<vmem_shared>>)
      tpu.yield
    }) : () -> ()
    %dma_wait3A_35 = arith.constant 27 : i32
    %dma_wait3A_36 = arith.constant 0 : i32
    %dma_wait3A_37 = tpu.memref_slice %arg7[%dma_wait3A_35, %dma_wait3A_36] : memref<28x128xi32, #tpu.memory_space<vmem>> -> memref<1x128xi32, #tpu.memory_space<vmem>>
    %dma_wait3A_38 = tpu.memref_squeeze %dma_wait3A_37 : memref<1x128xi32, #tpu.memory_space<vmem>> -> memref<128xi32, #tpu.memory_space<vmem>>
    %dma_wait3A_39 = arith.constant 0 : i32
    %dma_wait3A_40 = arith.constant 0 : i32
    %dma_wait3A_41 = tpu.memref_slice %arg2[%dma_wait3A_39, %dma_wait3A_40] : memref<10000x128xf32, #tpu.memory_space<hbm>> -> memref<10000x128xf32, #tpu.memory_space<hbm>>
    tpu.wait_indirect_dma semaphore(%arg12 : memref<!tpu.dma_semaphore, #tpu.memory_space<semaphore_mem>>) src(%dma_wait3A_41 : memref<10000x128xf32, #tpu.memory_space<hbm>>) dst(%arg10 : memref<128x128xf32, #tpu.memory_space<vmem>>)
    %run_scoped3A_42 = arith.constant 27 : i32
    "tpu.region"() ({
      %run_scoped3A_136 = tpu.sem_alloc : memref<!tpu.dma_semaphore, #tpu.memory_space<semaphore_mem>>
      %dma_start3A_137 = arith.constant 0 : i32
      %dma_start3A_138 = tpu.memref_slice %arg8[%run_scoped3A_42, %dma_start3A_137] : memref<28x128xi32, #tpu.memory_space<vmem>> -> memref<1x128xi32, #tpu.memory_space<vmem>>
      %dma_start3A_139 = tpu.memref_squeeze %dma_start3A_138 : memref<1x128xi32, #tpu.memory_space<vmem>> -> memref<128xi32, #tpu.memory_space<vmem>>
      %dma_start3A_140 = arith.constant 0 : i32
      %dma_start3A_141 = arith.constant 0 : i32
      %dma_start3A_142 = tpu.memref_slice %arg13[%dma_start3A_140, %dma_start3A_141] : memref<10240x128xf32, #tpu.memory_space<vmem_shared>> -> memref<10240x128xf32, #tpu.memory_space<vmem_shared>>
      tpu.enqueue_indirect_dma source(%arg10 : memref<128x128xf32, #tpu.memory_space<vmem>>) target(%dma_start3A_142 : memref<10240x128xf32, #tpu.memory_space<vmem_shared>>) offsets(%dma_start3A_139 : memref<128xi32, #tpu.memory_space<vmem>>) semaphore(%run_scoped3A_136 : memref<!tpu.dma_semaphore, #tpu.memory_space<semaphore_mem>>) {add = true}
      %dma_wait3A_143 = arith.constant 0 : i32
      %dma_wait3A_144 = tpu.memref_slice %arg8[%run_scoped3A_42, %dma_wait3A_143] : memref<28x128xi32, #tpu.memory_space<vmem>> -> memref<1x128xi32, #tpu.memory_space<vmem>>
      %dma_wait3A_145 = tpu.memref_squeeze %dma_wait3A_144 : memref<1x128xi32, #tpu.memory_space<vmem>> -> memref<128xi32, #tpu.memory_space<vmem>>
      %dma_wait3A_146 = arith.constant 0 : i32
      %dma_wait3A_147 = arith.constant 0 : i32
      %dma_wait3A_148 = tpu.memref_slice %arg13[%dma_wait3A_146, %dma_wait3A_147] : memref<10240x128xf32, #tpu.memory_space<vmem_shared>> -> memref<10240x128xf32, #tpu.memory_space<vmem_shared>>
      tpu.wait_indirect_dma semaphore(%run_scoped3A_136 : memref<!tpu.dma_semaphore, #tpu.memory_space<semaphore_mem>>) src(%arg10 : memref<128x128xf32, #tpu.memory_space<vmem>>) dst(%dma_wait3A_148 : memref<10240x128xf32, #tpu.memory_space<vmem_shared>>)
      tpu.yield
    }) : () -> ()
    %mul3A_43 = arith.constant 3 : i32
    %mul3A_44 = arith.muli %add3A, %mul3A_43 : i32
    %add3A_45 = arith.constant 1 : i32
    %add3A_46 = arith.addi %mul3A_44, %add3A_45 : i32
    "tpu.region"() ({
      %run_scoped3A_136 = tpu.sem_alloc : memref<!tpu.dma_semaphore, #tpu.memory_space<semaphore_mem>>
      %dma_start3A_137 = arith.constant 0 : i32
      %dma_start3A_138 = arith.constant 0 : i32
      %dma_start3A_139 = tpu.memref_slice %arg3[%add3A_46, %dma_start3A_137, %dma_start3A_138] : memref<96x28x128xi32, #tpu.memory_space<hbm>> -> memref<1x28x128xi32, #tpu.memory_space<hbm>>
      %dma_start3A_140 = tpu.memref_squeeze %dma_start3A_139 : memref<1x28x128xi32, #tpu.memory_space<hbm>> -> memref<28x128xi32, #tpu.memory_space<hbm>>
      %dma_start3A_141 = arith.constant 0 : i32
      %dma_start3A_142 = arith.constant 0 : i32
      %dma_start3A_143 = tpu.memref_slice %arg3[%add3A_46, %dma_start3A_141, %dma_start3A_142] : memref<96x28x128xi32, #tpu.memory_space<hbm>> -> memref<1x28x128xi32, #tpu.memory_space<hbm>>
      %dma_start3A_144 = tpu.memref_squeeze %dma_start3A_143 : memref<1x28x128xi32, #tpu.memory_space<hbm>> -> memref<28x128xi32, #tpu.memory_space<hbm>>
      tpu.enqueue_dma source(%dma_start3A_144 : memref<28x128xi32, #tpu.memory_space<hbm>>) target(%arg7 : memref<28x128xi32, #tpu.memory_space<vmem>>) target_semaphore(%run_scoped3A_136 : memref<!tpu.dma_semaphore, #tpu.memory_space<semaphore_mem>>)
      %dma_wait3A_145 = arith.constant 0 : i32
      %dma_wait3A_146 = arith.constant 0 : i32
      %dma_wait3A_147 = tpu.memref_slice %arg3[%add3A_46, %dma_wait3A_145, %dma_wait3A_146] : memref<96x28x128xi32, #tpu.memory_space<hbm>> -> memref<1x28x128xi32, #tpu.memory_space<hbm>>
      %dma_wait3A_148 = tpu.memref_squeeze %dma_wait3A_147 : memref<1x28x128xi32, #tpu.memory_space<hbm>> -> memref<28x128xi32, #tpu.memory_space<hbm>>
      %dma_wait3A_149 = arith.constant 0 : i32
      %dma_wait3A_150 = arith.constant 0 : i32
      %dma_wait3A_151 = tpu.memref_slice %arg3[%add3A_46, %dma_wait3A_149, %dma_wait3A_150] : memref<96x28x128xi32, #tpu.memory_space<hbm>> -> memref<1x28x128xi32, #tpu.memory_space<hbm>>
      %dma_wait3A_152 = tpu.memref_squeeze %dma_wait3A_151 : memref<1x28x128xi32, #tpu.memory_space<hbm>> -> memref<28x128xi32, #tpu.memory_space<hbm>>
      tpu.wait_dma2 semaphore(%run_scoped3A_136 : memref<!tpu.dma_semaphore, #tpu.memory_space<semaphore_mem>>) src(%dma_wait3A_152 : memref<28x128xi32, #tpu.memory_space<hbm>>) dst(%arg7 : memref<28x128xi32, #tpu.memory_space<vmem>>)
      tpu.yield
    }) : () -> ()
    %mul3A_47 = arith.constant 3 : i32
    %mul3A_48 = arith.muli %add3A, %mul3A_47 : i32
    %add3A_49 = arith.constant 1 : i32
    %add3A_50 = arith.addi %mul3A_48, %add3A_49 : i32
    "tpu.region"() ({
      %run_scoped3A_136 = tpu.sem_alloc : memref<!tpu.dma_semaphore, #tpu.memory_space<semaphore_mem>>
      %dma_start3A_137 = arith.constant 0 : i32
      %dma_start3A_138 = arith.constant 0 : i32
      %dma_start3A_139 = tpu.memref_slice %arg4[%add3A_50, %dma_start3A_137, %dma_start3A_138] : memref<96x28x128xi32, #tpu.memory_space<hbm>> -> memref<1x28x128xi32, #tpu.memory_space<hbm>>
      %dma_start3A_140 = tpu.memref_squeeze %dma_start3A_139 : memref<1x28x128xi32, #tpu.memory_space<hbm>> -> memref<28x128xi32, #tpu.memory_space<hbm>>
      %dma_start3A_141 = arith.constant 0 : i32
      %dma_start3A_142 = arith.constant 0 : i32
      %dma_start3A_143 = tpu.memref_slice %arg4[%add3A_50, %dma_start3A_141, %dma_start3A_142] : memref<96x28x128xi32, #tpu.memory_space<hbm>> -> memref<1x28x128xi32, #tpu.memory_space<hbm>>
      %dma_start3A_144 = tpu.memref_squeeze %dma_start3A_143 : memref<1x28x128xi32, #tpu.memory_space<hbm>> -> memref<28x128xi32, #tpu.memory_space<hbm>>
      tpu.enqueue_dma source(%dma_start3A_144 : memref<28x128xi32, #tpu.memory_space<hbm>>) target(%arg8 : memref<28x128xi32, #tpu.memory_space<vmem>>) target_semaphore(%run_scoped3A_136 : memref<!tpu.dma_semaphore, #tpu.memory_space<semaphore_mem>>)
      %dma_wait3A_145 = arith.constant 0 : i32
      %dma_wait3A_146 = arith.constant 0 : i32
      %dma_wait3A_147 = tpu.memref_slice %arg4[%add3A_50, %dma_wait3A_145, %dma_wait3A_146] : memref<96x28x128xi32, #tpu.memory_space<hbm>> -> memref<1x28x128xi32, #tpu.memory_space<hbm>>
      %dma_wait3A_148 = tpu.memref_squeeze %dma_wait3A_147 : memref<1x28x128xi32, #tpu.memory_space<hbm>> -> memref<28x128xi32, #tpu.memory_space<hbm>>
      %dma_wait3A_149 = arith.constant 0 : i32
      %dma_wait3A_150 = arith.constant 0 : i32
      %dma_wait3A_151 = tpu.memref_slice %arg4[%add3A_50, %dma_wait3A_149, %dma_wait3A_150] : memref<96x28x128xi32, #tpu.memory_space<hbm>> -> memref<1x28x128xi32, #tpu.memory_space<hbm>>
      %dma_wait3A_152 = tpu.memref_squeeze %dma_wait3A_151 : memref<1x28x128xi32, #tpu.memory_space<hbm>> -> memref<28x128xi32, #tpu.memory_space<hbm>>
      tpu.wait_dma2 semaphore(%run_scoped3A_136 : memref<!tpu.dma_semaphore, #tpu.memory_space<semaphore_mem>>) src(%dma_wait3A_152 : memref<28x128xi32, #tpu.memory_space<hbm>>) dst(%arg8 : memref<28x128xi32, #tpu.memory_space<vmem>>)
      tpu.yield
    }) : () -> ()
    %dma_start3A_51 = arith.constant 0 : i32
    %dma_start3A_52 = arith.constant 0 : i32
    %dma_start3A_53 = tpu.memref_slice %arg7[%dma_start3A_51, %dma_start3A_52] : memref<28x128xi32, #tpu.memory_space<vmem>> -> memref<1x128xi32, #tpu.memory_space<vmem>>
    %dma_start3A_54 = tpu.memref_squeeze %dma_start3A_53 : memref<1x128xi32, #tpu.memory_space<vmem>> -> memref<128xi32, #tpu.memory_space<vmem>>
    %dma_start3A_55 = arith.constant 0 : i32
    %dma_start3A_56 = arith.constant 0 : i32
    %dma_start3A_57 = tpu.memref_slice %arg2[%dma_start3A_55, %dma_start3A_56] : memref<10000x128xf32, #tpu.memory_space<hbm>> -> memref<10000x128xf32, #tpu.memory_space<hbm>>
    tpu.enqueue_indirect_dma source(%dma_start3A_57 : memref<10000x128xf32, #tpu.memory_space<hbm>>) target(%arg9 : memref<128x128xf32, #tpu.memory_space<vmem>>) offsets(%dma_start3A_54 : memref<128xi32, #tpu.memory_space<vmem>>) semaphore(%arg11 : memref<!tpu.dma_semaphore, #tpu.memory_space<semaphore_mem>>)
    %dma_start3A_58 = arith.constant 1 : i32
    %dma_start3A_59 = arith.constant 0 : i32
    %dma_start3A_60 = tpu.memref_slice %arg7[%dma_start3A_58, %dma_start3A_59] : memref<28x128xi32, #tpu.memory_space<vmem>> -> memref<1x128xi32, #tpu.memory_space<vmem>>
    %dma_start3A_61 = tpu.memref_squeeze %dma_start3A_60 : memref<1x128xi32, #tpu.memory_space<vmem>> -> memref<128xi32, #tpu.memory_space<vmem>>
    %dma_start3A_62 = arith.constant 0 : i32
    %dma_start3A_63 = arith.constant 0 : i32
    %dma_start3A_64 = tpu.memref_slice %arg2[%dma_start3A_62, %dma_start3A_63] : memref<10000x128xf32, #tpu.memory_space<hbm>> -> memref<10000x128xf32, #tpu.memory_space<hbm>>
    tpu.enqueue_indirect_dma source(%dma_start3A_64 : memref<10000x128xf32, #tpu.memory_space<hbm>>) target(%arg10 : memref<128x128xf32, #tpu.memory_space<vmem>>) offsets(%dma_start3A_61 : memref<128xi32, #tpu.memory_space<vmem>>) semaphore(%arg12 : memref<!tpu.dma_semaphore, #tpu.memory_space<semaphore_mem>>)
    %scan3A_65 = arith.constant 0 : i32
    %scan3A_66 = arith.constant 0 : i32
    %scan3A_67 = arith.constant 13 : i32
    %scan3A_68 = arith.addi %scan3A_66, %scan3A_67 : i32
    %scan3A_69 = arith.constant 1 : i32
    scf.for %scan3A_136 = %scan3A_66 to %scan3A_68 step %scan3A_69  : i32 {
      %mul3A_137 = arith.constant 2 : i32
      %mul3A_138 = arith.muli %scan3A_136, %mul3A_137 : i32
      %add3A_139 = arith.constant 0 : i32
      %add3A_140 = arith.addi %mul3A_138, %add3A_139 : i32
      %dma_wait3A_141 = arith.constant 0 : i32
      %dma_wait3A_142 = tpu.memref_slice %arg7[%add3A_140, %dma_wait3A_141] : memref<28x128xi32, #tpu.memory_space<vmem>> -> memref<1x128xi32, #tpu.memory_space<vmem>>
      %dma_wait3A_143 = tpu.memref_squeeze %dma_wait3A_142 : memref<1x128xi32, #tpu.memory_space<vmem>> -> memref<128xi32, #tpu.memory_space<vmem>>
      %dma_wait3A_144 = arith.constant 0 : i32
      %dma_wait3A_145 = arith.constant 0 : i32
      %dma_wait3A_146 = tpu.memref_slice %arg2[%dma_wait3A_144, %dma_wait3A_145] : memref<10000x128xf32, #tpu.memory_space<hbm>> -> memref<10000x128xf32, #tpu.memory_space<hbm>>
      tpu.wait_indirect_dma semaphore(%arg11 : memref<!tpu.dma_semaphore, #tpu.memory_space<semaphore_mem>>) src(%dma_wait3A_146 : memref<10000x128xf32, #tpu.memory_space<hbm>>) dst(%arg9 : memref<128x128xf32, #tpu.memory_space<vmem>>)
      "tpu.region"() ({
        %run_scoped3A_173 = tpu.sem_alloc : memref<!tpu.dma_semaphore, #tpu.memory_space<semaphore_mem>>
        %dma_start3A_174 = arith.constant 0 : i32
        %dma_start3A_175 = tpu.memref_slice %arg8[%add3A_140, %dma_start3A_174] : memref<28x128xi32, #tpu.memory_space<vmem>> -> memref<1x128xi32, #tpu.memory_space<vmem>>
        %dma_start3A_176 = tpu.memref_squeeze %dma_start3A_175 : memref<1x128xi32, #tpu.memory_space<vmem>> -> memref<128xi32, #tpu.memory_space<vmem>>
        %dma_start3A_177 = arith.constant 0 : i32
        %dma_start3A_178 = arith.constant 0 : i32
        %dma_start3A_179 = tpu.memref_slice %arg13[%dma_start3A_177, %dma_start3A_178] : memref<10240x128xf32, #tpu.memory_space<vmem_shared>> -> memref<10240x128xf32, #tpu.memory_space<vmem_shared>>
        tpu.enqueue_indirect_dma source(%arg9 : memref<128x128xf32, #tpu.memory_space<vmem>>) target(%dma_start3A_179 : memref<10240x128xf32, #tpu.memory_space<vmem_shared>>) offsets(%dma_start3A_176 : memref<128xi32, #tpu.memory_space<vmem>>) semaphore(%run_scoped3A_173 : memref<!tpu.dma_semaphore, #tpu.memory_space<semaphore_mem>>) {add = true}
        %dma_wait3A_180 = arith.constant 0 : i32
        %dma_wait3A_181 = tpu.memref_slice %arg8[%add3A_140, %dma_wait3A_180] : memref<28x128xi32, #tpu.memory_space<vmem>> -> memref<1x128xi32, #tpu.memory_space<vmem>>
        %dma_wait3A_182 = tpu.memref_squeeze %dma_wait3A_181 : memref<1x128xi32, #tpu.memory_space<vmem>> -> memref<128xi32, #tpu.memory_space<vmem>>
        %dma_wait3A_183 = arith.constant 0 : i32
        %dma_wait3A_184 = arith.constant 0 : i32
        %dma_wait3A_185 = tpu.memref_slice %arg13[%dma_wait3A_183, %dma_wait3A_184] : memref<10240x128xf32, #tpu.memory_space<vmem_shared>> -> memref<10240x128xf32, #tpu.memory_space<vmem_shared>>
        tpu.wait_indirect_dma semaphore(%run_scoped3A_173 : memref<!tpu.dma_semaphore, #tpu.memory_space<semaphore_mem>>) src(%arg9 : memref<128x128xf32, #tpu.memory_space<vmem>>) dst(%dma_wait3A_185 : memref<10240x128xf32, #tpu.memory_space<vmem_shared>>)
        tpu.yield
      }) : () -> ()
      %add3A_147 = arith.constant 2 : i32
      %add3A_148 = arith.addi %add3A_140, %add3A_147 : i32
      %dma_start3A_149 = arith.constant 0 : i32
      %dma_start3A_150 = tpu.memref_slice %arg7[%add3A_148, %dma_start3A_149] : memref<28x128xi32, #tpu.memory_space<vmem>> -> memref<1x128xi32, #tpu.memory_space<vmem>>
      %dma_start3A_151 = tpu.memref_squeeze %dma_start3A_150 : memref<1x128xi32, #tpu.memory_space<vmem>> -> memref<128xi32, #tpu.memory_space<vmem>>
      %dma_start3A_152 = arith.constant 0 : i32
      %dma_start3A_153 = arith.constant 0 : i32
      %dma_start3A_154 = tpu.memref_slice %arg2[%dma_start3A_152, %dma_start3A_153] : memref<10000x128xf32, #tpu.memory_space<hbm>> -> memref<10000x128xf32, #tpu.memory_space<hbm>>
      tpu.enqueue_indirect_dma source(%dma_start3A_154 : memref<10000x128xf32, #tpu.memory_space<hbm>>) target(%arg9 : memref<128x128xf32, #tpu.memory_space<vmem>>) offsets(%dma_start3A_151 : memref<128xi32, #tpu.memory_space<vmem>>) semaphore(%arg11 : memref<!tpu.dma_semaphore, #tpu.memory_space<semaphore_mem>>)
      %mul3A_155 = arith.constant 2 : i32
      %mul3A_156 = arith.muli %scan3A_136, %mul3A_155 : i32
      %add3A_157 = arith.constant 1 : i32
      %add3A_158 = arith.addi %mul3A_156, %add3A_157 : i32
      %dma_wait3A_159 = arith.constant 0 : i32
      %dma_wait3A_160 = tpu.memref_slice %arg7[%add3A_158, %dma_wait3A_159] : memref<28x128xi32, #tpu.memory_space<vmem>> -> memref<1x128xi32, #tpu.memory_space<vmem>>
      %dma_wait3A_161 = tpu.memref_squeeze %dma_wait3A_160 : memref<1x128xi32, #tpu.memory_space<vmem>> -> memref<128xi32, #tpu.memory_space<vmem>>
      %dma_wait3A_162 = arith.constant 0 : i32
      %dma_wait3A_163 = arith.constant 0 : i32
      %dma_wait3A_164 = tpu.memref_slice %arg2[%dma_wait3A_162, %dma_wait3A_163] : memref<10000x128xf32, #tpu.memory_space<hbm>> -> memref<10000x128xf32, #tpu.memory_space<hbm>>
      tpu.wait_indirect_dma semaphore(%arg12 : memref<!tpu.dma_semaphore, #tpu.memory_space<semaphore_mem>>) src(%dma_wait3A_164 : memref<10000x128xf32, #tpu.memory_space<hbm>>) dst(%arg10 : memref<128x128xf32, #tpu.memory_space<vmem>>)
      "tpu.region"() ({
        %run_scoped3A_173 = tpu.sem_alloc : memref<!tpu.dma_semaphore, #tpu.memory_space<semaphore_mem>>
        %dma_start3A_174 = arith.constant 0 : i32
        %dma_start3A_175 = tpu.memref_slice %arg8[%add3A_158, %dma_start3A_174] : memref<28x128xi32, #tpu.memory_space<vmem>> -> memref<1x128xi32, #tpu.memory_space<vmem>>
        %dma_start3A_176 = tpu.memref_squeeze %dma_start3A_175 : memref<1x128xi32, #tpu.memory_space<vmem>> -> memref<128xi32, #tpu.memory_space<vmem>>
        %dma_start3A_177 = arith.constant 0 : i32
        %dma_start3A_178 = arith.constant 0 : i32
        %dma_start3A_179 = tpu.memref_slice %arg13[%dma_start3A_177, %dma_start3A_178] : memref<10240x128xf32, #tpu.memory_space<vmem_shared>> -> memref<10240x128xf32, #tpu.memory_space<vmem_shared>>
        tpu.enqueue_indirect_dma source(%arg10 : memref<128x128xf32, #tpu.memory_space<vmem>>) target(%dma_start3A_179 : memref<10240x128xf32, #tpu.memory_space<vmem_shared>>) offsets(%dma_start3A_176 : memref<128xi32, #tpu.memory_space<vmem>>) semaphore(%run_scoped3A_173 : memref<!tpu.dma_semaphore, #tpu.memory_space<semaphore_mem>>) {add = true}
        %dma_wait3A_180 = arith.constant 0 : i32
        %dma_wait3A_181 = tpu.memref_slice %arg8[%add3A_158, %dma_wait3A_180] : memref<28x128xi32, #tpu.memory_space<vmem>> -> memref<1x128xi32, #tpu.memory_space<vmem>>
        %dma_wait3A_182 = tpu.memref_squeeze %dma_wait3A_181 : memref<1x128xi32, #tpu.memory_space<vmem>> -> memref<128xi32, #tpu.memory_space<vmem>>
        %dma_wait3A_183 = arith.constant 0 : i32
        %dma_wait3A_184 = arith.constant 0 : i32
        %dma_wait3A_185 = tpu.memref_slice %arg13[%dma_wait3A_183, %dma_wait3A_184] : memref<10240x128xf32, #tpu.memory_space<vmem_shared>> -> memref<10240x128xf32, #tpu.memory_space<vmem_shared>>
        tpu.wait_indirect_dma semaphore(%run_scoped3A_173 : memref<!tpu.dma_semaphore, #tpu.memory_space<semaphore_mem>>) src(%arg10 : memref<128x128xf32, #tpu.memory_space<vmem>>) dst(%dma_wait3A_185 : memref<10240x128xf32, #tpu.memory_space<vmem_shared>>)
        tpu.yield
      }) : () -> ()
      %add3A_165 = arith.constant 2 : i32
      %add3A_166 = arith.addi %add3A_158, %add3A_165 : i32
      %dma_start3A_167 = arith.constant 0 : i32
      %dma_start3A_168 = tpu.memref_slice %arg7[%add3A_166, %dma_start3A_167] : memref<28x128xi32, #tpu.memory_space<vmem>> -> memref<1x128xi32, #tpu.memory_space<vmem>>
      %dma_start3A_169 = tpu.memref_squeeze %dma_start3A_168 : memref<1x128xi32, #tpu.memory_space<vmem>> -> memref<128xi32, #tpu.memory_space<vmem>>
      %dma_start3A_170 = arith.constant 0 : i32
      %dma_start3A_171 = arith.constant 0 : i32
      %dma_start3A_172 = tpu.memref_slice %arg2[%dma_start3A_170, %dma_start3A_171] : memref<10000x128xf32, #tpu.memory_space<hbm>> -> memref<10000x128xf32, #tpu.memory_space<hbm>>
      tpu.enqueue_indirect_dma source(%dma_start3A_172 : memref<10000x128xf32, #tpu.memory_space<hbm>>) target(%arg10 : memref<128x128xf32, #tpu.memory_space<vmem>>) offsets(%dma_start3A_169 : memref<128xi32, #tpu.memory_space<vmem>>) semaphore(%arg12 : memref<!tpu.dma_semaphore, #tpu.memory_space<semaphore_mem>>)
    }
    %scan3A_70 = arith.constant 13 : i32
    %dma_wait3A_71 = arith.constant 26 : i32
    %dma_wait3A_72 = arith.constant 0 : i32
    %dma_wait3A_73 = tpu.memref_slice %arg7[%dma_wait3A_71, %dma_wait3A_72] : memref<28x128xi32, #tpu.memory_space<vmem>> -> memref<1x128xi32, #tpu.memory_space<vmem>>
    %dma_wait3A_74 = tpu.memref_squeeze %dma_wait3A_73 : memref<1x128xi32, #tpu.memory_space<vmem>> -> memref<128xi32, #tpu.memory_space<vmem>>
    %dma_wait3A_75 = arith.constant 0 : i32
    %dma_wait3A_76 = arith.constant 0 : i32
    %dma_wait3A_77 = tpu.memref_slice %arg2[%dma_wait3A_75, %dma_wait3A_76] : memref<10000x128xf32, #tpu.memory_space<hbm>> -> memref<10000x128xf32, #tpu.memory_space<hbm>>
    tpu.wait_indirect_dma semaphore(%arg11 : memref<!tpu.dma_semaphore, #tpu.memory_space<semaphore_mem>>) src(%dma_wait3A_77 : memref<10000x128xf32, #tpu.memory_space<hbm>>) dst(%arg9 : memref<128x128xf32, #tpu.memory_space<vmem>>)
    %run_scoped3A_78 = arith.constant 26 : i32
    "tpu.region"() ({
      %run_scoped3A_136 = tpu.sem_alloc : memref<!tpu.dma_semaphore, #tpu.memory_space<semaphore_mem>>
      %dma_start3A_137 = arith.constant 0 : i32
      %dma_start3A_138 = tpu.memref_slice %arg8[%run_scoped3A_78, %dma_start3A_137] : memref<28x128xi32, #tpu.memory_space<vmem>> -> memref<1x128xi32, #tpu.memory_space<vmem>>
      %dma_start3A_139 = tpu.memref_squeeze %dma_start3A_138 : memref<1x128xi32, #tpu.memory_space<vmem>> -> memref<128xi32, #tpu.memory_space<vmem>>
      %dma_start3A_140 = arith.constant 0 : i32
      %dma_start3A_141 = arith.constant 0 : i32
      %dma_start3A_142 = tpu.memref_slice %arg13[%dma_start3A_140, %dma_start3A_141] : memref<10240x128xf32, #tpu.memory_space<vmem_shared>> -> memref<10240x128xf32, #tpu.memory_space<vmem_shared>>
      tpu.enqueue_indirect_dma source(%arg9 : memref<128x128xf32, #tpu.memory_space<vmem>>) target(%dma_start3A_142 : memref<10240x128xf32, #tpu.memory_space<vmem_shared>>) offsets(%dma_start3A_139 : memref<128xi32, #tpu.memory_space<vmem>>) semaphore(%run_scoped3A_136 : memref<!tpu.dma_semaphore, #tpu.memory_space<semaphore_mem>>) {add = true}
      %dma_wait3A_143 = arith.constant 0 : i32
      %dma_wait3A_144 = tpu.memref_slice %arg8[%run_scoped3A_78, %dma_wait3A_143] : memref<28x128xi32, #tpu.memory_space<vmem>> -> memref<1x128xi32, #tpu.memory_space<vmem>>
      %dma_wait3A_145 = tpu.memref_squeeze %dma_wait3A_144 : memref<1x128xi32, #tpu.memory_space<vmem>> -> memref<128xi32, #tpu.memory_space<vmem>>
      %dma_wait3A_146 = arith.constant 0 : i32
      %dma_wait3A_147 = arith.constant 0 : i32
      %dma_wait3A_148 = tpu.memref_slice %arg13[%dma_wait3A_146, %dma_wait3A_147] : memref<10240x128xf32, #tpu.memory_space<vmem_shared>> -> memref<10240x128xf32, #tpu.memory_space<vmem_shared>>
      tpu.wait_indirect_dma semaphore(%run_scoped3A_136 : memref<!tpu.dma_semaphore, #tpu.memory_space<semaphore_mem>>) src(%arg9 : memref<128x128xf32, #tpu.memory_space<vmem>>) dst(%dma_wait3A_148 : memref<10240x128xf32, #tpu.memory_space<vmem_shared>>)
      tpu.yield
    }) : () -> ()
    %dma_wait3A_79 = arith.constant 27 : i32
    %dma_wait3A_80 = arith.constant 0 : i32
    %dma_wait3A_81 = tpu.memref_slice %arg7[%dma_wait3A_79, %dma_wait3A_80] : memref<28x128xi32, #tpu.memory_space<vmem>> -> memref<1x128xi32, #tpu.memory_space<vmem>>
    %dma_wait3A_82 = tpu.memref_squeeze %dma_wait3A_81 : memref<1x128xi32, #tpu.memory_space<vmem>> -> memref<128xi32, #tpu.memory_space<vmem>>
    %dma_wait3A_83 = arith.constant 0 : i32
    %dma_wait3A_84 = arith.constant 0 : i32
    %dma_wait3A_85 = tpu.memref_slice %arg2[%dma_wait3A_83, %dma_wait3A_84] : memref<10000x128xf32, #tpu.memory_space<hbm>> -> memref<10000x128xf32, #tpu.memory_space<hbm>>
    tpu.wait_indirect_dma semaphore(%arg12 : memref<!tpu.dma_semaphore, #tpu.memory_space<semaphore_mem>>) src(%dma_wait3A_85 : memref<10000x128xf32, #tpu.memory_space<hbm>>) dst(%arg10 : memref<128x128xf32, #tpu.memory_space<vmem>>)
    %run_scoped3A_86 = arith.constant 27 : i32
    "tpu.region"() ({
      %run_scoped3A_136 = tpu.sem_alloc : memref<!tpu.dma_semaphore, #tpu.memory_space<semaphore_mem>>
      %dma_start3A_137 = arith.constant 0 : i32
      %dma_start3A_138 = tpu.memref_slice %arg8[%run_scoped3A_86, %dma_start3A_137] : memref<28x128xi32, #tpu.memory_space<vmem>> -> memref<1x128xi32, #tpu.memory_space<vmem>>
      %dma_start3A_139 = tpu.memref_squeeze %dma_start3A_138 : memref<1x128xi32, #tpu.memory_space<vmem>> -> memref<128xi32, #tpu.memory_space<vmem>>
      %dma_start3A_140 = arith.constant 0 : i32
      %dma_start3A_141 = arith.constant 0 : i32
      %dma_start3A_142 = tpu.memref_slice %arg13[%dma_start3A_140, %dma_start3A_141] : memref<10240x128xf32, #tpu.memory_space<vmem_shared>> -> memref<10240x128xf32, #tpu.memory_space<vmem_shared>>
      tpu.enqueue_indirect_dma source(%arg10 : memref<128x128xf32, #tpu.memory_space<vmem>>) target(%dma_start3A_142 : memref<10240x128xf32, #tpu.memory_space<vmem_shared>>) offsets(%dma_start3A_139 : memref<128xi32, #tpu.memory_space<vmem>>) semaphore(%run_scoped3A_136 : memref<!tpu.dma_semaphore, #tpu.memory_space<semaphore_mem>>) {add = true}
      %dma_wait3A_143 = arith.constant 0 : i32
      %dma_wait3A_144 = tpu.memref_slice %arg8[%run_scoped3A_86, %dma_wait3A_143] : memref<28x128xi32, #tpu.memory_space<vmem>> -> memref<1x128xi32, #tpu.memory_space<vmem>>
      %dma_wait3A_145 = tpu.memref_squeeze %dma_wait3A_144 : memref<1x128xi32, #tpu.memory_space<vmem>> -> memref<128xi32, #tpu.memory_space<vmem>>
      %dma_wait3A_146 = arith.constant 0 : i32
      %dma_wait3A_147 = arith.constant 0 : i32
      %dma_wait3A_148 = tpu.memref_slice %arg13[%dma_wait3A_146, %dma_wait3A_147] : memref<10240x128xf32, #tpu.memory_space<vmem_shared>> -> memref<10240x128xf32, #tpu.memory_space<vmem_shared>>
      tpu.wait_indirect_dma semaphore(%run_scoped3A_136 : memref<!tpu.dma_semaphore, #tpu.memory_space<semaphore_mem>>) src(%arg10 : memref<128x128xf32, #tpu.memory_space<vmem>>) dst(%dma_wait3A_148 : memref<10240x128xf32, #tpu.memory_space<vmem_shared>>)
      tpu.yield
    }) : () -> ()
    %mul3A_87 = arith.constant 3 : i32
    %mul3A_88 = arith.muli %add3A, %mul3A_87 : i32
    %add3A_89 = arith.constant 2 : i32
    %add3A_90 = arith.addi %mul3A_88, %add3A_89 : i32
    "tpu.region"() ({
      %run_scoped3A_136 = tpu.sem_alloc : memref<!tpu.dma_semaphore, #tpu.memory_space<semaphore_mem>>
      %dma_start3A_137 = arith.constant 0 : i32
      %dma_start3A_138 = arith.constant 0 : i32
      %dma_start3A_139 = tpu.memref_slice %arg3[%add3A_90, %dma_start3A_137, %dma_start3A_138] : memref<96x28x128xi32, #tpu.memory_space<hbm>> -> memref<1x28x128xi32, #tpu.memory_space<hbm>>
      %dma_start3A_140 = tpu.memref_squeeze %dma_start3A_139 : memref<1x28x128xi32, #tpu.memory_space<hbm>> -> memref<28x128xi32, #tpu.memory_space<hbm>>
      %dma_start3A_141 = arith.constant 0 : i32
      %dma_start3A_142 = arith.constant 0 : i32
      %dma_start3A_143 = tpu.memref_slice %arg3[%add3A_90, %dma_start3A_141, %dma_start3A_142] : memref<96x28x128xi32, #tpu.memory_space<hbm>> -> memref<1x28x128xi32, #tpu.memory_space<hbm>>
      %dma_start3A_144 = tpu.memref_squeeze %dma_start3A_143 : memref<1x28x128xi32, #tpu.memory_space<hbm>> -> memref<28x128xi32, #tpu.memory_space<hbm>>
      tpu.enqueue_dma source(%dma_start3A_144 : memref<28x128xi32, #tpu.memory_space<hbm>>) target(%arg7 : memref<28x128xi32, #tpu.memory_space<vmem>>) target_semaphore(%run_scoped3A_136 : memref<!tpu.dma_semaphore, #tpu.memory_space<semaphore_mem>>)
      %dma_wait3A_145 = arith.constant 0 : i32
      %dma_wait3A_146 = arith.constant 0 : i32
      %dma_wait3A_147 = tpu.memref_slice %arg3[%add3A_90, %dma_wait3A_145, %dma_wait3A_146] : memref<96x28x128xi32, #tpu.memory_space<hbm>> -> memref<1x28x128xi32, #tpu.memory_space<hbm>>
      %dma_wait3A_148 = tpu.memref_squeeze %dma_wait3A_147 : memref<1x28x128xi32, #tpu.memory_space<hbm>> -> memref<28x128xi32, #tpu.memory_space<hbm>>
      %dma_wait3A_149 = arith.constant 0 : i32
      %dma_wait3A_150 = arith.constant 0 : i32
      %dma_wait3A_151 = tpu.memref_slice %arg3[%add3A_90, %dma_wait3A_149, %dma_wait3A_150] : memref<96x28x128xi32, #tpu.memory_space<hbm>> -> memref<1x28x128xi32, #tpu.memory_space<hbm>>
      %dma_wait3A_152 = tpu.memref_squeeze %dma_wait3A_151 : memref<1x28x128xi32, #tpu.memory_space<hbm>> -> memref<28x128xi32, #tpu.memory_space<hbm>>
      tpu.wait_dma2 semaphore(%run_scoped3A_136 : memref<!tpu.dma_semaphore, #tpu.memory_space<semaphore_mem>>) src(%dma_wait3A_152 : memref<28x128xi32, #tpu.memory_space<hbm>>) dst(%arg7 : memref<28x128xi32, #tpu.memory_space<vmem>>)
      tpu.yield
    }) : () -> ()
    %mul3A_91 = arith.constant 3 : i32
    %mul3A_92 = arith.muli %add3A, %mul3A_91 : i32
    %add3A_93 = arith.constant 2 : i32
    %add3A_94 = arith.addi %mul3A_92, %add3A_93 : i32
    "tpu.region"() ({
      %run_scoped3A_136 = tpu.sem_alloc : memref<!tpu.dma_semaphore, #tpu.memory_space<semaphore_mem>>
      %dma_start3A_137 = arith.constant 0 : i32
      %dma_start3A_138 = arith.constant 0 : i32
      %dma_start3A_139 = tpu.memref_slice %arg4[%add3A_94, %dma_start3A_137, %dma_start3A_138] : memref<96x28x128xi32, #tpu.memory_space<hbm>> -> memref<1x28x128xi32, #tpu.memory_space<hbm>>
      %dma_start3A_140 = tpu.memref_squeeze %dma_start3A_139 : memref<1x28x128xi32, #tpu.memory_space<hbm>> -> memref<28x128xi32, #tpu.memory_space<hbm>>
      %dma_start3A_141 = arith.constant 0 : i32
      %dma_start3A_142 = arith.constant 0 : i32
      %dma_start3A_143 = tpu.memref_slice %arg4[%add3A_94, %dma_start3A_141, %dma_start3A_142] : memref<96x28x128xi32, #tpu.memory_space<hbm>> -> memref<1x28x128xi32, #tpu.memory_space<hbm>>
      %dma_start3A_144 = tpu.memref_squeeze %dma_start3A_143 : memref<1x28x128xi32, #tpu.memory_space<hbm>> -> memref<28x128xi32, #tpu.memory_space<hbm>>
      tpu.enqueue_dma source(%dma_start3A_144 : memref<28x128xi32, #tpu.memory_space<hbm>>) target(%arg8 : memref<28x128xi32, #tpu.memory_space<vmem>>) target_semaphore(%run_scoped3A_136 : memref<!tpu.dma_semaphore, #tpu.memory_space<semaphore_mem>>)
      %dma_wait3A_145 = arith.constant 0 : i32
      %dma_wait3A_146 = arith.constant 0 : i32
      %dma_wait3A_147 = tpu.memref_slice %arg4[%add3A_94, %dma_wait3A_145, %dma_wait3A_146] : memref<96x28x128xi32, #tpu.memory_space<hbm>> -> memref<1x28x128xi32, #tpu.memory_space<hbm>>
      %dma_wait3A_148 = tpu.memref_squeeze %dma_wait3A_147 : memref<1x28x128xi32, #tpu.memory_space<hbm>> -> memref<28x128xi32, #tpu.memory_space<hbm>>
      %dma_wait3A_149 = arith.constant 0 : i32
      %dma_wait3A_150 = arith.constant 0 : i32
      %dma_wait3A_151 = tpu.memref_slice %arg4[%add3A_94, %dma_wait3A_149, %dma_wait3A_150] : memref<96x28x128xi32, #tpu.memory_space<hbm>> -> memref<1x28x128xi32, #tpu.memory_space<hbm>>
      %dma_wait3A_152 = tpu.memref_squeeze %dma_wait3A_151 : memref<1x28x128xi32, #tpu.memory_space<hbm>> -> memref<28x128xi32, #tpu.memory_space<hbm>>
      tpu.wait_dma2 semaphore(%run_scoped3A_136 : memref<!tpu.dma_semaphore, #tpu.memory_space<semaphore_mem>>) src(%dma_wait3A_152 : memref<28x128xi32, #tpu.memory_space<hbm>>) dst(%arg8 : memref<28x128xi32, #tpu.memory_space<vmem>>)
      tpu.yield
    }) : () -> ()
    %dma_start3A_95 = arith.constant 0 : i32
    %dma_start3A_96 = arith.constant 0 : i32
    %dma_start3A_97 = tpu.memref_slice %arg7[%dma_start3A_95, %dma_start3A_96] : memref<28x128xi32, #tpu.memory_space<vmem>> -> memref<1x128xi32, #tpu.memory_space<vmem>>
    %dma_start3A_98 = tpu.memref_squeeze %dma_start3A_97 : memref<1x128xi32, #tpu.memory_space<vmem>> -> memref<128xi32, #tpu.memory_space<vmem>>
    %dma_start3A_99 = arith.constant 0 : i32
    %dma_start3A_100 = arith.constant 0 : i32
    %dma_start3A_101 = tpu.memref_slice %arg2[%dma_start3A_99, %dma_start3A_100] : memref<10000x128xf32, #tpu.memory_space<hbm>> -> memref<10000x128xf32, #tpu.memory_space<hbm>>
    tpu.enqueue_indirect_dma source(%dma_start3A_101 : memref<10000x128xf32, #tpu.memory_space<hbm>>) target(%arg9 : memref<128x128xf32, #tpu.memory_space<vmem>>) offsets(%dma_start3A_98 : memref<128xi32, #tpu.memory_space<vmem>>) semaphore(%arg11 : memref<!tpu.dma_semaphore, #tpu.memory_space<semaphore_mem>>)
    %dma_start3A_102 = arith.constant 1 : i32
    %dma_start3A_103 = arith.constant 0 : i32
    %dma_start3A_104 = tpu.memref_slice %arg7[%dma_start3A_102, %dma_start3A_103] : memref<28x128xi32, #tpu.memory_space<vmem>> -> memref<1x128xi32, #tpu.memory_space<vmem>>
    %dma_start3A_105 = tpu.memref_squeeze %dma_start3A_104 : memref<1x128xi32, #tpu.memory_space<vmem>> -> memref<128xi32, #tpu.memory_space<vmem>>
    %dma_start3A_106 = arith.constant 0 : i32
    %dma_start3A_107 = arith.constant 0 : i32
    %dma_start3A_108 = tpu.memref_slice %arg2[%dma_start3A_106, %dma_start3A_107] : memref<10000x128xf32, #tpu.memory_space<hbm>> -> memref<10000x128xf32, #tpu.memory_space<hbm>>
    tpu.enqueue_indirect_dma source(%dma_start3A_108 : memref<10000x128xf32, #tpu.memory_space<hbm>>) target(%arg10 : memref<128x128xf32, #tpu.memory_space<vmem>>) offsets(%dma_start3A_105 : memref<128xi32, #tpu.memory_space<vmem>>) semaphore(%arg12 : memref<!tpu.dma_semaphore, #tpu.memory_space<semaphore_mem>>)
    %scan3A_109 = arith.constant 0 : i32
    %scan3A_110 = arith.constant 0 : i32
    %scan3A_111 = arith.constant 13 : i32
    %scan3A_112 = arith.addi %scan3A_110, %scan3A_111 : i32
    %scan3A_113 = arith.constant 1 : i32
    scf.for %scan3A_136 = %scan3A_110 to %scan3A_112 step %scan3A_113  : i32 {
      %mul3A_137 = arith.constant 2 : i32
      %mul3A_138 = arith.muli %scan3A_136, %mul3A_137 : i32
      %add3A_139 = arith.constant 0 : i32
      %add3A_140 = arith.addi %mul3A_138, %add3A_139 : i32
      %dma_wait3A_141 = arith.constant 0 : i32
      %dma_wait3A_142 = tpu.memref_slice %arg7[%add3A_140, %dma_wait3A_141] : memref<28x128xi32, #tpu.memory_space<vmem>> -> memref<1x128xi32, #tpu.memory_space<vmem>>
      %dma_wait3A_143 = tpu.memref_squeeze %dma_wait3A_142 : memref<1x128xi32, #tpu.memory_space<vmem>> -> memref<128xi32, #tpu.memory_space<vmem>>
      %dma_wait3A_144 = arith.constant 0 : i32
      %dma_wait3A_145 = arith.constant 0 : i32
      %dma_wait3A_146 = tpu.memref_slice %arg2[%dma_wait3A_144, %dma_wait3A_145] : memref<10000x128xf32, #tpu.memory_space<hbm>> -> memref<10000x128xf32, #tpu.memory_space<hbm>>
      tpu.wait_indirect_dma semaphore(%arg11 : memref<!tpu.dma_semaphore, #tpu.memory_space<semaphore_mem>>) src(%dma_wait3A_146 : memref<10000x128xf32, #tpu.memory_space<hbm>>) dst(%arg9 : memref<128x128xf32, #tpu.memory_space<vmem>>)
      "tpu.region"() ({
        %run_scoped3A_173 = tpu.sem_alloc : memref<!tpu.dma_semaphore, #tpu.memory_space<semaphore_mem>>
        %dma_start3A_174 = arith.constant 0 : i32
        %dma_start3A_175 = tpu.memref_slice %arg8[%add3A_140, %dma_start3A_174] : memref<28x128xi32, #tpu.memory_space<vmem>> -> memref<1x128xi32, #tpu.memory_space<vmem>>
        %dma_start3A_176 = tpu.memref_squeeze %dma_start3A_175 : memref<1x128xi32, #tpu.memory_space<vmem>> -> memref<128xi32, #tpu.memory_space<vmem>>
        %dma_start3A_177 = arith.constant 0 : i32
        %dma_start3A_178 = arith.constant 0 : i32
        %dma_start3A_179 = tpu.memref_slice %arg13[%dma_start3A_177, %dma_start3A_178] : memref<10240x128xf32, #tpu.memory_space<vmem_shared>> -> memref<10240x128xf32, #tpu.memory_space<vmem_shared>>
        tpu.enqueue_indirect_dma source(%arg9 : memref<128x128xf32, #tpu.memory_space<vmem>>) target(%dma_start3A_179 : memref<10240x128xf32, #tpu.memory_space<vmem_shared>>) offsets(%dma_start3A_176 : memref<128xi32, #tpu.memory_space<vmem>>) semaphore(%run_scoped3A_173 : memref<!tpu.dma_semaphore, #tpu.memory_space<semaphore_mem>>) {add = true}
        %dma_wait3A_180 = arith.constant 0 : i32
        %dma_wait3A_181 = tpu.memref_slice %arg8[%add3A_140, %dma_wait3A_180] : memref<28x128xi32, #tpu.memory_space<vmem>> -> memref<1x128xi32, #tpu.memory_space<vmem>>
        %dma_wait3A_182 = tpu.memref_squeeze %dma_wait3A_181 : memref<1x128xi32, #tpu.memory_space<vmem>> -> memref<128xi32, #tpu.memory_space<vmem>>
        %dma_wait3A_183 = arith.constant 0 : i32
        %dma_wait3A_184 = arith.constant 0 : i32
        %dma_wait3A_185 = tpu.memref_slice %arg13[%dma_wait3A_183, %dma_wait3A_184] : memref<10240x128xf32, #tpu.memory_space<vmem_shared>> -> memref<10240x128xf32, #tpu.memory_space<vmem_shared>>
        tpu.wait_indirect_dma semaphore(%run_scoped3A_173 : memref<!tpu.dma_semaphore, #tpu.memory_space<semaphore_mem>>) src(%arg9 : memref<128x128xf32, #tpu.memory_space<vmem>>) dst(%dma_wait3A_185 : memref<10240x128xf32, #tpu.memory_space<vmem_shared>>)
        tpu.yield
      }) : () -> ()
      %add3A_147 = arith.constant 2 : i32
      %add3A_148 = arith.addi %add3A_140, %add3A_147 : i32
      %dma_start3A_149 = arith.constant 0 : i32
      %dma_start3A_150 = tpu.memref_slice %arg7[%add3A_148, %dma_start3A_149] : memref<28x128xi32, #tpu.memory_space<vmem>> -> memref<1x128xi32, #tpu.memory_space<vmem>>
      %dma_start3A_151 = tpu.memref_squeeze %dma_start3A_150 : memref<1x128xi32, #tpu.memory_space<vmem>> -> memref<128xi32, #tpu.memory_space<vmem>>
      %dma_start3A_152 = arith.constant 0 : i32
      %dma_start3A_153 = arith.constant 0 : i32
      %dma_start3A_154 = tpu.memref_slice %arg2[%dma_start3A_152, %dma_start3A_153] : memref<10000x128xf32, #tpu.memory_space<hbm>> -> memref<10000x128xf32, #tpu.memory_space<hbm>>
      tpu.enqueue_indirect_dma source(%dma_start3A_154 : memref<10000x128xf32, #tpu.memory_space<hbm>>) target(%arg9 : memref<128x128xf32, #tpu.memory_space<vmem>>) offsets(%dma_start3A_151 : memref<128xi32, #tpu.memory_space<vmem>>) semaphore(%arg11 : memref<!tpu.dma_semaphore, #tpu.memory_space<semaphore_mem>>)
      %mul3A_155 = arith.constant 2 : i32
      %mul3A_156 = arith.muli %scan3A_136, %mul3A_155 : i32
      %add3A_157 = arith.constant 1 : i32
      %add3A_158 = arith.addi %mul3A_156, %add3A_157 : i32
      %dma_wait3A_159 = arith.constant 0 : i32
      %dma_wait3A_160 = tpu.memref_slice %arg7[%add3A_158, %dma_wait3A_159] : memref<28x128xi32, #tpu.memory_space<vmem>> -> memref<1x128xi32, #tpu.memory_space<vmem>>
      %dma_wait3A_161 = tpu.memref_squeeze %dma_wait3A_160 : memref<1x128xi32, #tpu.memory_space<vmem>> -> memref<128xi32, #tpu.memory_space<vmem>>
      %dma_wait3A_162 = arith.constant 0 : i32
      %dma_wait3A_163 = arith.constant 0 : i32
      %dma_wait3A_164 = tpu.memref_slice %arg2[%dma_wait3A_162, %dma_wait3A_163] : memref<10000x128xf32, #tpu.memory_space<hbm>> -> memref<10000x128xf32, #tpu.memory_space<hbm>>
      tpu.wait_indirect_dma semaphore(%arg12 : memref<!tpu.dma_semaphore, #tpu.memory_space<semaphore_mem>>) src(%dma_wait3A_164 : memref<10000x128xf32, #tpu.memory_space<hbm>>) dst(%arg10 : memref<128x128xf32, #tpu.memory_space<vmem>>)
      "tpu.region"() ({
        %run_scoped3A_173 = tpu.sem_alloc : memref<!tpu.dma_semaphore, #tpu.memory_space<semaphore_mem>>
        %dma_start3A_174 = arith.constant 0 : i32
        %dma_start3A_175 = tpu.memref_slice %arg8[%add3A_158, %dma_start3A_174] : memref<28x128xi32, #tpu.memory_space<vmem>> -> memref<1x128xi32, #tpu.memory_space<vmem>>
        %dma_start3A_176 = tpu.memref_squeeze %dma_start3A_175 : memref<1x128xi32, #tpu.memory_space<vmem>> -> memref<128xi32, #tpu.memory_space<vmem>>
        %dma_start3A_177 = arith.constant 0 : i32
        %dma_start3A_178 = arith.constant 0 : i32
        %dma_start3A_179 = tpu.memref_slice %arg13[%dma_start3A_177, %dma_start3A_178] : memref<10240x128xf32, #tpu.memory_space<vmem_shared>> -> memref<10240x128xf32, #tpu.memory_space<vmem_shared>>
        tpu.enqueue_indirect_dma source(%arg10 : memref<128x128xf32, #tpu.memory_space<vmem>>) target(%dma_start3A_179 : memref<10240x128xf32, #tpu.memory_space<vmem_shared>>) offsets(%dma_start3A_176 : memref<128xi32, #tpu.memory_space<vmem>>) semaphore(%run_scoped3A_173 : memref<!tpu.dma_semaphore, #tpu.memory_space<semaphore_mem>>) {add = true}
        %dma_wait3A_180 = arith.constant 0 : i32
        %dma_wait3A_181 = tpu.memref_slice %arg8[%add3A_158, %dma_wait3A_180] : memref<28x128xi32, #tpu.memory_space<vmem>> -> memref<1x128xi32, #tpu.memory_space<vmem>>
        %dma_wait3A_182 = tpu.memref_squeeze %dma_wait3A_181 : memref<1x128xi32, #tpu.memory_space<vmem>> -> memref<128xi32, #tpu.memory_space<vmem>>
        %dma_wait3A_183 = arith.constant 0 : i32
        %dma_wait3A_184 = arith.constant 0 : i32
        %dma_wait3A_185 = tpu.memref_slice %arg13[%dma_wait3A_183, %dma_wait3A_184] : memref<10240x128xf32, #tpu.memory_space<vmem_shared>> -> memref<10240x128xf32, #tpu.memory_space<vmem_shared>>
        tpu.wait_indirect_dma semaphore(%run_scoped3A_173 : memref<!tpu.dma_semaphore, #tpu.memory_space<semaphore_mem>>) src(%arg10 : memref<128x128xf32, #tpu.memory_space<vmem>>) dst(%dma_wait3A_185 : memref<10240x128xf32, #tpu.memory_space<vmem_shared>>)
        tpu.yield
      }) : () -> ()
      %add3A_165 = arith.constant 2 : i32
      %add3A_166 = arith.addi %add3A_158, %add3A_165 : i32
      %dma_start3A_167 = arith.constant 0 : i32
      %dma_start3A_168 = tpu.memref_slice %arg7[%add3A_166, %dma_start3A_167] : memref<28x128xi32, #tpu.memory_space<vmem>> -> memref<1x128xi32, #tpu.memory_space<vmem>>
      %dma_start3A_169 = tpu.memref_squeeze %dma_start3A_168 : memref<1x128xi32, #tpu.memory_space<vmem>> -> memref<128xi32, #tpu.memory_space<vmem>>
      %dma_start3A_170 = arith.constant 0 : i32
      %dma_start3A_171 = arith.constant 0 : i32
      %dma_start3A_172 = tpu.memref_slice %arg2[%dma_start3A_170, %dma_start3A_171] : memref<10000x128xf32, #tpu.memory_space<hbm>> -> memref<10000x128xf32, #tpu.memory_space<hbm>>
      tpu.enqueue_indirect_dma source(%dma_start3A_172 : memref<10000x128xf32, #tpu.memory_space<hbm>>) target(%arg10 : memref<128x128xf32, #tpu.memory_space<vmem>>) offsets(%dma_start3A_169 : memref<128xi32, #tpu.memory_space<vmem>>) semaphore(%arg12 : memref<!tpu.dma_semaphore, #tpu.memory_space<semaphore_mem>>)
    }
    %scan3A_114 = arith.constant 13 : i32
    %dma_wait3A_115 = arith.constant 26 : i32
    %dma_wait3A_116 = arith.constant 0 : i32
    %dma_wait3A_117 = tpu.memref_slice %arg7[%dma_wait3A_115, %dma_wait3A_116] : memref<28x128xi32, #tpu.memory_space<vmem>> -> memref<1x128xi32, #tpu.memory_space<vmem>>
    %dma_wait3A_118 = tpu.memref_squeeze %dma_wait3A_117 : memref<1x128xi32, #tpu.memory_space<vmem>> -> memref<128xi32, #tpu.memory_space<vmem>>
    %dma_wait3A_119 = arith.constant 0 : i32
    %dma_wait3A_120 = arith.constant 0 : i32
    %dma_wait3A_121 = tpu.memref_slice %arg2[%dma_wait3A_119, %dma_wait3A_120] : memref<10000x128xf32, #tpu.memory_space<hbm>> -> memref<10000x128xf32, #tpu.memory_space<hbm>>
    tpu.wait_indirect_dma semaphore(%arg11 : memref<!tpu.dma_semaphore, #tpu.memory_space<semaphore_mem>>) src(%dma_wait3A_121 : memref<10000x128xf32, #tpu.memory_space<hbm>>) dst(%arg9 : memref<128x128xf32, #tpu.memory_space<vmem>>)
    %run_scoped3A_122 = arith.constant 26 : i32
    "tpu.region"() ({
      %run_scoped3A_136 = tpu.sem_alloc : memref<!tpu.dma_semaphore, #tpu.memory_space<semaphore_mem>>
      %dma_start3A_137 = arith.constant 0 : i32
      %dma_start3A_138 = tpu.memref_slice %arg8[%run_scoped3A_122, %dma_start3A_137] : memref<28x128xi32, #tpu.memory_space<vmem>> -> memref<1x128xi32, #tpu.memory_space<vmem>>
      %dma_start3A_139 = tpu.memref_squeeze %dma_start3A_138 : memref<1x128xi32, #tpu.memory_space<vmem>> -> memref<128xi32, #tpu.memory_space<vmem>>
      %dma_start3A_140 = arith.constant 0 : i32
      %dma_start3A_141 = arith.constant 0 : i32
      %dma_start3A_142 = tpu.memref_slice %arg13[%dma_start3A_140, %dma_start3A_141] : memref<10240x128xf32, #tpu.memory_space<vmem_shared>> -> memref<10240x128xf32, #tpu.memory_space<vmem_shared>>
      tpu.enqueue_indirect_dma source(%arg9 : memref<128x128xf32, #tpu.memory_space<vmem>>) target(%dma_start3A_142 : memref<10240x128xf32, #tpu.memory_space<vmem_shared>>) offsets(%dma_start3A_139 : memref<128xi32, #tpu.memory_space<vmem>>) semaphore(%run_scoped3A_136 : memref<!tpu.dma_semaphore, #tpu.memory_space<semaphore_mem>>) {add = true}
      %dma_wait3A_143 = arith.constant 0 : i32
      %dma_wait3A_144 = tpu.memref_slice %arg8[%run_scoped3A_122, %dma_wait3A_143] : memref<28x128xi32, #tpu.memory_space<vmem>> -> memref<1x128xi32, #tpu.memory_space<vmem>>
      %dma_wait3A_145 = tpu.memref_squeeze %dma_wait3A_144 : memref<1x128xi32, #tpu.memory_space<vmem>> -> memref<128xi32, #tpu.memory_space<vmem>>
      %dma_wait3A_146 = arith.constant 0 : i32
      %dma_wait3A_147 = arith.constant 0 : i32
      %dma_wait3A_148 = tpu.memref_slice %arg13[%dma_wait3A_146, %dma_wait3A_147] : memref<10240x128xf32, #tpu.memory_space<vmem_shared>> -> memref<10240x128xf32, #tpu.memory_space<vmem_shared>>
      tpu.wait_indirect_dma semaphore(%run_scoped3A_136 : memref<!tpu.dma_semaphore, #tpu.memory_space<semaphore_mem>>) src(%arg9 : memref<128x128xf32, #tpu.memory_space<vmem>>) dst(%dma_wait3A_148 : memref<10240x128xf32, #tpu.memory_space<vmem_shared>>)
      tpu.yield
    }) : () -> ()
    %dma_wait3A_123 = arith.constant 27 : i32
    %dma_wait3A_124 = arith.constant 0 : i32
    %dma_wait3A_125 = tpu.memref_slice %arg7[%dma_wait3A_123, %dma_wait3A_124] : memref<28x128xi32, #tpu.memory_space<vmem>> -> memref<1x128xi32, #tpu.memory_space<vmem>>
    %dma_wait3A_126 = tpu.memref_squeeze %dma_wait3A_125 : memref<1x128xi32, #tpu.memory_space<vmem>> -> memref<128xi32, #tpu.memory_space<vmem>>
    %dma_wait3A_127 = arith.constant 0 : i32
    %dma_wait3A_128 = arith.constant 0 : i32
    %dma_wait3A_129 = tpu.memref_slice %arg2[%dma_wait3A_127, %dma_wait3A_128] : memref<10000x128xf32, #tpu.memory_space<hbm>> -> memref<10000x128xf32, #tpu.memory_space<hbm>>
    tpu.wait_indirect_dma semaphore(%arg12 : memref<!tpu.dma_semaphore, #tpu.memory_space<semaphore_mem>>) src(%dma_wait3A_129 : memref<10000x128xf32, #tpu.memory_space<hbm>>) dst(%arg10 : memref<128x128xf32, #tpu.memory_space<vmem>>)
    %run_scoped3A_130 = arith.constant 27 : i32
    "tpu.region"() ({
      %run_scoped3A_136 = tpu.sem_alloc : memref<!tpu.dma_semaphore, #tpu.memory_space<semaphore_mem>>
      %dma_start3A_137 = arith.constant 0 : i32
      %dma_start3A_138 = tpu.memref_slice %arg8[%run_scoped3A_130, %dma_start3A_137] : memref<28x128xi32, #tpu.memory_space<vmem>> -> memref<1x128xi32, #tpu.memory_space<vmem>>
      %dma_start3A_139 = tpu.memref_squeeze %dma_start3A_138 : memref<1x128xi32, #tpu.memory_space<vmem>> -> memref<128xi32, #tpu.memory_space<vmem>>
      %dma_start3A_140 = arith.constant 0 : i32
      %dma_start3A_141 = arith.constant 0 : i32
      %dma_start3A_142 = tpu.memref_slice %arg13[%dma_start3A_140, %dma_start3A_141] : memref<10240x128xf32, #tpu.memory_space<vmem_shared>> -> memref<10240x128xf32, #tpu.memory_space<vmem_shared>>
      tpu.enqueue_indirect_dma source(%arg10 : memref<128x128xf32, #tpu.memory_space<vmem>>) target(%dma_start3A_142 : memref<10240x128xf32, #tpu.memory_space<vmem_shared>>) offsets(%dma_start3A_139 : memref<128xi32, #tpu.memory_space<vmem>>) semaphore(%run_scoped3A_136 : memref<!tpu.dma_semaphore, #tpu.memory_space<semaphore_mem>>) {add = true}
      %dma_wait3A_143 = arith.constant 0 : i32
      %dma_wait3A_144 = tpu.memref_slice %arg8[%run_scoped3A_130, %dma_wait3A_143] : memref<28x128xi32, #tpu.memory_space<vmem>> -> memref<1x128xi32, #tpu.memory_space<vmem>>
      %dma_wait3A_145 = tpu.memref_squeeze %dma_wait3A_144 : memref<1x128xi32, #tpu.memory_space<vmem>> -> memref<128xi32, #tpu.memory_space<vmem>>
      %dma_wait3A_146 = arith.constant 0 : i32
      %dma_wait3A_147 = arith.constant 0 : i32
      %dma_wait3A_148 = tpu.memref_slice %arg13[%dma_wait3A_146, %dma_wait3A_147] : memref<10240x128xf32, #tpu.memory_space<vmem_shared>> -> memref<10240x128xf32, #tpu.memory_space<vmem_shared>>
      tpu.wait_indirect_dma semaphore(%run_scoped3A_136 : memref<!tpu.dma_semaphore, #tpu.memory_space<semaphore_mem>>) src(%arg10 : memref<128x128xf32, #tpu.memory_space<vmem>>) dst(%dma_wait3A_148 : memref<10240x128xf32, #tpu.memory_space<vmem_shared>>)
      tpu.yield
    }) : () -> ()
    %barrier3A_131 = arith.constant 0 : index
    tpu.barrier barrier_id(%barrier3A_131)
    %mul3A_132 = arith.constant 640 : i32
    %mul3A_133 = arith.muli %arg1, %mul3A_132 : i32
    %mul3A_134 = arith.constant 640 : i32
    %mul3A_135 = arith.muli %arg1, %mul3A_134 : i32
    "tpu.region"() ({
      %run_scoped3A_136 = tpu.sem_alloc : memref<!tpu.dma_semaphore, #tpu.memory_space<semaphore_mem>>
      %dma_start3A_137 = arith.constant 0 : i32
      %dma_start3A_138 = tpu.memref_slice %arg6[%arg0, %mul3A_135, %dma_start3A_137] : memref<2x10240x128xf32, #tpu.memory_space<hbm>> -> memref<1x640x128xf32, #tpu.memory_space<hbm>>
      %dma_start3A_139 = tpu.memref_squeeze %dma_start3A_138 : memref<1x640x128xf32, #tpu.memory_space<hbm>> -> memref<640x128xf32, #tpu.memory_space<hbm>>
      %dma_start3A_140 = arith.constant 0 : i32
      %dma_start3A_141 = tpu.memref_slice %arg13[%mul3A_133, %dma_start3A_140] : memref<10240x128xf32, #tpu.memory_space<vmem_shared>> -> memref<640x128xf32, #tpu.memory_space<vmem_shared>>
      tpu.enqueue_dma source(%dma_start3A_141 : memref<640x128xf32, #tpu.memory_space<vmem_shared>>) target(%dma_start3A_139 : memref<640x128xf32, #tpu.memory_space<hbm>>) target_semaphore(%run_scoped3A_136 : memref<!tpu.dma_semaphore, #tpu.memory_space<semaphore_mem>>)
      %dma_wait3A_142 = arith.constant 0 : i32
      %dma_wait3A_143 = tpu.memref_slice %arg6[%arg0, %mul3A_135, %dma_wait3A_142] : memref<2x10240x128xf32, #tpu.memory_space<hbm>> -> memref<1x640x128xf32, #tpu.memory_space<hbm>>
      %dma_wait3A_144 = tpu.memref_squeeze %dma_wait3A_143 : memref<1x640x128xf32, #tpu.memory_space<hbm>> -> memref<640x128xf32, #tpu.memory_space<hbm>>
      %dma_wait3A_145 = arith.constant 0 : i32
      %dma_wait3A_146 = tpu.memref_slice %arg13[%mul3A_133, %dma_wait3A_145] : memref<10240x128xf32, #tpu.memory_space<vmem_shared>> -> memref<640x128xf32, #tpu.memory_space<vmem_shared>>
      tpu.wait_dma2 semaphore(%run_scoped3A_136 : memref<!tpu.dma_semaphore, #tpu.memory_space<semaphore_mem>>) src(%dma_wait3A_146 : memref<640x128xf32, #tpu.memory_space<vmem_shared>>) dst(%dma_wait3A_144 : memref<640x128xf32, #tpu.memory_space<hbm>>)
      tpu.yield
    }) : () -> ()
    return
  }
}

#map = affine_map<(d0, d1) -> (0, 0)>
#map1 = affine_map<(d0, d1) -> (0, 0, 0)>
module attributes {stable_mosaic.version = 14 : i64} {
  func.func @body(%arg0: i32, %arg1: i32, %arg2: memref<10000x128xf32, #tpu.memory_space<hbm>>, %arg3: memref<96x28x128xi32, #tpu.memory_space<hbm>>, %arg4: memref<96x28x128xi32, #tpu.memory_space<hbm>>, %arg5: memref<640x128xf32, #tpu.memory_space<hbm>>, %arg6: memref<2x10240x128xf32, #tpu.memory_space<hbm>>, %arg7: memref<28x128xi32, #tpu.memory_space<vmem>>, %arg8: memref<28x128xi32, #tpu.memory_space<vmem>>, %arg9: memref<128x128xf32, #tpu.memory_space<vmem>>, %arg10: memref<128x128xf32, #tpu.memory_space<vmem>>, %arg11: memref<!tpu.dma_semaphore, #tpu.memory_space<semaphore_mem>>, %arg12: memref<!tpu.dma_semaphore, #tpu.memory_space<semaphore_mem>>, %arg13: memref<10240x128xf32, #tpu.memory_space<vmem_shared>>) attributes {dimension_semantics = [#tpu.dimension_semantics<core_parallel>, #tpu.dimension_semantics<subcore_parallel>], iteration_bounds = array<i64: 2, 16>, scalar_prefetch = 0 : i64, scratch_operands = 7 : i64, tpu.core_type = #tpu.core_type<sc_vector_subcore>, window_params = [{transform_indices = #map}, {transform_indices = #map1}, {transform_indices = #map1}, {transform_indices = #map}, {transform_indices = #map1}]} {
    %mul3A = arith.constant 16 : i32
    %mul3A_0 = arith.muli %arg0, %mul3A : i32
    %add3A = arith.addi %mul3A_0, %arg1 : i32
    %mul3A_1 = arith.constant 640 : i32
    %mul3A_2 = arith.muli %arg1, %mul3A_1 : i32
    "tpu.region"() ({
      %run_scoped3A_136 = tpu.sem_alloc : memref<!tpu.dma_semaphore, #tpu.memory_space<semaphore_mem>>
      %dma_start3A_137 = arith.constant 0 : i32
      %dma_start3A_138 = tpu.memref_slice %arg13[%mul3A_2, %dma_start3A_137] : memref<10240x128xf32, #tpu.memory_space<vmem_shared>> -> memref<640x128xf32, #tpu.memory_space<vmem_shared>>
      tpu.enqueue_dma source(%arg5 : memref<640x128xf32, #tpu.memory_space<hbm>>) target(%dma_start3A_138 : memref<640x128xf32, #tpu.memory_space<vmem_shared>>) target_semaphore(%run_scoped3A_136 : memref<!tpu.dma_semaphore, #tpu.memory_space<semaphore_mem>>)
      %dma_wait3A_139 = arith.constant 0 : i32
      %dma_wait3A_140 = tpu.memref_slice %arg13[%mul3A_2, %dma_wait3A_139] : memref<10240x128xf32, #tpu.memory_space<vmem_shared>> -> memref<640x128xf32, #tpu.memory_space<vmem_shared>>
      tpu.wait_dma2 semaphore(%run_scoped3A_136 : memref<!tpu.dma_semaphore, #tpu.memory_space<semaphore_mem>>) src(%arg5 : memref<640x128xf32, #tpu.memory_space<hbm>>) dst(%dma_wait3A_140 : memref<640x128xf32, #tpu.memory_space<vmem_shared>>)
      tpu.yield
    }) : () -> ()
    %barrier3A = arith.constant 0 : index
    tpu.barrier barrier_id(%barrier3A)
    %mul3A_3 = arith.constant 3 : i32
    %mul3A_4 = arith.muli %add3A, %mul3A_3 : i32
    %add3A_5 = arith.constant 0 : i32
    %add3A_6 = arith.addi %mul3A_4, %add3A_5 : i32
    "tpu.region"() ({
      %run_scoped3A_136 = tpu.sem_alloc : memref<!tpu.dma_semaphore, #tpu.memory_space<semaphore_mem>>
      %dma_start3A_137 = arith.constant 0 : i32
      %dma_start3A_138 = arith.constant 0 : i32
      %dma_start3A_139 = tpu.memref_slice %arg3[%add3A_6, %dma_start3A_137, %dma_start3A_138] : memref<96x28x128xi32, #tpu.memory_space<hbm>> -> memref<1x28x128xi32, #tpu.memory_space<hbm>>
      %dma_start3A_140 = tpu.memref_squeeze %dma_start3A_139 : memref<1x28x128xi32, #tpu.memory_space<hbm>> -> memref<28x128xi32, #tpu.memory_space<hbm>>
      %dma_start3A_141 = arith.constant 0 : i32
      %dma_start3A_142 = arith.constant 0 : i32
      %dma_start3A_143 = tpu.memref_slice %arg3[%add3A_6, %dma_start3A_141, %dma_start3A_142] : memref<96x28x128xi32, #tpu.memory_space<hbm>> -> memref<1x28x128xi32, #tpu.memory_space<hbm>>
      %dma_start3A_144 = tpu.memref_squeeze %dma_start3A_143 : memref<1x28x128xi32, #tpu.memory_space<hbm>> -> memref<28x128xi32, #tpu.memory_space<hbm>>
      tpu.enqueue_dma source(%dma_start3A_144 : memref<28x128xi32, #tpu.memory_space<hbm>>) target(%arg7 : memref<28x128xi32, #tpu.memory_space<vmem>>) target_semaphore(%run_scoped3A_136 : memref<!tpu.dma_semaphore, #tpu.memory_space<semaphore_mem>>)
      %dma_wait3A_145 = arith.constant 0 : i32
      %dma_wait3A_146 = arith.constant 0 : i32
      %dma_wait3A_147 = tpu.memref_slice %arg3[%add3A_6, %dma_wait3A_145, %dma_wait3A_146] : memref<96x28x128xi32, #tpu.memory_space<hbm>> -> memref<1x28x128xi32, #tpu.memory_space<hbm>>
      %dma_wait3A_148 = tpu.memref_squeeze %dma_wait3A_147 : memref<1x28x128xi32, #tpu.memory_space<hbm>> -> memref<28x128xi32, #tpu.memory_space<hbm>>
      %dma_wait3A_149 = arith.constant 0 : i32
      %dma_wait3A_150 = arith.constant 0 : i32
      %dma_wait3A_151 = tpu.memref_slice %arg3[%add3A_6, %dma_wait3A_149, %dma_wait3A_150] : memref<96x28x128xi32, #tpu.memory_space<hbm>> -> memref<1x28x128xi32, #tpu.memory_space<hbm>>
      %dma_wait3A_152 = tpu.memref_squeeze %dma_wait3A_151 : memref<1x28x128xi32, #tpu.memory_space<hbm>> -> memref<28x128xi32, #tpu.memory_space<hbm>>
      tpu.wait_dma2 semaphore(%run_scoped3A_136 : memref<!tpu.dma_semaphore, #tpu.memory_space<semaphore_mem>>) src(%dma_wait3A_152 : memref<28x128xi32, #tpu.memory_space<hbm>>) dst(%arg7 : memref<28x128xi32, #tpu.memory_space<vmem>>)
      tpu.yield
    }) : () -> ()
    %mul3A_7 = arith.constant 3 : i32
    %mul3A_8 = arith.muli %add3A, %mul3A_7 : i32
    %add3A_9 = arith.constant 0 : i32
    %add3A_10 = arith.addi %mul3A_8, %add3A_9 : i32
    "tpu.region"() ({
      %run_scoped3A_136 = tpu.sem_alloc : memref<!tpu.dma_semaphore, #tpu.memory_space<semaphore_mem>>
      %dma_start3A_137 = arith.constant 0 : i32
      %dma_start3A_138 = arith.constant 0 : i32
      %dma_start3A_139 = tpu.memref_slice %arg4[%add3A_10, %dma_start3A_137, %dma_start3A_138] : memref<96x28x128xi32, #tpu.memory_space<hbm>> -> memref<1x28x128xi32, #tpu.memory_space<hbm>>
      %dma_start3A_140 = tpu.memref_squeeze %dma_start3A_139 : memref<1x28x128xi32, #tpu.memory_space<hbm>> -> memref<28x128xi32, #tpu.memory_space<hbm>>
      %dma_start3A_141 = arith.constant 0 : i32
      %dma_start3A_142 = arith.constant 0 : i32
      %dma_start3A_143 = tpu.memref_slice %arg4[%add3A_10, %dma_start3A_141, %dma_start3A_142] : memref<96x28x128xi32, #tpu.memory_space<hbm>> -> memref<1x28x128xi32, #tpu.memory_space<hbm>>
      %dma_start3A_144 = tpu.memref_squeeze %dma_start3A_143 : memref<1x28x128xi32, #tpu.memory_space<hbm>> -> memref<28x128xi32, #tpu.memory_space<hbm>>
      tpu.enqueue_dma source(%dma_start3A_144 : memref<28x128xi32, #tpu.memory_space<hbm>>) target(%arg8 : memref<28x128xi32, #tpu.memory_space<vmem>>) target_semaphore(%run_scoped3A_136 : memref<!tpu.dma_semaphore, #tpu.memory_space<semaphore_mem>>)
      %dma_wait3A_145 = arith.constant 0 : i32
      %dma_wait3A_146 = arith.constant 0 : i32
      %dma_wait3A_147 = tpu.memref_slice %arg4[%add3A_10, %dma_wait3A_145, %dma_wait3A_146] : memref<96x28x128xi32, #tpu.memory_space<hbm>> -> memref<1x28x128xi32, #tpu.memory_space<hbm>>
      %dma_wait3A_148 = tpu.memref_squeeze %dma_wait3A_147 : memref<1x28x128xi32, #tpu.memory_space<hbm>> -> memref<28x128xi32, #tpu.memory_space<hbm>>
      %dma_wait3A_149 = arith.constant 0 : i32
      %dma_wait3A_150 = arith.constant 0 : i32
      %dma_wait3A_151 = tpu.memref_slice %arg4[%add3A_10, %dma_wait3A_149, %dma_wait3A_150] : memref<96x28x128xi32, #tpu.memory_space<hbm>> -> memref<1x28x128xi32, #tpu.memory_space<hbm>>
      %dma_wait3A_152 = tpu.memref_squeeze %dma_wait3A_151 : memref<1x28x128xi32, #tpu.memory_space<hbm>> -> memref<28x128xi32, #tpu.memory_space<hbm>>
      tpu.wait_dma2 semaphore(%run_scoped3A_136 : memref<!tpu.dma_semaphore, #tpu.memory_space<semaphore_mem>>) src(%dma_wait3A_152 : memref<28x128xi32, #tpu.memory_space<hbm>>) dst(%arg8 : memref<28x128xi32, #tpu.memory_space<vmem>>)
      tpu.yield
    }) : () -> ()
    %dma_start3A = arith.constant 0 : i32
    %dma_start3A_11 = arith.constant 0 : i32
    %dma_start3A_12 = tpu.memref_slice %arg7[%dma_start3A, %dma_start3A_11] : memref<28x128xi32, #tpu.memory_space<vmem>> -> memref<1x128xi32, #tpu.memory_space<vmem>>
    %dma_start3A_13 = tpu.memref_squeeze %dma_start3A_12 : memref<1x128xi32, #tpu.memory_space<vmem>> -> memref<128xi32, #tpu.memory_space<vmem>>
    %dma_start3A_14 = arith.constant 0 : i32
    %dma_start3A_15 = arith.constant 0 : i32
    %dma_start3A_16 = tpu.memref_slice %arg2[%dma_start3A_14, %dma_start3A_15] : memref<10000x128xf32, #tpu.memory_space<hbm>> -> memref<10000x128xf32, #tpu.memory_space<hbm>>
    tpu.enqueue_indirect_dma source(%dma_start3A_16 : memref<10000x128xf32, #tpu.memory_space<hbm>>) target(%arg9 : memref<128x128xf32, #tpu.memory_space<vmem>>) offsets(%dma_start3A_13 : memref<128xi32, #tpu.memory_space<vmem>>) semaphore(%arg11 : memref<!tpu.dma_semaphore, #tpu.memory_space<semaphore_mem>>)
    %dma_start3A_17 = arith.constant 1 : i32
    %dma_start3A_18 = arith.constant 0 : i32
    %dma_start3A_19 = tpu.memref_slice %arg7[%dma_start3A_17, %dma_start3A_18] : memref<28x128xi32, #tpu.memory_space<vmem>> -> memref<1x128xi32, #tpu.memory_space<vmem>>
    %dma_start3A_20 = tpu.memref_squeeze %dma_start3A_19 : memref<1x128xi32, #tpu.memory_space<vmem>> -> memref<128xi32, #tpu.memory_space<vmem>>
    %dma_start3A_21 = arith.constant 0 : i32
    %dma_start3A_22 = arith.constant 0 : i32
    %dma_start3A_23 = tpu.memref_slice %arg2[%dma_start3A_21, %dma_start3A_22] : memref<10000x128xf32, #tpu.memory_space<hbm>> -> memref<10000x128xf32, #tpu.memory_space<hbm>>
    tpu.enqueue_indirect_dma source(%dma_start3A_23 : memref<10000x128xf32, #tpu.memory_space<hbm>>) target(%arg10 : memref<128x128xf32, #tpu.memory_space<vmem>>) offsets(%dma_start3A_20 : memref<128xi32, #tpu.memory_space<vmem>>) semaphore(%arg12 : memref<!tpu.dma_semaphore, #tpu.memory_space<semaphore_mem>>)
    %scan3A = arith.constant 0 : i32
    %scan3A_24 = arith.constant 0 : i32
    %scan3A_25 = arith.constant 13 : i32
    %scan3A_26 = arith.addi %scan3A_24, %scan3A_25 : i32
    %scan3A_27 = arith.constant 1 : i32
    scf.for %scan3A_136 = %scan3A_24 to %scan3A_26 step %scan3A_27  : i32 {
      %mul3A_137 = arith.constant 2 : i32
      %mul3A_138 = arith.muli %scan3A_136, %mul3A_137 : i32
      %add3A_139 = arith.constant 0 : i32
      %add3A_140 = arith.addi %mul3A_138, %add3A_139 : i32
      %dma_wait3A_141 = arith.constant 0 : i32
      %dma_wait3A_142 = tpu.memref_slice %arg7[%add3A_140, %dma_wait3A_141] : memref<28x128xi32, #tpu.memory_space<vmem>> -> memref<1x128xi32, #tpu.memory_space<vmem>>
      %dma_wait3A_143 = tpu.memref_squeeze %dma_wait3A_142 : memref<1x128xi32, #tpu.memory_space<vmem>> -> memref<128xi32, #tpu.memory_space<vmem>>
      %dma_wait3A_144 = arith.constant 0 : i32
      %dma_wait3A_145 = arith.constant 0 : i32
      %dma_wait3A_146 = tpu.memref_slice %arg2[%dma_wait3A_144, %dma_wait3A_145] : memref<10000x128xf32, #tpu.memory_space<hbm>> -> memref<10000x128xf32, #tpu.memory_space<hbm>>
      tpu.wait_indirect_dma semaphore(%arg11 : memref<!tpu.dma_semaphore, #tpu.memory_space<semaphore_mem>>) src(%dma_wait3A_146 : memref<10000x128xf32, #tpu.memory_space<hbm>>) dst(%arg9 : memref<128x128xf32, #tpu.memory_space<vmem>>)
      "tpu.region"() ({
        %run_scoped3A_173 = tpu.sem_alloc : memref<!tpu.dma_semaphore, #tpu.memory_space<semaphore_mem>>
        %dma_start3A_174 = arith.constant 0 : i32
        %dma_start3A_175 = tpu.memref_slice %arg8[%add3A_140, %dma_start3A_174] : memref<28x128xi32, #tpu.memory_space<vmem>> -> memref<1x128xi32, #tpu.memory_space<vmem>>
        %dma_start3A_176 = tpu.memref_squeeze %dma_start3A_175 : memref<1x128xi32, #tpu.memory_space<vmem>> -> memref<128xi32, #tpu.memory_space<vmem>>
        %dma_start3A_177 = arith.constant 0 : i32
        %dma_start3A_178 = arith.constant 0 : i32
        %dma_start3A_179 = tpu.memref_slice %arg13[%dma_start3A_177, %dma_start3A_178] : memref<10240x128xf32, #tpu.memory_space<vmem_shared>> -> memref<10240x128xf32, #tpu.memory_space<vmem_shared>>
        tpu.enqueue_indirect_dma source(%arg9 : memref<128x128xf32, #tpu.memory_space<vmem>>) target(%dma_start3A_179 : memref<10240x128xf32, #tpu.memory_space<vmem_shared>>) offsets(%dma_start3A_176 : memref<128xi32, #tpu.memory_space<vmem>>) semaphore(%run_scoped3A_173 : memref<!tpu.dma_semaphore, #tpu.memory_space<semaphore_mem>>) {add = true}
        %dma_wait3A_180 = arith.constant 0 : i32
        %dma_wait3A_181 = tpu.memref_slice %arg8[%add3A_140, %dma_wait3A_180] : memref<28x128xi32, #tpu.memory_space<vmem>> -> memref<1x128xi32, #tpu.memory_space<vmem>>
        %dma_wait3A_182 = tpu.memref_squeeze %dma_wait3A_181 : memref<1x128xi32, #tpu.memory_space<vmem>> -> memref<128xi32, #tpu.memory_space<vmem>>
        %dma_wait3A_183 = arith.constant 0 : i32
        %dma_wait3A_184 = arith.constant 0 : i32
        %dma_wait3A_185 = tpu.memref_slice %arg13[%dma_wait3A_183, %dma_wait3A_184] : memref<10240x128xf32, #tpu.memory_space<vmem_shared>> -> memref<10240x128xf32, #tpu.memory_space<vmem_shared>>
        tpu.wait_indirect_dma semaphore(%run_scoped3A_173 : memref<!tpu.dma_semaphore, #tpu.memory_space<semaphore_mem>>) src(%arg9 : memref<128x128xf32, #tpu.memory_space<vmem>>) dst(%dma_wait3A_185 : memref<10240x128xf32, #tpu.memory_space<vmem_shared>>)
        tpu.yield
      }) : () -> ()
      %add3A_147 = arith.constant 2 : i32
      %add3A_148 = arith.addi %add3A_140, %add3A_147 : i32
      %dma_start3A_149 = arith.constant 0 : i32
      %dma_start3A_150 = tpu.memref_slice %arg7[%add3A_148, %dma_start3A_149] : memref<28x128xi32, #tpu.memory_space<vmem>> -> memref<1x128xi32, #tpu.memory_space<vmem>>
      %dma_start3A_151 = tpu.memref_squeeze %dma_start3A_150 : memref<1x128xi32, #tpu.memory_space<vmem>> -> memref<128xi32, #tpu.memory_space<vmem>>
      %dma_start3A_152 = arith.constant 0 : i32
      %dma_start3A_153 = arith.constant 0 : i32
      %dma_start3A_154 = tpu.memref_slice %arg2[%dma_start3A_152, %dma_start3A_153] : memref<10000x128xf32, #tpu.memory_space<hbm>> -> memref<10000x128xf32, #tpu.memory_space<hbm>>
      tpu.enqueue_indirect_dma source(%dma_start3A_154 : memref<10000x128xf32, #tpu.memory_space<hbm>>) target(%arg9 : memref<128x128xf32, #tpu.memory_space<vmem>>) offsets(%dma_start3A_151 : memref<128xi32, #tpu.memory_space<vmem>>) semaphore(%arg11 : memref<!tpu.dma_semaphore, #tpu.memory_space<semaphore_mem>>)
      %mul3A_155 = arith.constant 2 : i32
      %mul3A_156 = arith.muli %scan3A_136, %mul3A_155 : i32
      %add3A_157 = arith.constant 1 : i32
      %add3A_158 = arith.addi %mul3A_156, %add3A_157 : i32
      %dma_wait3A_159 = arith.constant 0 : i32
      %dma_wait3A_160 = tpu.memref_slice %arg7[%add3A_158, %dma_wait3A_159] : memref<28x128xi32, #tpu.memory_space<vmem>> -> memref<1x128xi32, #tpu.memory_space<vmem>>
      %dma_wait3A_161 = tpu.memref_squeeze %dma_wait3A_160 : memref<1x128xi32, #tpu.memory_space<vmem>> -> memref<128xi32, #tpu.memory_space<vmem>>
      %dma_wait3A_162 = arith.constant 0 : i32
      %dma_wait3A_163 = arith.constant 0 : i32
      %dma_wait3A_164 = tpu.memref_slice %arg2[%dma_wait3A_162, %dma_wait3A_163] : memref<10000x128xf32, #tpu.memory_space<hbm>> -> memref<10000x128xf32, #tpu.memory_space<hbm>>
      tpu.wait_indirect_dma semaphore(%arg12 : memref<!tpu.dma_semaphore, #tpu.memory_space<semaphore_mem>>) src(%dma_wait3A_164 : memref<10000x128xf32, #tpu.memory_space<hbm>>) dst(%arg10 : memref<128x128xf32, #tpu.memory_space<vmem>>)
      "tpu.region"() ({
        %run_scoped3A_173 = tpu.sem_alloc : memref<!tpu.dma_semaphore, #tpu.memory_space<semaphore_mem>>
        %dma_start3A_174 = arith.constant 0 : i32
        %dma_start3A_175 = tpu.memref_slice %arg8[%add3A_158, %dma_start3A_174] : memref<28x128xi32, #tpu.memory_space<vmem>> -> memref<1x128xi32, #tpu.memory_space<vmem>>
        %dma_start3A_176 = tpu.memref_squeeze %dma_start3A_175 : memref<1x128xi32, #tpu.memory_space<vmem>> -> memref<128xi32, #tpu.memory_space<vmem>>
        %dma_start3A_177 = arith.constant 0 : i32
        %dma_start3A_178 = arith.constant 0 : i32
        %dma_start3A_179 = tpu.memref_slice %arg13[%dma_start3A_177, %dma_start3A_178] : memref<10240x128xf32, #tpu.memory_space<vmem_shared>> -> memref<10240x128xf32, #tpu.memory_space<vmem_shared>>
        tpu.enqueue_indirect_dma source(%arg10 : memref<128x128xf32, #tpu.memory_space<vmem>>) target(%dma_start3A_179 : memref<10240x128xf32, #tpu.memory_space<vmem_shared>>) offsets(%dma_start3A_176 : memref<128xi32, #tpu.memory_space<vmem>>) semaphore(%run_scoped3A_173 : memref<!tpu.dma_semaphore, #tpu.memory_space<semaphore_mem>>) {add = true}
        %dma_wait3A_180 = arith.constant 0 : i32
        %dma_wait3A_181 = tpu.memref_slice %arg8[%add3A_158, %dma_wait3A_180] : memref<28x128xi32, #tpu.memory_space<vmem>> -> memref<1x128xi32, #tpu.memory_space<vmem>>
        %dma_wait3A_182 = tpu.memref_squeeze %dma_wait3A_181 : memref<1x128xi32, #tpu.memory_space<vmem>> -> memref<128xi32, #tpu.memory_space<vmem>>
        %dma_wait3A_183 = arith.constant 0 : i32
        %dma_wait3A_184 = arith.constant 0 : i32
        %dma_wait3A_185 = tpu.memref_slice %arg13[%dma_wait3A_183, %dma_wait3A_184] : memref<10240x128xf32, #tpu.memory_space<vmem_shared>> -> memref<10240x128xf32, #tpu.memory_space<vmem_shared>>
        tpu.wait_indirect_dma semaphore(%run_scoped3A_173 : memref<!tpu.dma_semaphore, #tpu.memory_space<semaphore_mem>>) src(%arg10 : memref<128x128xf32, #tpu.memory_space<vmem>>) dst(%dma_wait3A_185 : memref<10240x128xf32, #tpu.memory_space<vmem_shared>>)
        tpu.yield
      }) : () -> ()
      %add3A_165 = arith.constant 2 : i32
      %add3A_166 = arith.addi %add3A_158, %add3A_165 : i32
      %dma_start3A_167 = arith.constant 0 : i32
      %dma_start3A_168 = tpu.memref_slice %arg7[%add3A_166, %dma_start3A_167] : memref<28x128xi32, #tpu.memory_space<vmem>> -> memref<1x128xi32, #tpu.memory_space<vmem>>
      %dma_start3A_169 = tpu.memref_squeeze %dma_start3A_168 : memref<1x128xi32, #tpu.memory_space<vmem>> -> memref<128xi32, #tpu.memory_space<vmem>>
      %dma_start3A_170 = arith.constant 0 : i32
      %dma_start3A_171 = arith.constant 0 : i32
      %dma_start3A_172 = tpu.memref_slice %arg2[%dma_start3A_170, %dma_start3A_171] : memref<10000x128xf32, #tpu.memory_space<hbm>> -> memref<10000x128xf32, #tpu.memory_space<hbm>>
      tpu.enqueue_indirect_dma source(%dma_start3A_172 : memref<10000x128xf32, #tpu.memory_space<hbm>>) target(%arg10 : memref<128x128xf32, #tpu.memory_space<vmem>>) offsets(%dma_start3A_169 : memref<128xi32, #tpu.memory_space<vmem>>) semaphore(%arg12 : memref<!tpu.dma_semaphore, #tpu.memory_space<semaphore_mem>>)
    }
    %scan3A_28 = arith.constant 13 : i32
    %dma_wait3A = arith.constant 26 : i32
    %dma_wait3A_29 = arith.constant 0 : i32
    %dma_wait3A_30 = tpu.memref_slice %arg7[%dma_wait3A, %dma_wait3A_29] : memref<28x128xi32, #tpu.memory_space<vmem>> -> memref<1x128xi32, #tpu.memory_space<vmem>>
    %dma_wait3A_31 = tpu.memref_squeeze %dma_wait3A_30 : memref<1x128xi32, #tpu.memory_space<vmem>> -> memref<128xi32, #tpu.memory_space<vmem>>
    %dma_wait3A_32 = arith.constant 0 : i32
    %dma_wait3A_33 = arith.constant 0 : i32
    %dma_wait3A_34 = tpu.memref_slice %arg2[%dma_wait3A_32, %dma_wait3A_33] : memref<10000x128xf32, #tpu.memory_space<hbm>> -> memref<10000x128xf32, #tpu.memory_space<hbm>>
    tpu.wait_indirect_dma semaphore(%arg11 : memref<!tpu.dma_semaphore, #tpu.memory_space<semaphore_mem>>) src(%dma_wait3A_34 : memref<10000x128xf32, #tpu.memory_space<hbm>>) dst(%arg9 : memref<128x128xf32, #tpu.memory_space<vmem>>)
    %run_scoped3A = arith.constant 26 : i32
    "tpu.region"() ({
      %run_scoped3A_136 = tpu.sem_alloc : memref<!tpu.dma_semaphore, #tpu.memory_space<semaphore_mem>>
      %dma_start3A_137 = arith.constant 0 : i32
      %dma_start3A_138 = tpu.memref_slice %arg8[%run_scoped3A, %dma_start3A_137] : memref<28x128xi32, #tpu.memory_space<vmem>> -> memref<1x128xi32, #tpu.memory_space<vmem>>
      %dma_start3A_139 = tpu.memref_squeeze %dma_start3A_138 : memref<1x128xi32, #tpu.memory_space<vmem>> -> memref<128xi32, #tpu.memory_space<vmem>>
      %dma_start3A_140 = arith.constant 0 : i32
      %dma_start3A_141 = arith.constant 0 : i32
      %dma_start3A_142 = tpu.memref_slice %arg13[%dma_start3A_140, %dma_start3A_141] : memref<10240x128xf32, #tpu.memory_space<vmem_shared>> -> memref<10240x128xf32, #tpu.memory_space<vmem_shared>>
      tpu.enqueue_indirect_dma source(%arg9 : memref<128x128xf32, #tpu.memory_space<vmem>>) target(%dma_start3A_142 : memref<10240x128xf32, #tpu.memory_space<vmem_shared>>) offsets(%dma_start3A_139 : memref<128xi32, #tpu.memory_space<vmem>>) semaphore(%run_scoped3A_136 : memref<!tpu.dma_semaphore, #tpu.memory_space<semaphore_mem>>) {add = true}
      %dma_wait3A_143 = arith.constant 0 : i32
      %dma_wait3A_144 = tpu.memref_slice %arg8[%run_scoped3A, %dma_wait3A_143] : memref<28x128xi32, #tpu.memory_space<vmem>> -> memref<1x128xi32, #tpu.memory_space<vmem>>
      %dma_wait3A_145 = tpu.memref_squeeze %dma_wait3A_144 : memref<1x128xi32, #tpu.memory_space<vmem>> -> memref<128xi32, #tpu.memory_space<vmem>>
      %dma_wait3A_146 = arith.constant 0 : i32
      %dma_wait3A_147 = arith.constant 0 : i32
      %dma_wait3A_148 = tpu.memref_slice %arg13[%dma_wait3A_146, %dma_wait3A_147] : memref<10240x128xf32, #tpu.memory_space<vmem_shared>> -> memref<10240x128xf32, #tpu.memory_space<vmem_shared>>
      tpu.wait_indirect_dma semaphore(%run_scoped3A_136 : memref<!tpu.dma_semaphore, #tpu.memory_space<semaphore_mem>>) src(%arg9 : memref<128x128xf32, #tpu.memory_space<vmem>>) dst(%dma_wait3A_148 : memref<10240x128xf32, #tpu.memory_space<vmem_shared>>)
      tpu.yield
    }) : () -> ()
    %dma_wait3A_35 = arith.constant 27 : i32
    %dma_wait3A_36 = arith.constant 0 : i32
    %dma_wait3A_37 = tpu.memref_slice %arg7[%dma_wait3A_35, %dma_wait3A_36] : memref<28x128xi32, #tpu.memory_space<vmem>> -> memref<1x128xi32, #tpu.memory_space<vmem>>
    %dma_wait3A_38 = tpu.memref_squeeze %dma_wait3A_37 : memref<1x128xi32, #tpu.memory_space<vmem>> -> memref<128xi32, #tpu.memory_space<vmem>>
    %dma_wait3A_39 = arith.constant 0 : i32
    %dma_wait3A_40 = arith.constant 0 : i32
    %dma_wait3A_41 = tpu.memref_slice %arg2[%dma_wait3A_39, %dma_wait3A_40] : memref<10000x128xf32, #tpu.memory_space<hbm>> -> memref<10000x128xf32, #tpu.memory_space<hbm>>
    tpu.wait_indirect_dma semaphore(%arg12 : memref<!tpu.dma_semaphore, #tpu.memory_space<semaphore_mem>>) src(%dma_wait3A_41 : memref<10000x128xf32, #tpu.memory_space<hbm>>) dst(%arg10 : memref<128x128xf32, #tpu.memory_space<vmem>>)
    %run_scoped3A_42 = arith.constant 27 : i32
    "tpu.region"() ({
      %run_scoped3A_136 = tpu.sem_alloc : memref<!tpu.dma_semaphore, #tpu.memory_space<semaphore_mem>>
      %dma_start3A_137 = arith.constant 0 : i32
      %dma_start3A_138 = tpu.memref_slice %arg8[%run_scoped3A_42, %dma_start3A_137] : memref<28x128xi32, #tpu.memory_space<vmem>> -> memref<1x128xi32, #tpu.memory_space<vmem>>
      %dma_start3A_139 = tpu.memref_squeeze %dma_start3A_138 : memref<1x128xi32, #tpu.memory_space<vmem>> -> memref<128xi32, #tpu.memory_space<vmem>>
      %dma_start3A_140 = arith.constant 0 : i32
      %dma_start3A_141 = arith.constant 0 : i32
      %dma_start3A_142 = tpu.memref_slice %arg13[%dma_start3A_140, %dma_start3A_141] : memref<10240x128xf32, #tpu.memory_space<vmem_shared>> -> memref<10240x128xf32, #tpu.memory_space<vmem_shared>>
      tpu.enqueue_indirect_dma source(%arg10 : memref<128x128xf32, #tpu.memory_space<vmem>>) target(%dma_start3A_142 : memref<10240x128xf32, #tpu.memory_space<vmem_shared>>) offsets(%dma_start3A_139 : memref<128xi32, #tpu.memory_space<vmem>>) semaphore(%run_scoped3A_136 : memref<!tpu.dma_semaphore, #tpu.memory_space<semaphore_mem>>) {add = true}
      %dma_wait3A_143 = arith.constant 0 : i32
      %dma_wait3A_144 = tpu.memref_slice %arg8[%run_scoped3A_42, %dma_wait3A_143] : memref<28x128xi32, #tpu.memory_space<vmem>> -> memref<1x128xi32, #tpu.memory_space<vmem>>
      %dma_wait3A_145 = tpu.memref_squeeze %dma_wait3A_144 : memref<1x128xi32, #tpu.memory_space<vmem>> -> memref<128xi32, #tpu.memory_space<vmem>>
      %dma_wait3A_146 = arith.constant 0 : i32
      %dma_wait3A_147 = arith.constant 0 : i32
      %dma_wait3A_148 = tpu.memref_slice %arg13[%dma_wait3A_146, %dma_wait3A_147] : memref<10240x128xf32, #tpu.memory_space<vmem_shared>> -> memref<10240x128xf32, #tpu.memory_space<vmem_shared>>
      tpu.wait_indirect_dma semaphore(%run_scoped3A_136 : memref<!tpu.dma_semaphore, #tpu.memory_space<semaphore_mem>>) src(%arg10 : memref<128x128xf32, #tpu.memory_space<vmem>>) dst(%dma_wait3A_148 : memref<10240x128xf32, #tpu.memory_space<vmem_shared>>)
      tpu.yield
    }) : () -> ()
    %mul3A_43 = arith.constant 3 : i32
    %mul3A_44 = arith.muli %add3A, %mul3A_43 : i32
    %add3A_45 = arith.constant 1 : i32
    %add3A_46 = arith.addi %mul3A_44, %add3A_45 : i32
    "tpu.region"() ({
      %run_scoped3A_136 = tpu.sem_alloc : memref<!tpu.dma_semaphore, #tpu.memory_space<semaphore_mem>>
      %dma_start3A_137 = arith.constant 0 : i32
      %dma_start3A_138 = arith.constant 0 : i32
      %dma_start3A_139 = tpu.memref_slice %arg3[%add3A_46, %dma_start3A_137, %dma_start3A_138] : memref<96x28x128xi32, #tpu.memory_space<hbm>> -> memref<1x28x128xi32, #tpu.memory_space<hbm>>
      %dma_start3A_140 = tpu.memref_squeeze %dma_start3A_139 : memref<1x28x128xi32, #tpu.memory_space<hbm>> -> memref<28x128xi32, #tpu.memory_space<hbm>>
      %dma_start3A_141 = arith.constant 0 : i32
      %dma_start3A_142 = arith.constant 0 : i32
      %dma_start3A_143 = tpu.memref_slice %arg3[%add3A_46, %dma_start3A_141, %dma_start3A_142] : memref<96x28x128xi32, #tpu.memory_space<hbm>> -> memref<1x28x128xi32, #tpu.memory_space<hbm>>
      %dma_start3A_144 = tpu.memref_squeeze %dma_start3A_143 : memref<1x28x128xi32, #tpu.memory_space<hbm>> -> memref<28x128xi32, #tpu.memory_space<hbm>>
      tpu.enqueue_dma source(%dma_start3A_144 : memref<28x128xi32, #tpu.memory_space<hbm>>) target(%arg7 : memref<28x128xi32, #tpu.memory_space<vmem>>) target_semaphore(%run_scoped3A_136 : memref<!tpu.dma_semaphore, #tpu.memory_space<semaphore_mem>>)
      %dma_wait3A_145 = arith.constant 0 : i32
      %dma_wait3A_146 = arith.constant 0 : i32
      %dma_wait3A_147 = tpu.memref_slice %arg3[%add3A_46, %dma_wait3A_145, %dma_wait3A_146] : memref<96x28x128xi32, #tpu.memory_space<hbm>> -> memref<1x28x128xi32, #tpu.memory_space<hbm>>
      %dma_wait3A_148 = tpu.memref_squeeze %dma_wait3A_147 : memref<1x28x128xi32, #tpu.memory_space<hbm>> -> memref<28x128xi32, #tpu.memory_space<hbm>>
      %dma_wait3A_149 = arith.constant 0 : i32
      %dma_wait3A_150 = arith.constant 0 : i32
      %dma_wait3A_151 = tpu.memref_slice %arg3[%add3A_46, %dma_wait3A_149, %dma_wait3A_150] : memref<96x28x128xi32, #tpu.memory_space<hbm>> -> memref<1x28x128xi32, #tpu.memory_space<hbm>>
      %dma_wait3A_152 = tpu.memref_squeeze %dma_wait3A_151 : memref<1x28x128xi32, #tpu.memory_space<hbm>> -> memref<28x128xi32, #tpu.memory_space<hbm>>
      tpu.wait_dma2 semaphore(%run_scoped3A_136 : memref<!tpu.dma_semaphore, #tpu.memory_space<semaphore_mem>>) src(%dma_wait3A_152 : memref<28x128xi32, #tpu.memory_space<hbm>>) dst(%arg7 : memref<28x128xi32, #tpu.memory_space<vmem>>)
      tpu.yield
    }) : () -> ()
    %mul3A_47 = arith.constant 3 : i32
    %mul3A_48 = arith.muli %add3A, %mul3A_47 : i32
    %add3A_49 = arith.constant 1 : i32
    %add3A_50 = arith.addi %mul3A_48, %add3A_49 : i32
    "tpu.region"() ({
      %run_scoped3A_136 = tpu.sem_alloc : memref<!tpu.dma_semaphore, #tpu.memory_space<semaphore_mem>>
      %dma_start3A_137 = arith.constant 0 : i32
      %dma_start3A_138 = arith.constant 0 : i32
      %dma_start3A_139 = tpu.memref_slice %arg4[%add3A_50, %dma_start3A_137, %dma_start3A_138] : memref<96x28x128xi32, #tpu.memory_space<hbm>> -> memref<1x28x128xi32, #tpu.memory_space<hbm>>
      %dma_start3A_140 = tpu.memref_squeeze %dma_start3A_139 : memref<1x28x128xi32, #tpu.memory_space<hbm>> -> memref<28x128xi32, #tpu.memory_space<hbm>>
      %dma_start3A_141 = arith.constant 0 : i32
      %dma_start3A_142 = arith.constant 0 : i32
      %dma_start3A_143 = tpu.memref_slice %arg4[%add3A_50, %dma_start3A_141, %dma_start3A_142] : memref<96x28x128xi32, #tpu.memory_space<hbm>> -> memref<1x28x128xi32, #tpu.memory_space<hbm>>
      %dma_start3A_144 = tpu.memref_squeeze %dma_start3A_143 : memref<1x28x128xi32, #tpu.memory_space<hbm>> -> memref<28x128xi32, #tpu.memory_space<hbm>>
      tpu.enqueue_dma source(%dma_start3A_144 : memref<28x128xi32, #tpu.memory_space<hbm>>) target(%arg8 : memref<28x128xi32, #tpu.memory_space<vmem>>) target_semaphore(%run_scoped3A_136 : memref<!tpu.dma_semaphore, #tpu.memory_space<semaphore_mem>>)
      %dma_wait3A_145 = arith.constant 0 : i32
      %dma_wait3A_146 = arith.constant 0 : i32
      %dma_wait3A_147 = tpu.memref_slice %arg4[%add3A_50, %dma_wait3A_145, %dma_wait3A_146] : memref<96x28x128xi32, #tpu.memory_space<hbm>> -> memref<1x28x128xi32, #tpu.memory_space<hbm>>
      %dma_wait3A_148 = tpu.memref_squeeze %dma_wait3A_147 : memref<1x28x128xi32, #tpu.memory_space<hbm>> -> memref<28x128xi32, #tpu.memory_space<hbm>>
      %dma_wait3A_149 = arith.constant 0 : i32
      %dma_wait3A_150 = arith.constant 0 : i32
      %dma_wait3A_151 = tpu.memref_slice %arg4[%add3A_50, %dma_wait3A_149, %dma_wait3A_150] : memref<96x28x128xi32, #tpu.memory_space<hbm>> -> memref<1x28x128xi32, #tpu.memory_space<hbm>>
      %dma_wait3A_152 = tpu.memref_squeeze %dma_wait3A_151 : memref<1x28x128xi32, #tpu.memory_space<hbm>> -> memref<28x128xi32, #tpu.memory_space<hbm>>
      tpu.wait_dma2 semaphore(%run_scoped3A_136 : memref<!tpu.dma_semaphore, #tpu.memory_space<semaphore_mem>>) src(%dma_wait3A_152 : memref<28x128xi32, #tpu.memory_space<hbm>>) dst(%arg8 : memref<28x128xi32, #tpu.memory_space<vmem>>)
      tpu.yield
    }) : () -> ()
    %dma_start3A_51 = arith.constant 0 : i32
    %dma_start3A_52 = arith.constant 0 : i32
    %dma_start3A_53 = tpu.memref_slice %arg7[%dma_start3A_51, %dma_start3A_52] : memref<28x128xi32, #tpu.memory_space<vmem>> -> memref<1x128xi32, #tpu.memory_space<vmem>>
    %dma_start3A_54 = tpu.memref_squeeze %dma_start3A_53 : memref<1x128xi32, #tpu.memory_space<vmem>> -> memref<128xi32, #tpu.memory_space<vmem>>
    %dma_start3A_55 = arith.constant 0 : i32
    %dma_start3A_56 = arith.constant 0 : i32
    %dma_start3A_57 = tpu.memref_slice %arg2[%dma_start3A_55, %dma_start3A_56] : memref<10000x128xf32, #tpu.memory_space<hbm>> -> memref<10000x128xf32, #tpu.memory_space<hbm>>
    tpu.enqueue_indirect_dma source(%dma_start3A_57 : memref<10000x128xf32, #tpu.memory_space<hbm>>) target(%arg9 : memref<128x128xf32, #tpu.memory_space<vmem>>) offsets(%dma_start3A_54 : memref<128xi32, #tpu.memory_space<vmem>>) semaphore(%arg11 : memref<!tpu.dma_semaphore, #tpu.memory_space<semaphore_mem>>)
    %dma_start3A_58 = arith.constant 1 : i32
    %dma_start3A_59 = arith.constant 0 : i32
    %dma_start3A_60 = tpu.memref_slice %arg7[%dma_start3A_58, %dma_start3A_59] : memref<28x128xi32, #tpu.memory_space<vmem>> -> memref<1x128xi32, #tpu.memory_space<vmem>>
    %dma_start3A_61 = tpu.memref_squeeze %dma_start3A_60 : memref<1x128xi32, #tpu.memory_space<vmem>> -> memref<128xi32, #tpu.memory_space<vmem>>
    %dma_start3A_62 = arith.constant 0 : i32
    %dma_start3A_63 = arith.constant 0 : i32
    %dma_start3A_64 = tpu.memref_slice %arg2[%dma_start3A_62, %dma_start3A_63] : memref<10000x128xf32, #tpu.memory_space<hbm>> -> memref<10000x128xf32, #tpu.memory_space<hbm>>
    tpu.enqueue_indirect_dma source(%dma_start3A_64 : memref<10000x128xf32, #tpu.memory_space<hbm>>) target(%arg10 : memref<128x128xf32, #tpu.memory_space<vmem>>) offsets(%dma_start3A_61 : memref<128xi32, #tpu.memory_space<vmem>>) semaphore(%arg12 : memref<!tpu.dma_semaphore, #tpu.memory_space<semaphore_mem>>)
    %scan3A_65 = arith.constant 0 : i32
    %scan3A_66 = arith.constant 0 : i32
    %scan3A_67 = arith.constant 13 : i32
    %scan3A_68 = arith.addi %scan3A_66, %scan3A_67 : i32
    %scan3A_69 = arith.constant 1 : i32
    scf.for %scan3A_136 = %scan3A_66 to %scan3A_68 step %scan3A_69  : i32 {
      %mul3A_137 = arith.constant 2 : i32
      %mul3A_138 = arith.muli %scan3A_136, %mul3A_137 : i32
      %add3A_139 = arith.constant 0 : i32
      %add3A_140 = arith.addi %mul3A_138, %add3A_139 : i32
      %dma_wait3A_141 = arith.constant 0 : i32
      %dma_wait3A_142 = tpu.memref_slice %arg7[%add3A_140, %dma_wait3A_141] : memref<28x128xi32, #tpu.memory_space<vmem>> -> memref<1x128xi32, #tpu.memory_space<vmem>>
      %dma_wait3A_143 = tpu.memref_squeeze %dma_wait3A_142 : memref<1x128xi32, #tpu.memory_space<vmem>> -> memref<128xi32, #tpu.memory_space<vmem>>
      %dma_wait3A_144 = arith.constant 0 : i32
      %dma_wait3A_145 = arith.constant 0 : i32
      %dma_wait3A_146 = tpu.memref_slice %arg2[%dma_wait3A_144, %dma_wait3A_145] : memref<10000x128xf32, #tpu.memory_space<hbm>> -> memref<10000x128xf32, #tpu.memory_space<hbm>>
      tpu.wait_indirect_dma semaphore(%arg11 : memref<!tpu.dma_semaphore, #tpu.memory_space<semaphore_mem>>) src(%dma_wait3A_146 : memref<10000x128xf32, #tpu.memory_space<hbm>>) dst(%arg9 : memref<128x128xf32, #tpu.memory_space<vmem>>)
      "tpu.region"() ({
        %run_scoped3A_173 = tpu.sem_alloc : memref<!tpu.dma_semaphore, #tpu.memory_space<semaphore_mem>>
        %dma_start3A_174 = arith.constant 0 : i32
        %dma_start3A_175 = tpu.memref_slice %arg8[%add3A_140, %dma_start3A_174] : memref<28x128xi32, #tpu.memory_space<vmem>> -> memref<1x128xi32, #tpu.memory_space<vmem>>
        %dma_start3A_176 = tpu.memref_squeeze %dma_start3A_175 : memref<1x128xi32, #tpu.memory_space<vmem>> -> memref<128xi32, #tpu.memory_space<vmem>>
        %dma_start3A_177 = arith.constant 0 : i32
        %dma_start3A_178 = arith.constant 0 : i32
        %dma_start3A_179 = tpu.memref_slice %arg13[%dma_start3A_177, %dma_start3A_178] : memref<10240x128xf32, #tpu.memory_space<vmem_shared>> -> memref<10240x128xf32, #tpu.memory_space<vmem_shared>>
        tpu.enqueue_indirect_dma source(%arg9 : memref<128x128xf32, #tpu.memory_space<vmem>>) target(%dma_start3A_179 : memref<10240x128xf32, #tpu.memory_space<vmem_shared>>) offsets(%dma_start3A_176 : memref<128xi32, #tpu.memory_space<vmem>>) semaphore(%run_scoped3A_173 : memref<!tpu.dma_semaphore, #tpu.memory_space<semaphore_mem>>) {add = true}
        %dma_wait3A_180 = arith.constant 0 : i32
        %dma_wait3A_181 = tpu.memref_slice %arg8[%add3A_140, %dma_wait3A_180] : memref<28x128xi32, #tpu.memory_space<vmem>> -> memref<1x128xi32, #tpu.memory_space<vmem>>
        %dma_wait3A_182 = tpu.memref_squeeze %dma_wait3A_181 : memref<1x128xi32, #tpu.memory_space<vmem>> -> memref<128xi32, #tpu.memory_space<vmem>>
        %dma_wait3A_183 = arith.constant 0 : i32
        %dma_wait3A_184 = arith.constant 0 : i32
        %dma_wait3A_185 = tpu.memref_slice %arg13[%dma_wait3A_183, %dma_wait3A_184] : memref<10240x128xf32, #tpu.memory_space<vmem_shared>> -> memref<10240x128xf32, #tpu.memory_space<vmem_shared>>
        tpu.wait_indirect_dma semaphore(%run_scoped3A_173 : memref<!tpu.dma_semaphore, #tpu.memory_space<semaphore_mem>>) src(%arg9 : memref<128x128xf32, #tpu.memory_space<vmem>>) dst(%dma_wait3A_185 : memref<10240x128xf32, #tpu.memory_space<vmem_shared>>)
        tpu.yield
      }) : () -> ()
      %add3A_147 = arith.constant 2 : i32
      %add3A_148 = arith.addi %add3A_140, %add3A_147 : i32
      %dma_start3A_149 = arith.constant 0 : i32
      %dma_start3A_150 = tpu.memref_slice %arg7[%add3A_148, %dma_start3A_149] : memref<28x128xi32, #tpu.memory_space<vmem>> -> memref<1x128xi32, #tpu.memory_space<vmem>>
      %dma_start3A_151 = tpu.memref_squeeze %dma_start3A_150 : memref<1x128xi32, #tpu.memory_space<vmem>> -> memref<128xi32, #tpu.memory_space<vmem>>
      %dma_start3A_152 = arith.constant 0 : i32
      %dma_start3A_153 = arith.constant 0 : i32
      %dma_start3A_154 = tpu.memref_slice %arg2[%dma_start3A_152, %dma_start3A_153] : memref<10000x128xf32, #tpu.memory_space<hbm>> -> memref<10000x128xf32, #tpu.memory_space<hbm>>
      tpu.enqueue_indirect_dma source(%dma_start3A_154 : memref<10000x128xf32, #tpu.memory_space<hbm>>) target(%arg9 : memref<128x128xf32, #tpu.memory_space<vmem>>) offsets(%dma_start3A_151 : memref<128xi32, #tpu.memory_space<vmem>>) semaphore(%arg11 : memref<!tpu.dma_semaphore, #tpu.memory_space<semaphore_mem>>)
      %mul3A_155 = arith.constant 2 : i32
      %mul3A_156 = arith.muli %scan3A_136, %mul3A_155 : i32
      %add3A_157 = arith.constant 1 : i32
      %add3A_158 = arith.addi %mul3A_156, %add3A_157 : i32
      %dma_wait3A_159 = arith.constant 0 : i32
      %dma_wait3A_160 = tpu.memref_slice %arg7[%add3A_158, %dma_wait3A_159] : memref<28x128xi32, #tpu.memory_space<vmem>> -> memref<1x128xi32, #tpu.memory_space<vmem>>
      %dma_wait3A_161 = tpu.memref_squeeze %dma_wait3A_160 : memref<1x128xi32, #tpu.memory_space<vmem>> -> memref<128xi32, #tpu.memory_space<vmem>>
      %dma_wait3A_162 = arith.constant 0 : i32
      %dma_wait3A_163 = arith.constant 0 : i32
      %dma_wait3A_164 = tpu.memref_slice %arg2[%dma_wait3A_162, %dma_wait3A_163] : memref<10000x128xf32, #tpu.memory_space<hbm>> -> memref<10000x128xf32, #tpu.memory_space<hbm>>
      tpu.wait_indirect_dma semaphore(%arg12 : memref<!tpu.dma_semaphore, #tpu.memory_space<semaphore_mem>>) src(%dma_wait3A_164 : memref<10000x128xf32, #tpu.memory_space<hbm>>) dst(%arg10 : memref<128x128xf32, #tpu.memory_space<vmem>>)
      "tpu.region"() ({
        %run_scoped3A_173 = tpu.sem_alloc : memref<!tpu.dma_semaphore, #tpu.memory_space<semaphore_mem>>
        %dma_start3A_174 = arith.constant 0 : i32
        %dma_start3A_175 = tpu.memref_slice %arg8[%add3A_158, %dma_start3A_174] : memref<28x128xi32, #tpu.memory_space<vmem>> -> memref<1x128xi32, #tpu.memory_space<vmem>>
        %dma_start3A_176 = tpu.memref_squeeze %dma_start3A_175 : memref<1x128xi32, #tpu.memory_space<vmem>> -> memref<128xi32, #tpu.memory_space<vmem>>
        %dma_start3A_177 = arith.constant 0 : i32
        %dma_start3A_178 = arith.constant 0 : i32
        %dma_start3A_179 = tpu.memref_slice %arg13[%dma_start3A_177, %dma_start3A_178] : memref<10240x128xf32, #tpu.memory_space<vmem_shared>> -> memref<10240x128xf32, #tpu.memory_space<vmem_shared>>
        tpu.enqueue_indirect_dma source(%arg10 : memref<128x128xf32, #tpu.memory_space<vmem>>) target(%dma_start3A_179 : memref<10240x128xf32, #tpu.memory_space<vmem_shared>>) offsets(%dma_start3A_176 : memref<128xi32, #tpu.memory_space<vmem>>) semaphore(%run_scoped3A_173 : memref<!tpu.dma_semaphore, #tpu.memory_space<semaphore_mem>>) {add = true}
        %dma_wait3A_180 = arith.constant 0 : i32
        %dma_wait3A_181 = tpu.memref_slice %arg8[%add3A_158, %dma_wait3A_180] : memref<28x128xi32, #tpu.memory_space<vmem>> -> memref<1x128xi32, #tpu.memory_space<vmem>>
        %dma_wait3A_182 = tpu.memref_squeeze %dma_wait3A_181 : memref<1x128xi32, #tpu.memory_space<vmem>> -> memref<128xi32, #tpu.memory_space<vmem>>
        %dma_wait3A_183 = arith.constant 0 : i32
        %dma_wait3A_184 = arith.constant 0 : i32
        %dma_wait3A_185 = tpu.memref_slice %arg13[%dma_wait3A_183, %dma_wait3A_184] : memref<10240x128xf32, #tpu.memory_space<vmem_shared>> -> memref<10240x128xf32, #tpu.memory_space<vmem_shared>>
        tpu.wait_indirect_dma semaphore(%run_scoped3A_173 : memref<!tpu.dma_semaphore, #tpu.memory_space<semaphore_mem>>) src(%arg10 : memref<128x128xf32, #tpu.memory_space<vmem>>) dst(%dma_wait3A_185 : memref<10240x128xf32, #tpu.memory_space<vmem_shared>>)
        tpu.yield
      }) : () -> ()
      %add3A_165 = arith.constant 2 : i32
      %add3A_166 = arith.addi %add3A_158, %add3A_165 : i32
      %dma_start3A_167 = arith.constant 0 : i32
      %dma_start3A_168 = tpu.memref_slice %arg7[%add3A_166, %dma_start3A_167] : memref<28x128xi32, #tpu.memory_space<vmem>> -> memref<1x128xi32, #tpu.memory_space<vmem>>
      %dma_start3A_169 = tpu.memref_squeeze %dma_start3A_168 : memref<1x128xi32, #tpu.memory_space<vmem>> -> memref<128xi32, #tpu.memory_space<vmem>>
      %dma_start3A_170 = arith.constant 0 : i32
      %dma_start3A_171 = arith.constant 0 : i32
      %dma_start3A_172 = tpu.memref_slice %arg2[%dma_start3A_170, %dma_start3A_171] : memref<10000x128xf32, #tpu.memory_space<hbm>> -> memref<10000x128xf32, #tpu.memory_space<hbm>>
      tpu.enqueue_indirect_dma source(%dma_start3A_172 : memref<10000x128xf32, #tpu.memory_space<hbm>>) target(%arg10 : memref<128x128xf32, #tpu.memory_space<vmem>>) offsets(%dma_start3A_169 : memref<128xi32, #tpu.memory_space<vmem>>) semaphore(%arg12 : memref<!tpu.dma_semaphore, #tpu.memory_space<semaphore_mem>>)
    }
    %scan3A_70 = arith.constant 13 : i32
    %dma_wait3A_71 = arith.constant 26 : i32
    %dma_wait3A_72 = arith.constant 0 : i32
    %dma_wait3A_73 = tpu.memref_slice %arg7[%dma_wait3A_71, %dma_wait3A_72] : memref<28x128xi32, #tpu.memory_space<vmem>> -> memref<1x128xi32, #tpu.memory_space<vmem>>
    %dma_wait3A_74 = tpu.memref_squeeze %dma_wait3A_73 : memref<1x128xi32, #tpu.memory_space<vmem>> -> memref<128xi32, #tpu.memory_space<vmem>>
    %dma_wait3A_75 = arith.constant 0 : i32
    %dma_wait3A_76 = arith.constant 0 : i32
    %dma_wait3A_77 = tpu.memref_slice %arg2[%dma_wait3A_75, %dma_wait3A_76] : memref<10000x128xf32, #tpu.memory_space<hbm>> -> memref<10000x128xf32, #tpu.memory_space<hbm>>
    tpu.wait_indirect_dma semaphore(%arg11 : memref<!tpu.dma_semaphore, #tpu.memory_space<semaphore_mem>>) src(%dma_wait3A_77 : memref<10000x128xf32, #tpu.memory_space<hbm>>) dst(%arg9 : memref<128x128xf32, #tpu.memory_space<vmem>>)
    %run_scoped3A_78 = arith.constant 26 : i32
    "tpu.region"() ({
      %run_scoped3A_136 = tpu.sem_alloc : memref<!tpu.dma_semaphore, #tpu.memory_space<semaphore_mem>>
      %dma_start3A_137 = arith.constant 0 : i32
      %dma_start3A_138 = tpu.memref_slice %arg8[%run_scoped3A_78, %dma_start3A_137] : memref<28x128xi32, #tpu.memory_space<vmem>> -> memref<1x128xi32, #tpu.memory_space<vmem>>
      %dma_start3A_139 = tpu.memref_squeeze %dma_start3A_138 : memref<1x128xi32, #tpu.memory_space<vmem>> -> memref<128xi32, #tpu.memory_space<vmem>>
      %dma_start3A_140 = arith.constant 0 : i32
      %dma_start3A_141 = arith.constant 0 : i32
      %dma_start3A_142 = tpu.memref_slice %arg13[%dma_start3A_140, %dma_start3A_141] : memref<10240x128xf32, #tpu.memory_space<vmem_shared>> -> memref<10240x128xf32, #tpu.memory_space<vmem_shared>>
      tpu.enqueue_indirect_dma source(%arg9 : memref<128x128xf32, #tpu.memory_space<vmem>>) target(%dma_start3A_142 : memref<10240x128xf32, #tpu.memory_space<vmem_shared>>) offsets(%dma_start3A_139 : memref<128xi32, #tpu.memory_space<vmem>>) semaphore(%run_scoped3A_136 : memref<!tpu.dma_semaphore, #tpu.memory_space<semaphore_mem>>) {add = true}
      %dma_wait3A_143 = arith.constant 0 : i32
      %dma_wait3A_144 = tpu.memref_slice %arg8[%run_scoped3A_78, %dma_wait3A_143] : memref<28x128xi32, #tpu.memory_space<vmem>> -> memref<1x128xi32, #tpu.memory_space<vmem>>
      %dma_wait3A_145 = tpu.memref_squeeze %dma_wait3A_144 : memref<1x128xi32, #tpu.memory_space<vmem>> -> memref<128xi32, #tpu.memory_space<vmem>>
      %dma_wait3A_146 = arith.constant 0 : i32
      %dma_wait3A_147 = arith.constant 0 : i32
      %dma_wait3A_148 = tpu.memref_slice %arg13[%dma_wait3A_146, %dma_wait3A_147] : memref<10240x128xf32, #tpu.memory_space<vmem_shared>> -> memref<10240x128xf32, #tpu.memory_space<vmem_shared>>
      tpu.wait_indirect_dma semaphore(%run_scoped3A_136 : memref<!tpu.dma_semaphore, #tpu.memory_space<semaphore_mem>>) src(%arg9 : memref<128x128xf32, #tpu.memory_space<vmem>>) dst(%dma_wait3A_148 : memref<10240x128xf32, #tpu.memory_space<vmem_shared>>)
      tpu.yield
    }) : () -> ()
    %dma_wait3A_79 = arith.constant 27 : i32
    %dma_wait3A_80 = arith.constant 0 : i32
    %dma_wait3A_81 = tpu.memref_slice %arg7[%dma_wait3A_79, %dma_wait3A_80] : memref<28x128xi32, #tpu.memory_space<vmem>> -> memref<1x128xi32, #tpu.memory_space<vmem>>
    %dma_wait3A_82 = tpu.memref_squeeze %dma_wait3A_81 : memref<1x128xi32, #tpu.memory_space<vmem>> -> memref<128xi32, #tpu.memory_space<vmem>>
    %dma_wait3A_83 = arith.constant 0 : i32
    %dma_wait3A_84 = arith.constant 0 : i32
    %dma_wait3A_85 = tpu.memref_slice %arg2[%dma_wait3A_83, %dma_wait3A_84] : memref<10000x128xf32, #tpu.memory_space<hbm>> -> memref<10000x128xf32, #tpu.memory_space<hbm>>
    tpu.wait_indirect_dma semaphore(%arg12 : memref<!tpu.dma_semaphore, #tpu.memory_space<semaphore_mem>>) src(%dma_wait3A_85 : memref<10000x128xf32, #tpu.memory_space<hbm>>) dst(%arg10 : memref<128x128xf32, #tpu.memory_space<vmem>>)
    %run_scoped3A_86 = arith.constant 27 : i32
    "tpu.region"() ({
      %run_scoped3A_136 = tpu.sem_alloc : memref<!tpu.dma_semaphore, #tpu.memory_space<semaphore_mem>>
      %dma_start3A_137 = arith.constant 0 : i32
      %dma_start3A_138 = tpu.memref_slice %arg8[%run_scoped3A_86, %dma_start3A_137] : memref<28x128xi32, #tpu.memory_space<vmem>> -> memref<1x128xi32, #tpu.memory_space<vmem>>
      %dma_start3A_139 = tpu.memref_squeeze %dma_start3A_138 : memref<1x128xi32, #tpu.memory_space<vmem>> -> memref<128xi32, #tpu.memory_space<vmem>>
      %dma_start3A_140 = arith.constant 0 : i32
      %dma_start3A_141 = arith.constant 0 : i32
      %dma_start3A_142 = tpu.memref_slice %arg13[%dma_start3A_140, %dma_start3A_141] : memref<10240x128xf32, #tpu.memory_space<vmem_shared>> -> memref<10240x128xf32, #tpu.memory_space<vmem_shared>>
      tpu.enqueue_indirect_dma source(%arg10 : memref<128x128xf32, #tpu.memory_space<vmem>>) target(%dma_start3A_142 : memref<10240x128xf32, #tpu.memory_space<vmem_shared>>) offsets(%dma_start3A_139 : memref<128xi32, #tpu.memory_space<vmem>>) semaphore(%run_scoped3A_136 : memref<!tpu.dma_semaphore, #tpu.memory_space<semaphore_mem>>) {add = true}
      %dma_wait3A_143 = arith.constant 0 : i32
      %dma_wait3A_144 = tpu.memref_slice %arg8[%run_scoped3A_86, %dma_wait3A_143] : memref<28x128xi32, #tpu.memory_space<vmem>> -> memref<1x128xi32, #tpu.memory_space<vmem>>
      %dma_wait3A_145 = tpu.memref_squeeze %dma_wait3A_144 : memref<1x128xi32, #tpu.memory_space<vmem>> -> memref<128xi32, #tpu.memory_space<vmem>>
      %dma_wait3A_146 = arith.constant 0 : i32
      %dma_wait3A_147 = arith.constant 0 : i32
      %dma_wait3A_148 = tpu.memref_slice %arg13[%dma_wait3A_146, %dma_wait3A_147] : memref<10240x128xf32, #tpu.memory_space<vmem_shared>> -> memref<10240x128xf32, #tpu.memory_space<vmem_shared>>
      tpu.wait_indirect_dma semaphore(%run_scoped3A_136 : memref<!tpu.dma_semaphore, #tpu.memory_space<semaphore_mem>>) src(%arg10 : memref<128x128xf32, #tpu.memory_space<vmem>>) dst(%dma_wait3A_148 : memref<10240x128xf32, #tpu.memory_space<vmem_shared>>)
      tpu.yield
    }) : () -> ()
    %mul3A_87 = arith.constant 3 : i32
    %mul3A_88 = arith.muli %add3A, %mul3A_87 : i32
    %add3A_89 = arith.constant 2 : i32
    %add3A_90 = arith.addi %mul3A_88, %add3A_89 : i32
    "tpu.region"() ({
      %run_scoped3A_136 = tpu.sem_alloc : memref<!tpu.dma_semaphore, #tpu.memory_space<semaphore_mem>>
      %dma_start3A_137 = arith.constant 0 : i32
      %dma_start3A_138 = arith.constant 0 : i32
      %dma_start3A_139 = tpu.memref_slice %arg3[%add3A_90, %dma_start3A_137, %dma_start3A_138] : memref<96x28x128xi32, #tpu.memory_space<hbm>> -> memref<1x28x128xi32, #tpu.memory_space<hbm>>
      %dma_start3A_140 = tpu.memref_squeeze %dma_start3A_139 : memref<1x28x128xi32, #tpu.memory_space<hbm>> -> memref<28x128xi32, #tpu.memory_space<hbm>>
      %dma_start3A_141 = arith.constant 0 : i32
      %dma_start3A_142 = arith.constant 0 : i32
      %dma_start3A_143 = tpu.memref_slice %arg3[%add3A_90, %dma_start3A_141, %dma_start3A_142] : memref<96x28x128xi32, #tpu.memory_space<hbm>> -> memref<1x28x128xi32, #tpu.memory_space<hbm>>
      %dma_start3A_144 = tpu.memref_squeeze %dma_start3A_143 : memref<1x28x128xi32, #tpu.memory_space<hbm>> -> memref<28x128xi32, #tpu.memory_space<hbm>>
      tpu.enqueue_dma source(%dma_start3A_144 : memref<28x128xi32, #tpu.memory_space<hbm>>) target(%arg7 : memref<28x128xi32, #tpu.memory_space<vmem>>) target_semaphore(%run_scoped3A_136 : memref<!tpu.dma_semaphore, #tpu.memory_space<semaphore_mem>>)
      %dma_wait3A_145 = arith.constant 0 : i32
      %dma_wait3A_146 = arith.constant 0 : i32
      %dma_wait3A_147 = tpu.memref_slice %arg3[%add3A_90, %dma_wait3A_145, %dma_wait3A_146] : memref<96x28x128xi32, #tpu.memory_space<hbm>> -> memref<1x28x128xi32, #tpu.memory_space<hbm>>
      %dma_wait3A_148 = tpu.memref_squeeze %dma_wait3A_147 : memref<1x28x128xi32, #tpu.memory_space<hbm>> -> memref<28x128xi32, #tpu.memory_space<hbm>>
      %dma_wait3A_149 = arith.constant 0 : i32
      %dma_wait3A_150 = arith.constant 0 : i32
      %dma_wait3A_151 = tpu.memref_slice %arg3[%add3A_90, %dma_wait3A_149, %dma_wait3A_150] : memref<96x28x128xi32, #tpu.memory_space<hbm>> -> memref<1x28x128xi32, #tpu.memory_space<hbm>>
      %dma_wait3A_152 = tpu.memref_squeeze %dma_wait3A_151 : memref<1x28x128xi32, #tpu.memory_space<hbm>> -> memref<28x128xi32, #tpu.memory_space<hbm>>
      tpu.wait_dma2 semaphore(%run_scoped3A_136 : memref<!tpu.dma_semaphore, #tpu.memory_space<semaphore_mem>>) src(%dma_wait3A_152 : memref<28x128xi32, #tpu.memory_space<hbm>>) dst(%arg7 : memref<28x128xi32, #tpu.memory_space<vmem>>)
      tpu.yield
    }) : () -> ()
    %mul3A_91 = arith.constant 3 : i32
    %mul3A_92 = arith.muli %add3A, %mul3A_91 : i32
    %add3A_93 = arith.constant 2 : i32
    %add3A_94 = arith.addi %mul3A_92, %add3A_93 : i32
    "tpu.region"() ({
      %run_scoped3A_136 = tpu.sem_alloc : memref<!tpu.dma_semaphore, #tpu.memory_space<semaphore_mem>>
      %dma_start3A_137 = arith.constant 0 : i32
      %dma_start3A_138 = arith.constant 0 : i32
      %dma_start3A_139 = tpu.memref_slice %arg4[%add3A_94, %dma_start3A_137, %dma_start3A_138] : memref<96x28x128xi32, #tpu.memory_space<hbm>> -> memref<1x28x128xi32, #tpu.memory_space<hbm>>
      %dma_start3A_140 = tpu.memref_squeeze %dma_start3A_139 : memref<1x28x128xi32, #tpu.memory_space<hbm>> -> memref<28x128xi32, #tpu.memory_space<hbm>>
      %dma_start3A_141 = arith.constant 0 : i32
      %dma_start3A_142 = arith.constant 0 : i32
      %dma_start3A_143 = tpu.memref_slice %arg4[%add3A_94, %dma_start3A_141, %dma_start3A_142] : memref<96x28x128xi32, #tpu.memory_space<hbm>> -> memref<1x28x128xi32, #tpu.memory_space<hbm>>
      %dma_start3A_144 = tpu.memref_squeeze %dma_start3A_143 : memref<1x28x128xi32, #tpu.memory_space<hbm>> -> memref<28x128xi32, #tpu.memory_space<hbm>>
      tpu.enqueue_dma source(%dma_start3A_144 : memref<28x128xi32, #tpu.memory_space<hbm>>) target(%arg8 : memref<28x128xi32, #tpu.memory_space<vmem>>) target_semaphore(%run_scoped3A_136 : memref<!tpu.dma_semaphore, #tpu.memory_space<semaphore_mem>>)
      %dma_wait3A_145 = arith.constant 0 : i32
      %dma_wait3A_146 = arith.constant 0 : i32
      %dma_wait3A_147 = tpu.memref_slice %arg4[%add3A_94, %dma_wait3A_145, %dma_wait3A_146] : memref<96x28x128xi32, #tpu.memory_space<hbm>> -> memref<1x28x128xi32, #tpu.memory_space<hbm>>
      %dma_wait3A_148 = tpu.memref_squeeze %dma_wait3A_147 : memref<1x28x128xi32, #tpu.memory_space<hbm>> -> memref<28x128xi32, #tpu.memory_space<hbm>>
      %dma_wait3A_149 = arith.constant 0 : i32
      %dma_wait3A_150 = arith.constant 0 : i32
      %dma_wait3A_151 = tpu.memref_slice %arg4[%add3A_94, %dma_wait3A_149, %dma_wait3A_150] : memref<96x28x128xi32, #tpu.memory_space<hbm>> -> memref<1x28x128xi32, #tpu.memory_space<hbm>>
      %dma_wait3A_152 = tpu.memref_squeeze %dma_wait3A_151 : memref<1x28x128xi32, #tpu.memory_space<hbm>> -> memref<28x128xi32, #tpu.memory_space<hbm>>
      tpu.wait_dma2 semaphore(%run_scoped3A_136 : memref<!tpu.dma_semaphore, #tpu.memory_space<semaphore_mem>>) src(%dma_wait3A_152 : memref<28x128xi32, #tpu.memory_space<hbm>>) dst(%arg8 : memref<28x128xi32, #tpu.memory_space<vmem>>)
      tpu.yield
    }) : () -> ()
    %dma_start3A_95 = arith.constant 0 : i32
    %dma_start3A_96 = arith.constant 0 : i32
    %dma_start3A_97 = tpu.memref_slice %arg7[%dma_start3A_95, %dma_start3A_96] : memref<28x128xi32, #tpu.memory_space<vmem>> -> memref<1x128xi32, #tpu.memory_space<vmem>>
    %dma_start3A_98 = tpu.memref_squeeze %dma_start3A_97 : memref<1x128xi32, #tpu.memory_space<vmem>> -> memref<128xi32, #tpu.memory_space<vmem>>
    %dma_start3A_99 = arith.constant 0 : i32
    %dma_start3A_100 = arith.constant 0 : i32
    %dma_start3A_101 = tpu.memref_slice %arg2[%dma_start3A_99, %dma_start3A_100] : memref<10000x128xf32, #tpu.memory_space<hbm>> -> memref<10000x128xf32, #tpu.memory_space<hbm>>
    tpu.enqueue_indirect_dma source(%dma_start3A_101 : memref<10000x128xf32, #tpu.memory_space<hbm>>) target(%arg9 : memref<128x128xf32, #tpu.memory_space<vmem>>) offsets(%dma_start3A_98 : memref<128xi32, #tpu.memory_space<vmem>>) semaphore(%arg11 : memref<!tpu.dma_semaphore, #tpu.memory_space<semaphore_mem>>)
    %dma_start3A_102 = arith.constant 1 : i32
    %dma_start3A_103 = arith.constant 0 : i32
    %dma_start3A_104 = tpu.memref_slice %arg7[%dma_start3A_102, %dma_start3A_103] : memref<28x128xi32, #tpu.memory_space<vmem>> -> memref<1x128xi32, #tpu.memory_space<vmem>>
    %dma_start3A_105 = tpu.memref_squeeze %dma_start3A_104 : memref<1x128xi32, #tpu.memory_space<vmem>> -> memref<128xi32, #tpu.memory_space<vmem>>
    %dma_start3A_106 = arith.constant 0 : i32
    %dma_start3A_107 = arith.constant 0 : i32
    %dma_start3A_108 = tpu.memref_slice %arg2[%dma_start3A_106, %dma_start3A_107] : memref<10000x128xf32, #tpu.memory_space<hbm>> -> memref<10000x128xf32, #tpu.memory_space<hbm>>
    tpu.enqueue_indirect_dma source(%dma_start3A_108 : memref<10000x128xf32, #tpu.memory_space<hbm>>) target(%arg10 : memref<128x128xf32, #tpu.memory_space<vmem>>) offsets(%dma_start3A_105 : memref<128xi32, #tpu.memory_space<vmem>>) semaphore(%arg12 : memref<!tpu.dma_semaphore, #tpu.memory_space<semaphore_mem>>)
    %scan3A_109 = arith.constant 0 : i32
    %scan3A_110 = arith.constant 0 : i32
    %scan3A_111 = arith.constant 13 : i32
    %scan3A_112 = arith.addi %scan3A_110, %scan3A_111 : i32
    %scan3A_113 = arith.constant 1 : i32
    scf.for %scan3A_136 = %scan3A_110 to %scan3A_112 step %scan3A_113  : i32 {
      %mul3A_137 = arith.constant 2 : i32
      %mul3A_138 = arith.muli %scan3A_136, %mul3A_137 : i32
      %add3A_139 = arith.constant 0 : i32
      %add3A_140 = arith.addi %mul3A_138, %add3A_139 : i32
      %dma_wait3A_141 = arith.constant 0 : i32
      %dma_wait3A_142 = tpu.memref_slice %arg7[%add3A_140, %dma_wait3A_141] : memref<28x128xi32, #tpu.memory_space<vmem>> -> memref<1x128xi32, #tpu.memory_space<vmem>>
      %dma_wait3A_143 = tpu.memref_squeeze %dma_wait3A_142 : memref<1x128xi32, #tpu.memory_space<vmem>> -> memref<128xi32, #tpu.memory_space<vmem>>
      %dma_wait3A_144 = arith.constant 0 : i32
      %dma_wait3A_145 = arith.constant 0 : i32
      %dma_wait3A_146 = tpu.memref_slice %arg2[%dma_wait3A_144, %dma_wait3A_145] : memref<10000x128xf32, #tpu.memory_space<hbm>> -> memref<10000x128xf32, #tpu.memory_space<hbm>>
      tpu.wait_indirect_dma semaphore(%arg11 : memref<!tpu.dma_semaphore, #tpu.memory_space<semaphore_mem>>) src(%dma_wait3A_146 : memref<10000x128xf32, #tpu.memory_space<hbm>>) dst(%arg9 : memref<128x128xf32, #tpu.memory_space<vmem>>)
      "tpu.region"() ({
        %run_scoped3A_173 = tpu.sem_alloc : memref<!tpu.dma_semaphore, #tpu.memory_space<semaphore_mem>>
        %dma_start3A_174 = arith.constant 0 : i32
        %dma_start3A_175 = tpu.memref_slice %arg8[%add3A_140, %dma_start3A_174] : memref<28x128xi32, #tpu.memory_space<vmem>> -> memref<1x128xi32, #tpu.memory_space<vmem>>
        %dma_start3A_176 = tpu.memref_squeeze %dma_start3A_175 : memref<1x128xi32, #tpu.memory_space<vmem>> -> memref<128xi32, #tpu.memory_space<vmem>>
        %dma_start3A_177 = arith.constant 0 : i32
        %dma_start3A_178 = arith.constant 0 : i32
        %dma_start3A_179 = tpu.memref_slice %arg13[%dma_start3A_177, %dma_start3A_178] : memref<10240x128xf32, #tpu.memory_space<vmem_shared>> -> memref<10240x128xf32, #tpu.memory_space<vmem_shared>>
        tpu.enqueue_indirect_dma source(%arg9 : memref<128x128xf32, #tpu.memory_space<vmem>>) target(%dma_start3A_179 : memref<10240x128xf32, #tpu.memory_space<vmem_shared>>) offsets(%dma_start3A_176 : memref<128xi32, #tpu.memory_space<vmem>>) semaphore(%run_scoped3A_173 : memref<!tpu.dma_semaphore, #tpu.memory_space<semaphore_mem>>) {add = true}
        %dma_wait3A_180 = arith.constant 0 : i32
        %dma_wait3A_181 = tpu.memref_slice %arg8[%add3A_140, %dma_wait3A_180] : memref<28x128xi32, #tpu.memory_space<vmem>> -> memref<1x128xi32, #tpu.memory_space<vmem>>
        %dma_wait3A_182 = tpu.memref_squeeze %dma_wait3A_181 : memref<1x128xi32, #tpu.memory_space<vmem>> -> memref<128xi32, #tpu.memory_space<vmem>>
        %dma_wait3A_183 = arith.constant 0 : i32
        %dma_wait3A_184 = arith.constant 0 : i32
        %dma_wait3A_185 = tpu.memref_slice %arg13[%dma_wait3A_183, %dma_wait3A_184] : memref<10240x128xf32, #tpu.memory_space<vmem_shared>> -> memref<10240x128xf32, #tpu.memory_space<vmem_shared>>
        tpu.wait_indirect_dma semaphore(%run_scoped3A_173 : memref<!tpu.dma_semaphore, #tpu.memory_space<semaphore_mem>>) src(%arg9 : memref<128x128xf32, #tpu.memory_space<vmem>>) dst(%dma_wait3A_185 : memref<10240x128xf32, #tpu.memory_space<vmem_shared>>)
        tpu.yield
      }) : () -> ()
      %add3A_147 = arith.constant 2 : i32
      %add3A_148 = arith.addi %add3A_140, %add3A_147 : i32
      %dma_start3A_149 = arith.constant 0 : i32
      %dma_start3A_150 = tpu.memref_slice %arg7[%add3A_148, %dma_start3A_149] : memref<28x128xi32, #tpu.memory_space<vmem>> -> memref<1x128xi32, #tpu.memory_space<vmem>>
      %dma_start3A_151 = tpu.memref_squeeze %dma_start3A_150 : memref<1x128xi32, #tpu.memory_space<vmem>> -> memref<128xi32, #tpu.memory_space<vmem>>
      %dma_start3A_152 = arith.constant 0 : i32
      %dma_start3A_153 = arith.constant 0 : i32
      %dma_start3A_154 = tpu.memref_slice %arg2[%dma_start3A_152, %dma_start3A_153] : memref<10000x128xf32, #tpu.memory_space<hbm>> -> memref<10000x128xf32, #tpu.memory_space<hbm>>
      tpu.enqueue_indirect_dma source(%dma_start3A_154 : memref<10000x128xf32, #tpu.memory_space<hbm>>) target(%arg9 : memref<128x128xf32, #tpu.memory_space<vmem>>) offsets(%dma_start3A_151 : memref<128xi32, #tpu.memory_space<vmem>>) semaphore(%arg11 : memref<!tpu.dma_semaphore, #tpu.memory_space<semaphore_mem>>)
      %mul3A_155 = arith.constant 2 : i32
      %mul3A_156 = arith.muli %scan3A_136, %mul3A_155 : i32
      %add3A_157 = arith.constant 1 : i32
      %add3A_158 = arith.addi %mul3A_156, %add3A_157 : i32
      %dma_wait3A_159 = arith.constant 0 : i32
      %dma_wait3A_160 = tpu.memref_slice %arg7[%add3A_158, %dma_wait3A_159] : memref<28x128xi32, #tpu.memory_space<vmem>> -> memref<1x128xi32, #tpu.memory_space<vmem>>
      %dma_wait3A_161 = tpu.memref_squeeze %dma_wait3A_160 : memref<1x128xi32, #tpu.memory_space<vmem>> -> memref<128xi32, #tpu.memory_space<vmem>>
      %dma_wait3A_162 = arith.constant 0 : i32
      %dma_wait3A_163 = arith.constant 0 : i32
      %dma_wait3A_164 = tpu.memref_slice %arg2[%dma_wait3A_162, %dma_wait3A_163] : memref<10000x128xf32, #tpu.memory_space<hbm>> -> memref<10000x128xf32, #tpu.memory_space<hbm>>
      tpu.wait_indirect_dma semaphore(%arg12 : memref<!tpu.dma_semaphore, #tpu.memory_space<semaphore_mem>>) src(%dma_wait3A_164 : memref<10000x128xf32, #tpu.memory_space<hbm>>) dst(%arg10 : memref<128x128xf32, #tpu.memory_space<vmem>>)
      "tpu.region"() ({
        %run_scoped3A_173 = tpu.sem_alloc : memref<!tpu.dma_semaphore, #tpu.memory_space<semaphore_mem>>
        %dma_start3A_174 = arith.constant 0 : i32
        %dma_start3A_175 = tpu.memref_slice %arg8[%add3A_158, %dma_start3A_174] : memref<28x128xi32, #tpu.memory_space<vmem>> -> memref<1x128xi32, #tpu.memory_space<vmem>>
        %dma_start3A_176 = tpu.memref_squeeze %dma_start3A_175 : memref<1x128xi32, #tpu.memory_space<vmem>> -> memref<128xi32, #tpu.memory_space<vmem>>
        %dma_start3A_177 = arith.constant 0 : i32
        %dma_start3A_178 = arith.constant 0 : i32
        %dma_start3A_179 = tpu.memref_slice %arg13[%dma_start3A_177, %dma_start3A_178] : memref<10240x128xf32, #tpu.memory_space<vmem_shared>> -> memref<10240x128xf32, #tpu.memory_space<vmem_shared>>
        tpu.enqueue_indirect_dma source(%arg10 : memref<128x128xf32, #tpu.memory_space<vmem>>) target(%dma_start3A_179 : memref<10240x128xf32, #tpu.memory_space<vmem_shared>>) offsets(%dma_start3A_176 : memref<128xi32, #tpu.memory_space<vmem>>) semaphore(%run_scoped3A_173 : memref<!tpu.dma_semaphore, #tpu.memory_space<semaphore_mem>>) {add = true}
        %dma_wait3A_180 = arith.constant 0 : i32
        %dma_wait3A_181 = tpu.memref_slice %arg8[%add3A_158, %dma_wait3A_180] : memref<28x128xi32, #tpu.memory_space<vmem>> -> memref<1x128xi32, #tpu.memory_space<vmem>>
        %dma_wait3A_182 = tpu.memref_squeeze %dma_wait3A_181 : memref<1x128xi32, #tpu.memory_space<vmem>> -> memref<128xi32, #tpu.memory_space<vmem>>
        %dma_wait3A_183 = arith.constant 0 : i32
        %dma_wait3A_184 = arith.constant 0 : i32
        %dma_wait3A_185 = tpu.memref_slice %arg13[%dma_wait3A_183, %dma_wait3A_184] : memref<10240x128xf32, #tpu.memory_space<vmem_shared>> -> memref<10240x128xf32, #tpu.memory_space<vmem_shared>>
        tpu.wait_indirect_dma semaphore(%run_scoped3A_173 : memref<!tpu.dma_semaphore, #tpu.memory_space<semaphore_mem>>) src(%arg10 : memref<128x128xf32, #tpu.memory_space<vmem>>) dst(%dma_wait3A_185 : memref<10240x128xf32, #tpu.memory_space<vmem_shared>>)
        tpu.yield
      }) : () -> ()
      %add3A_165 = arith.constant 2 : i32
      %add3A_166 = arith.addi %add3A_158, %add3A_165 : i32
      %dma_start3A_167 = arith.constant 0 : i32
      %dma_start3A_168 = tpu.memref_slice %arg7[%add3A_166, %dma_start3A_167] : memref<28x128xi32, #tpu.memory_space<vmem>> -> memref<1x128xi32, #tpu.memory_space<vmem>>
      %dma_start3A_169 = tpu.memref_squeeze %dma_start3A_168 : memref<1x128xi32, #tpu.memory_space<vmem>> -> memref<128xi32, #tpu.memory_space<vmem>>
      %dma_start3A_170 = arith.constant 0 : i32
      %dma_start3A_171 = arith.constant 0 : i32
      %dma_start3A_172 = tpu.memref_slice %arg2[%dma_start3A_170, %dma_start3A_171] : memref<10000x128xf32, #tpu.memory_space<hbm>> -> memref<10000x128xf32, #tpu.memory_space<hbm>>
      tpu.enqueue_indirect_dma source(%dma_start3A_172 : memref<10000x128xf32, #tpu.memory_space<hbm>>) target(%arg10 : memref<128x128xf32, #tpu.memory_space<vmem>>) offsets(%dma_start3A_169 : memref<128xi32, #tpu.memory_space<vmem>>) semaphore(%arg12 : memref<!tpu.dma_semaphore, #tpu.memory_space<semaphore_mem>>)
    }
    %scan3A_114 = arith.constant 13 : i32
    %dma_wait3A_115 = arith.constant 26 : i32
    %dma_wait3A_116 = arith.constant 0 : i32
    %dma_wait3A_117 = tpu.memref_slice %arg7[%dma_wait3A_115, %dma_wait3A_116] : memref<28x128xi32, #tpu.memory_space<vmem>> -> memref<1x128xi32, #tpu.memory_space<vmem>>
    %dma_wait3A_118 = tpu.memref_squeeze %dma_wait3A_117 : memref<1x128xi32, #tpu.memory_space<vmem>> -> memref<128xi32, #tpu.memory_space<vmem>>
    %dma_wait3A_119 = arith.constant 0 : i32
    %dma_wait3A_120 = arith.constant 0 : i32
    %dma_wait3A_121 = tpu.memref_slice %arg2[%dma_wait3A_119, %dma_wait3A_120] : memref<10000x128xf32, #tpu.memory_space<hbm>> -> memref<10000x128xf32, #tpu.memory_space<hbm>>
    tpu.wait_indirect_dma semaphore(%arg11 : memref<!tpu.dma_semaphore, #tpu.memory_space<semaphore_mem>>) src(%dma_wait3A_121 : memref<10000x128xf32, #tpu.memory_space<hbm>>) dst(%arg9 : memref<128x128xf32, #tpu.memory_space<vmem>>)
    %run_scoped3A_122 = arith.constant 26 : i32
    "tpu.region"() ({
      %run_scoped3A_136 = tpu.sem_alloc : memref<!tpu.dma_semaphore, #tpu.memory_space<semaphore_mem>>
      %dma_start3A_137 = arith.constant 0 : i32
      %dma_start3A_138 = tpu.memref_slice %arg8[%run_scoped3A_122, %dma_start3A_137] : memref<28x128xi32, #tpu.memory_space<vmem>> -> memref<1x128xi32, #tpu.memory_space<vmem>>
      %dma_start3A_139 = tpu.memref_squeeze %dma_start3A_138 : memref<1x128xi32, #tpu.memory_space<vmem>> -> memref<128xi32, #tpu.memory_space<vmem>>
      %dma_start3A_140 = arith.constant 0 : i32
      %dma_start3A_141 = arith.constant 0 : i32
      %dma_start3A_142 = tpu.memref_slice %arg13[%dma_start3A_140, %dma_start3A_141] : memref<10240x128xf32, #tpu.memory_space<vmem_shared>> -> memref<10240x128xf32, #tpu.memory_space<vmem_shared>>
      tpu.enqueue_indirect_dma source(%arg9 : memref<128x128xf32, #tpu.memory_space<vmem>>) target(%dma_start3A_142 : memref<10240x128xf32, #tpu.memory_space<vmem_shared>>) offsets(%dma_start3A_139 : memref<128xi32, #tpu.memory_space<vmem>>) semaphore(%run_scoped3A_136 : memref<!tpu.dma_semaphore, #tpu.memory_space<semaphore_mem>>) {add = true}
      %dma_wait3A_143 = arith.constant 0 : i32
      %dma_wait3A_144 = tpu.memref_slice %arg8[%run_scoped3A_122, %dma_wait3A_143] : memref<28x128xi32, #tpu.memory_space<vmem>> -> memref<1x128xi32, #tpu.memory_space<vmem>>
      %dma_wait3A_145 = tpu.memref_squeeze %dma_wait3A_144 : memref<1x128xi32, #tpu.memory_space<vmem>> -> memref<128xi32, #tpu.memory_space<vmem>>
      %dma_wait3A_146 = arith.constant 0 : i32
      %dma_wait3A_147 = arith.constant 0 : i32
      %dma_wait3A_148 = tpu.memref_slice %arg13[%dma_wait3A_146, %dma_wait3A_147] : memref<10240x128xf32, #tpu.memory_space<vmem_shared>> -> memref<10240x128xf32, #tpu.memory_space<vmem_shared>>
      tpu.wait_indirect_dma semaphore(%run_scoped3A_136 : memref<!tpu.dma_semaphore, #tpu.memory_space<semaphore_mem>>) src(%arg9 : memref<128x128xf32, #tpu.memory_space<vmem>>) dst(%dma_wait3A_148 : memref<10240x128xf32, #tpu.memory_space<vmem_shared>>)
      tpu.yield
    }) : () -> ()
    %dma_wait3A_123 = arith.constant 27 : i32
    %dma_wait3A_124 = arith.constant 0 : i32
    %dma_wait3A_125 = tpu.memref_slice %arg7[%dma_wait3A_123, %dma_wait3A_124] : memref<28x128xi32, #tpu.memory_space<vmem>> -> memref<1x128xi32, #tpu.memory_space<vmem>>
    %dma_wait3A_126 = tpu.memref_squeeze %dma_wait3A_125 : memref<1x128xi32, #tpu.memory_space<vmem>> -> memref<128xi32, #tpu.memory_space<vmem>>
    %dma_wait3A_127 = arith.constant 0 : i32
    %dma_wait3A_128 = arith.constant 0 : i32
    %dma_wait3A_129 = tpu.memref_slice %arg2[%dma_wait3A_127, %dma_wait3A_128] : memref<10000x128xf32, #tpu.memory_space<hbm>> -> memref<10000x128xf32, #tpu.memory_space<hbm>>
    tpu.wait_indirect_dma semaphore(%arg12 : memref<!tpu.dma_semaphore, #tpu.memory_space<semaphore_mem>>) src(%dma_wait3A_129 : memref<10000x128xf32, #tpu.memory_space<hbm>>) dst(%arg10 : memref<128x128xf32, #tpu.memory_space<vmem>>)
    %run_scoped3A_130 = arith.constant 27 : i32
    "tpu.region"() ({
      %run_scoped3A_136 = tpu.sem_alloc : memref<!tpu.dma_semaphore, #tpu.memory_space<semaphore_mem>>
      %dma_start3A_137 = arith.constant 0 : i32
      %dma_start3A_138 = tpu.memref_slice %arg8[%run_scoped3A_130, %dma_start3A_137] : memref<28x128xi32, #tpu.memory_space<vmem>> -> memref<1x128xi32, #tpu.memory_space<vmem>>
      %dma_start3A_139 = tpu.memref_squeeze %dma_start3A_138 : memref<1x128xi32, #tpu.memory_space<vmem>> -> memref<128xi32, #tpu.memory_space<vmem>>
      %dma_start3A_140 = arith.constant 0 : i32
      %dma_start3A_141 = arith.constant 0 : i32
      %dma_start3A_142 = tpu.memref_slice %arg13[%dma_start3A_140, %dma_start3A_141] : memref<10240x128xf32, #tpu.memory_space<vmem_shared>> -> memref<10240x128xf32, #tpu.memory_space<vmem_shared>>
      tpu.enqueue_indirect_dma source(%arg10 : memref<128x128xf32, #tpu.memory_space<vmem>>) target(%dma_start3A_142 : memref<10240x128xf32, #tpu.memory_space<vmem_shared>>) offsets(%dma_start3A_139 : memref<128xi32, #tpu.memory_space<vmem>>) semaphore(%run_scoped3A_136 : memref<!tpu.dma_semaphore, #tpu.memory_space<semaphore_mem>>) {add = true}
      %dma_wait3A_143 = arith.constant 0 : i32
      %dma_wait3A_144 = tpu.memref_slice %arg8[%run_scoped3A_130, %dma_wait3A_143] : memref<28x128xi32, #tpu.memory_space<vmem>> -> memref<1x128xi32, #tpu.memory_space<vmem>>
      %dma_wait3A_145 = tpu.memref_squeeze %dma_wait3A_144 : memref<1x128xi32, #tpu.memory_space<vmem>> -> memref<128xi32, #tpu.memory_space<vmem>>
      %dma_wait3A_146 = arith.constant 0 : i32
      %dma_wait3A_147 = arith.constant 0 : i32
      %dma_wait3A_148 = tpu.memref_slice %arg13[%dma_wait3A_146, %dma_wait3A_147] : memref<10240x128xf32, #tpu.memory_space<vmem_shared>> -> memref<10240x128xf32, #tpu.memory_space<vmem_shared>>
      tpu.wait_indirect_dma semaphore(%run_scoped3A_136 : memref<!tpu.dma_semaphore, #tpu.memory_space<semaphore_mem>>) src(%arg10 : memref<128x128xf32, #tpu.memory_space<vmem>>) dst(%dma_wait3A_148 : memref<10240x128xf32, #tpu.memory_space<vmem_shared>>)
      tpu.yield
    }) : () -> ()
    %barrier3A_131 = arith.constant 0 : index
    tpu.barrier barrier_id(%barrier3A_131)
    %mul3A_132 = arith.constant 640 : i32
    %mul3A_133 = arith.muli %arg1, %mul3A_132 : i32
    %mul3A_134 = arith.constant 640 : i32
    %mul3A_135 = arith.muli %arg1, %mul3A_134 : i32
    "tpu.region"() ({
      %run_scoped3A_136 = tpu.sem_alloc : memref<!tpu.dma_semaphore, #tpu.memory_space<semaphore_mem>>
      %dma_start3A_137 = arith.constant 0 : i32
      %dma_start3A_138 = tpu.memref_slice %arg6[%arg0, %mul3A_135, %dma_start3A_137] : memref<2x10240x128xf32, #tpu.memory_space<hbm>> -> memref<1x640x128xf32, #tpu.memory_space<hbm>>
      %dma_start3A_139 = tpu.memref_squeeze %dma_start3A_138 : memref<1x640x128xf32, #tpu.memory_space<hbm>> -> memref<640x128xf32, #tpu.memory_space<hbm>>
      %dma_start3A_140 = arith.constant 0 : i32
      %dma_start3A_141 = tpu.memref_slice %arg13[%mul3A_133, %dma_start3A_140] : memref<10240x128xf32, #tpu.memory_space<vmem_shared>> -> memref<640x128xf32, #tpu.memory_space<vmem_shared>>
      tpu.enqueue_dma source(%dma_start3A_141 : memref<640x128xf32, #tpu.memory_space<vmem_shared>>) target(%dma_start3A_139 : memref<640x128xf32, #tpu.memory_space<hbm>>) target_semaphore(%run_scoped3A_136 : memref<!tpu.dma_semaphore, #tpu.memory_space<semaphore_mem>>)
      %dma_wait3A_142 = arith.constant 0 : i32
      %dma_wait3A_143 = tpu.memref_slice %arg6[%arg0, %mul3A_135, %dma_wait3A_142] : memref<2x10240x128xf32, #tpu.memory_space<hbm>> -> memref<1x640x128xf32, #tpu.memory_space<hbm>>
      %dma_wait3A_144 = tpu.memref_squeeze %dma_wait3A_143 : memref<1x640x128xf32, #tpu.memory_space<hbm>> -> memref<640x128xf32, #tpu.memory_space<hbm>>
      %dma_wait3A_145 = arith.constant 0 : i32
      %dma_wait3A_146 = tpu.memref_slice %arg13[%mul3A_133, %dma_wait3A_145] : memref<10240x128xf32, #tpu.memory_space<vmem_shared>> -> memref<640x128xf32, #tpu.memory_space<vmem_shared>>
      tpu.wait_dma2 semaphore(%run_scoped3A_136 : memref<!tpu.dma_semaphore, #tpu.memory_space<semaphore_mem>>) src(%dma_wait3A_146 : memref<640x128xf32, #tpu.memory_space<vmem_shared>>) dst(%dma_wait3A_144 : memref<640x128xf32, #tpu.memory_space<hbm>>)
      tpu.yield
    }) : () -> ()
    return
  }
}

module attributes {stable_mosaic.version = 14 : i64} {
  func.func @body(%arg0: i32, %arg1: memref<1000x128xf32, #tpu.memory_space<vmem>>, %arg2: memref<128x128xf32, #tpu.memory_space<vmem>>, %arg3: memref<1000x128xf32, #tpu.memory_space<vmem>>) attributes {dimension_semantics = [#tpu.dimension_semantics<arbitrary>], iteration_bounds = array<i64: 10>, scalar_prefetch = 0 : i64, scratch_operands = 0 : i64, tpu.core_type = #tpu.core_type<tc>, window_params = [{transform_indices = @transform_0, window_bounds = array<i64: 1000, 128>}, {pipeline_mode = #tpu.pipeline_mode<synchronous>, transform_indices = @transform_1, window_bounds = array<i64: 128, 128>}, {transform_indices = @transform_2, window_bounds = array<i64: 1000, 128>}]} {
    %get3A = arith.constant 0 : index
    %get3A_0 = arith.constant 0 : index
    %get3A_1 = vector.load %arg1[%get3A, %get3A_0] : memref<1000x128xf32, #tpu.memory_space<vmem>>, vector<1000x128xf32>
    %get3A_2 = arith.constant 0 : index
    %get3A_3 = arith.constant 0 : index
    %get3A_4 = vector.load %arg2[%get3A_2, %get3A_3] : memref<128x128xf32, #tpu.memory_space<vmem>>, vector<128x128xf32>
    %dot_general3A = arith.constant dense<0.000000e+00> : vector<1000x128xf32>
    %dot_general3A_5 = tpu.matmul %get3A_1, %get3A_4, %dot_general3A {dimension_numbers = #tpu.dot_dimension_numbers<[1], [0], [0], [1], [0, 0, 1, 1], [], []>, transpose_lhs_hint = false} : vector<1000x128xf32>, vector<128x128xf32>, vector<1000x128xf32> -> vector<1000x128xf32>
    %swap3A = arith.constant 0 : index
    %swap3A_6 = arith.constant 0 : index
    %swap3A_7 = vector.load %arg3[%swap3A, %swap3A_6] : memref<1000x128xf32, #tpu.memory_space<vmem>>, vector<1000x128xf32>
    tpu.vector_store %arg3[%swap3A, %swap3A_6], %dot_general3A_5 {strides = array<i32>} : memref<1000x128xf32, #tpu.memory_space<vmem>>, vector<1000x128xf32>,
    return
  }
  func.func @transform_0(%arg0: i32) -> (i32, i32) {
    %c0_i32 = arith.constant 0 : i32
    %c0_i32_0 = arith.constant 0 : i32
    return %arg0, %c0_i32 : i32, i32
  }
  func.func @transform_1(%arg0: i32) -> (i32, i32) {
    %c0_i32 = arith.constant 0 : i32
    %c0_i32_0 = arith.constant 0 : i32
    %c0_i32_1 = arith.constant 0 : i32
    return %c0_i32, %c0_i32_0 : i32, i32
  }
  func.func @transform_2(%arg0: i32) -> (i32, i32) {
    %c0_i32 = arith.constant 0 : i32
    %c0_i32_0 = arith.constant 0 : i32
    return %arg0, %c0_i32 : i32, i32
  }
}

module attributes {stable_mosaic.version = 14 : i64} {
  func.func @body(%arg0: i32, %arg1: memref<1000x128xf32, #tpu.memory_space<vmem>>, %arg2: memref<1x1000x16xf32, #tpu.memory_space<vmem>>, %arg3: memref<1x1000x16xf32, #tpu.memory_space<vmem>>, %arg4: memref<1000x128xf32, #tpu.memory_space<vmem>>, %arg5: memref<1000x16xf32, #tpu.memory_space<vmem>>) attributes {dimension_semantics = [#tpu.dimension_semantics<arbitrary>], iteration_bounds = array<i64: 10>, scalar_prefetch = 0 : i64, scratch_operands = 0 : i64, tpu.core_type = #tpu.core_type<tc>, window_params = [{transform_indices = @transform_0, window_bounds = array<i64: 1000, 128>}, {transform_indices = @transform_1, window_bounds = array<i64: 1, 1000, 16>}, {transform_indices = @transform_2, window_bounds = array<i64: 1, 1000, 16>}, {transform_indices = @transform_3, window_bounds = array<i64: 1000, 128>}, {transform_indices = @transform_4, window_bounds = array<i64: 1000, 16>}]} {
    %get3A = arith.constant 0 : index
    %get3A_0 = arith.constant 0 : index
    %get3A_1 = arith.constant 0 : index
    %get3A_2 = vector.load %arg2[%get3A, %get3A_0, %get3A_1] : memref<1x1000x16xf32, #tpu.memory_space<vmem>>, vector<1x1000x1xf32>
    %get3A_3 = vector.shape_cast %get3A_2 : vector<1x1000x1xf32> to vector<1000xf32>
    %get3A_4 = arith.constant 0 : index
    %get3A_5 = arith.constant 0 : index
    %get3A_6 = arith.constant 0 : index
    %get3A_7 = vector.load %arg3[%get3A_4, %get3A_5, %get3A_6] : memref<1x1000x16xf32, #tpu.memory_space<vmem>>, vector<1x1000x1xf32>
    %get3A_8 = vector.shape_cast %get3A_7 : vector<1x1000x1xf32> to vector<1000xf32>
    %add3A = arith.addf %get3A_3, %get3A_8 : vector<1000xf32>
    %rsqrt3A = math.rsqrt %add3A : vector<1000xf32>
    %get3A_9 = arith.constant 0 : index
    %get3A_10 = arith.constant 0 : index
    %get3A_11 = vector.load %arg1[%get3A_9, %get3A_10] : memref<1000x128xf32, #tpu.memory_space<vmem>>, vector<1000x128xf32>
    %broadcast_in_dim3A = vector.shape_cast %rsqrt3A : vector<1000xf32> to vector<1000x1xf32>
    %mul3A = vector.broadcast %broadcast_in_dim3A : vector<1000x1xf32> to vector<1000x128xf32>
    %mul3A_12 = arith.mulf %get3A_11, %mul3A : vector<1000x128xf32>
    %swap3A = arith.constant 0 : index
    %swap3A_13 = arith.constant 0 : index
    %swap3A_14 = vector.load %arg4[%swap3A, %swap3A_13] : memref<1000x128xf32, #tpu.memory_space<vmem>>, vector<1000x128xf32>
    tpu.vector_store %arg4[%swap3A, %swap3A_13], %mul3A_12 {strides = array<i32>} : memref<1000x128xf32, #tpu.memory_space<vmem>>, vector<1000x128xf32>,
    %broadcast_in_dim3A_15 = vector.shape_cast %rsqrt3A : vector<1000xf32> to vector<1000x1xf32>
    %broadcast_in_dim3A_16 = vector.shape_cast %broadcast_in_dim3A_15 : vector<1000x1xf32> to vector<1000x1xf32>
    %broadcast_in_dim3A_17 = vector.broadcast %broadcast_in_dim3A_16 : vector<1000x1xf32> to vector<1000x16xf32>
    %swap3A_18 = arith.constant 0 : index
    %swap3A_19 = arith.constant 0 : index
    %swap3A_20 = vector.load %arg5[%swap3A_18, %swap3A_19] : memref<1000x16xf32, #tpu.memory_space<vmem>>, vector<1000x16xf32>
    tpu.vector_store %arg5[%swap3A_18, %swap3A_19], %broadcast_in_dim3A_17 {strides = array<i32>} : memref<1000x16xf32, #tpu.memory_space<vmem>>, vector<1000x16xf32>,
    return
  }
  func.func @transform_0(%arg0: i32) -> (i32, i32) {
    %c0_i32 = arith.constant 0 : i32
    %c0_i32_0 = arith.constant 0 : i32
    return %arg0, %c0_i32 : i32, i32
  }
  func.func @transform_1(%arg0: i32) -> (i32, i32, i32) {
    %c0_i32 = arith.constant 0 : i32
    %c0_i32_0 = arith.constant 0 : i32
    %c0_i32_1 = arith.constant 0 : i32
    return %c0_i32, %arg0, %c0_i32_0 : i32, i32, i32
  }
  func.func @transform_2(%arg0: i32) -> (i32, i32, i32) {
    %c1_i32 = arith.constant 1 : i32
    %c0_i32 = arith.constant 0 : i32
    %c0_i32_0 = arith.constant 0 : i32
    return %c1_i32, %arg0, %c0_i32 : i32, i32, i32
  }
  func.func @transform_3(%arg0: i32) -> (i32, i32) {
    %c0_i32 = arith.constant 0 : i32
    %c0_i32_0 = arith.constant 0 : i32
    return %arg0, %c0_i32 : i32, i32
  }
  func.func @transform_4(%arg0: i32) -> (i32, i32) {
    %c0_i32 = arith.constant 0 : i32
    %c0_i32_0 = arith.constant 0 : i32
    return %arg0, %c0_i32 : i32, i32
  }
}

module attributes {stable_mosaic.version = 14 : i64} {
  func.func @body(%arg0: i32, %arg1: memref<1x1000x128xf32, #tpu.memory_space<vmem>>, %arg2: memref<1x1000x128xf32, #tpu.memory_space<vmem>>, %arg3: memref<1000x16xf32, #tpu.memory_space<vmem>>, %arg4: memref<1x128xf32, #tpu.memory_space<vmem>>, %arg5: memref<128x128xf32, #tpu.memory_space<vmem>>, %arg6: memref<1000x128xf32, #tpu.memory_space<vmem>>) attributes {dimension_semantics = [#tpu.dimension_semantics<arbitrary>], iteration_bounds = array<i64: 10>, scalar_prefetch = 0 : i64, scratch_operands = 0 : i64, tpu.core_type = #tpu.core_type<tc>, window_params = [{transform_indices = @transform_0, window_bounds = array<i64: 1, 1000, 128>}, {transform_indices = @transform_1, window_bounds = array<i64: 1, 1000, 128>}, {transform_indices = @transform_2, window_bounds = array<i64: 1000, 16>}, {pipeline_mode = #tpu.pipeline_mode<synchronous>, transform_indices = @transform_3, window_bounds = array<i64: 1, 128>}, {pipeline_mode = #tpu.pipeline_mode<synchronous>, transform_indices = @transform_4, window_bounds = array<i64: 128, 128>}, {transform_indices = @transform_5, window_bounds = array<i64: 1000, 128>}]} {
    %get3A = arith.constant 0 : index
    %get3A_0 = arith.constant 0 : index
    %get3A_1 = vector.load %arg3[%get3A, %get3A_0] : memref<1000x16xf32, #tpu.memory_space<vmem>>, vector<1000x1xf32>
    %get3A_2 = vector.shape_cast %get3A_1 : vector<1000x1xf32> to vector<1000xf32>
    %get3A_3 = arith.constant 0 : index
    %get3A_4 = arith.constant 0 : index
    %get3A_5 = arith.constant 0 : index
    %get3A_6 = vector.load %arg1[%get3A_3, %get3A_4, %get3A_5] : memref<1x1000x128xf32, #tpu.memory_space<vmem>>, vector<1x1000x128xf32>
    %get3A_7 = vector.shape_cast %get3A_6 : vector<1x1000x128xf32> to vector<1000x128xf32>
    %get3A_8 = arith.constant 0 : index
    %get3A_9 = arith.constant 0 : index
    %get3A_10 = arith.constant 0 : index
    %get3A_11 = vector.load %arg2[%get3A_8, %get3A_9, %get3A_10] : memref<1x1000x128xf32, #tpu.memory_space<vmem>>, vector<1x1000x128xf32>
    %get3A_12 = vector.shape_cast %get3A_11 : vector<1x1000x128xf32> to vector<1000x128xf32>
    %add3A = arith.addf %get3A_7, %get3A_12 : vector<1000x128xf32>
    %broadcast_in_dim3A = vector.shape_cast %get3A_2 : vector<1000xf32> to vector<1000x1xf32>
    %mul3A = vector.broadcast %broadcast_in_dim3A : vector<1000x1xf32> to vector<1000x128xf32>
    %mul3A_13 = arith.mulf %add3A, %mul3A : vector<1000x128xf32>
    %get3A_14 = arith.constant 0 : index
    %get3A_15 = arith.constant 0 : index
    %get3A_16 = vector.load %arg4[%get3A_14, %get3A_15] : memref<1x128xf32, #tpu.memory_space<vmem>>, vector<1x128xf32>
    %add3A_17 = vector.broadcast %get3A_16 : vector<1x128xf32> to vector<1000x128xf32>
    %add3A_18 = arith.addf %mul3A_13, %add3A_17 : vector<1000x128xf32>
    %max3A = arith.constant 0.000000e+00 : f32
    %max3A_19 = vector.broadcast %max3A : f32 to vector<1000x128xf32>
    %max3A_20 = arith.maximumf %add3A_18, %max3A_19 : vector<1000x128xf32>
    %get3A_21 = arith.constant 0 : index
    %get3A_22 = arith.constant 0 : index
    %get3A_23 = vector.load %arg5[%get3A_21, %get3A_22] : memref<128x128xf32, #tpu.memory_space<vmem>>, vector<128x128xf32>
    %dot_general3A = arith.constant dense<0.000000e+00> : vector<1000x128xf32>
    %dot_general3A_24 = tpu.matmul %max3A_20, %get3A_23, %dot_general3A {dimension_numbers = #tpu.dot_dimension_numbers<[1], [0], [0], [1], [0, 0, 1, 1], [], []>, transpose_lhs_hint = false} : vector<1000x128xf32>, vector<128x128xf32>, vector<1000x128xf32> -> vector<1000x128xf32>
    %broadcast_in_dim3A_25 = vector.shape_cast %get3A_2 : vector<1000xf32> to vector<1000x1xf32>
    %mul3A_26 = vector.broadcast %broadcast_in_dim3A_25 : vector<1000x1xf32> to vector<1000x128xf32>
    %mul3A_27 = arith.mulf %dot_general3A_24, %mul3A_26 : vector<1000x128xf32>
    %swap3A = arith.constant 0 : index
    %swap3A_28 = arith.constant 0 : index
    %swap3A_29 = vector.load %arg6[%swap3A, %swap3A_28] : memref<1000x128xf32, #tpu.memory_space<vmem>>, vector<1000x128xf32>
    tpu.vector_store %arg6[%swap3A, %swap3A_28], %mul3A_27 {strides = array<i32>} : memref<1000x128xf32, #tpu.memory_space<vmem>>, vector<1000x128xf32>,
    return
  }
  func.func @transform_0(%arg0: i32) -> (i32, i32, i32) {
    %c0_i32 = arith.constant 0 : i32
    %c0_i32_0 = arith.constant 0 : i32
    %c0_i32_1 = arith.constant 0 : i32
    return %c0_i32, %arg0, %c0_i32_0 : i32, i32, i32
  }
  func.func @transform_1(%arg0: i32) -> (i32, i32, i32) {
    %c1_i32 = arith.constant 1 : i32
    %c0_i32 = arith.constant 0 : i32
    %c0_i32_0 = arith.constant 0 : i32
    return %c1_i32, %arg0, %c0_i32 : i32, i32, i32
  }
  func.func @transform_2(%arg0: i32) -> (i32, i32) {
    %c0_i32 = arith.constant 0 : i32
    %c0_i32_0 = arith.constant 0 : i32
    return %arg0, %c0_i32 : i32, i32
  }
  func.func @transform_3(%arg0: i32) -> (i32, i32) {
    %c0_i32 = arith.constant 0 : i32
    %c0_i32_0 = arith.constant 0 : i32
    %c0_i32_1 = arith.constant 0 : i32
    return %c0_i32, %c0_i32_0 : i32, i32
  }
  func.func @transform_4(%arg0: i32) -> (i32, i32) {
    %c0_i32 = arith.constant 0 : i32
    %c0_i32_0 = arith.constant 0 : i32
    %c0_i32_1 = arith.constant 0 : i32
    return %c0_i32, %c0_i32_0 : i32, i32
  }
  func.func @transform_5(%arg0: i32) -> (i32, i32) {
    %c0_i32 = arith.constant 0 : i32
    %c0_i32_0 = arith.constant 0 : i32
    return %arg0, %c0_i32 : i32, i32
  }
}

module attributes {stable_mosaic.version = 14 : i64} {
  func.func @body(%arg0: i32, %arg1: memref<1x1000x128xf32, #tpu.memory_space<vmem>>, %arg2: memref<1x1000x128xf32, #tpu.memory_space<vmem>>, %arg3: memref<1000x16xf32, #tpu.memory_space<vmem>>, %arg4: memref<1x128xf32, #tpu.memory_space<vmem>>, %arg5: memref<128x16xf32, #tpu.memory_space<vmem>>, %arg6: memref<1x16xf32, #tpu.memory_space<vmem>>, %arg7: memref<1000x16xf32, #tpu.memory_space<vmem>>) attributes {dimension_semantics = [#tpu.dimension_semantics<arbitrary>], iteration_bounds = array<i64: 10>, scalar_prefetch = 0 : i64, scratch_operands = 0 : i64, tpu.core_type = #tpu.core_type<tc>, window_params = [{transform_indices = @transform_0, window_bounds = array<i64: 1, 1000, 128>}, {transform_indices = @transform_1, window_bounds = array<i64: 1, 1000, 128>}, {transform_indices = @transform_2, window_bounds = array<i64: 1000, 16>}, {pipeline_mode = #tpu.pipeline_mode<synchronous>, transform_indices = @transform_3, window_bounds = array<i64: 1, 128>}, {pipeline_mode = #tpu.pipeline_mode<synchronous>, transform_indices = @transform_4, window_bounds = array<i64: 128, 16>}, {pipeline_mode = #tpu.pipeline_mode<synchronous>, transform_indices = @transform_5, window_bounds = array<i64: 1, 16>}, {transform_indices = @transform_6, window_bounds = array<i64: 1000, 16>}]} {
    %get3A = arith.constant 0 : index
    %get3A_0 = arith.constant 0 : index
    %get3A_1 = vector.load %arg3[%get3A, %get3A_0] : memref<1000x16xf32, #tpu.memory_space<vmem>>, vector<1000x1xf32>
    %get3A_2 = vector.shape_cast %get3A_1 : vector<1000x1xf32> to vector<1000xf32>
    %get3A_3 = arith.constant 0 : index
    %get3A_4 = arith.constant 0 : index
    %get3A_5 = arith.constant 0 : index
    %get3A_6 = vector.load %arg1[%get3A_3, %get3A_4, %get3A_5] : memref<1x1000x128xf32, #tpu.memory_space<vmem>>, vector<1x1000x128xf32>
    %get3A_7 = vector.shape_cast %get3A_6 : vector<1x1000x128xf32> to vector<1000x128xf32>
    %get3A_8 = arith.constant 0 : index
    %get3A_9 = arith.constant 0 : index
    %get3A_10 = arith.constant 0 : index
    %get3A_11 = vector.load %arg2[%get3A_8, %get3A_9, %get3A_10] : memref<1x1000x128xf32, #tpu.memory_space<vmem>>, vector<1x1000x128xf32>
    %get3A_12 = vector.shape_cast %get3A_11 : vector<1x1000x128xf32> to vector<1000x128xf32>
    %add3A = arith.addf %get3A_7, %get3A_12 : vector<1000x128xf32>
    %broadcast_in_dim3A = vector.shape_cast %get3A_2 : vector<1000xf32> to vector<1000x1xf32>
    %mul3A = vector.broadcast %broadcast_in_dim3A : vector<1000x1xf32> to vector<1000x128xf32>
    %mul3A_13 = arith.mulf %add3A, %mul3A : vector<1000x128xf32>
    %get3A_14 = arith.constant 0 : index
    %get3A_15 = arith.constant 0 : index
    %get3A_16 = vector.load %arg4[%get3A_14, %get3A_15] : memref<1x128xf32, #tpu.memory_space<vmem>>, vector<1x128xf32>
    %add3A_17 = vector.broadcast %get3A_16 : vector<1x128xf32> to vector<1000x128xf32>
    %add3A_18 = arith.addf %mul3A_13, %add3A_17 : vector<1000x128xf32>
    %max3A = arith.constant 0.000000e+00 : f32
    %max3A_19 = vector.broadcast %max3A : f32 to vector<1000x128xf32>
    %max3A_20 = arith.maximumf %add3A_18, %max3A_19 : vector<1000x128xf32>
    %get3A_21 = arith.constant 0 : index
    %get3A_22 = arith.constant 0 : index
    %get3A_23 = vector.load %arg5[%get3A_21, %get3A_22] : memref<128x16xf32, #tpu.memory_space<vmem>>, vector<128x16xf32>
    %dot_general3A = arith.constant dense<0.000000e+00> : vector<1000x16xf32>
    %dot_general3A_24 = tpu.matmul %max3A_20, %get3A_23, %dot_general3A {dimension_numbers = #tpu.dot_dimension_numbers<[1], [0], [0], [1], [0, 0, 1, 1], [], []>, transpose_lhs_hint = false} : vector<1000x128xf32>, vector<128x16xf32>, vector<1000x16xf32> -> vector<1000x16xf32>
    %get3A_25 = arith.constant 0 : index
    %get3A_26 = arith.constant 0 : index
    %get3A_27 = vector.load %arg6[%get3A_25, %get3A_26] : memref<1x16xf32, #tpu.memory_space<vmem>>, vector<1x16xf32>
    %add3A_28 = vector.broadcast %get3A_27 : vector<1x16xf32> to vector<1000x16xf32>
    %add3A_29 = arith.addf %dot_general3A_24, %add3A_28 : vector<1000x16xf32>
    %reduce_max3A = arith.constant dense<0xFF800000> : vector<1000xf32>
    %reduce_max3A_30 = vector.multi_reduction <maximumf>, %add3A_29, %reduce_max3A [1] : vector<1000x16xf32> to vector<1000xf32>
    %broadcast_in_dim3A_31 = vector.shape_cast %reduce_max3A_30 : vector<1000xf32> to vector<1000x1xf32>
    %sub3A = vector.broadcast %broadcast_in_dim3A_31 : vector<1000x1xf32> to vector<1000x16xf32>
    %sub3A_32 = arith.subf %add3A_29, %sub3A : vector<1000x16xf32>
    %exp3A = math.exp %sub3A_32 : vector<1000x16xf32>
    %reduce_sum3A = arith.constant dense<0.000000e+00> : vector<1000xf32>
    %reduce_sum3A_33 = vector.multi_reduction <add>, %exp3A, %reduce_sum3A [1] : vector<1000x16xf32> to vector<1000xf32>
    %broadcast_in_dim3A_34 = vector.shape_cast %reduce_sum3A_33 : vector<1000xf32> to vector<1000x1xf32>
    %log3A = math.log %broadcast_in_dim3A_34 : vector<1000x1xf32>
    %add3A_35 = arith.addf %log3A, %broadcast_in_dim3A_31 : vector<1000x1xf32>
    %sub3A_36 = vector.broadcast %add3A_35 : vector<1000x1xf32> to vector<1000x16xf32>
    %sub3A_37 = arith.subf %add3A_29, %sub3A_36 : vector<1000x16xf32>
    %swap3A = arith.constant 0 : index
    %swap3A_38 = arith.constant 0 : index
    %swap3A_39 = vector.load %arg7[%swap3A, %swap3A_38] : memref<1000x16xf32, #tpu.memory_space<vmem>>, vector<1000x16xf32>
    tpu.vector_store %arg7[%swap3A, %swap3A_38], %sub3A_37 {strides = array<i32>} : memref<1000x16xf32, #tpu.memory_space<vmem>>, vector<1000x16xf32>,
    return
  }
  func.func @transform_0(%arg0: i32) -> (i32, i32, i32) {
    %c0_i32 = arith.constant 0 : i32
    %c0_i32_0 = arith.constant 0 : i32
    %c0_i32_1 = arith.constant 0 : i32
    return %c0_i32, %arg0, %c0_i32_0 : i32, i32, i32
  }
  func.func @transform_1(%arg0: i32) -> (i32, i32, i32) {
    %c1_i32 = arith.constant 1 : i32
    %c0_i32 = arith.constant 0 : i32
    %c0_i32_0 = arith.constant 0 : i32
    return %c1_i32, %arg0, %c0_i32 : i32, i32, i32
  }
  func.func @transform_2(%arg0: i32) -> (i32, i32) {
    %c0_i32 = arith.constant 0 : i32
    %c0_i32_0 = arith.constant 0 : i32
    return %arg0, %c0_i32 : i32, i32
  }
  func.func @transform_3(%arg0: i32) -> (i32, i32) {
    %c0_i32 = arith.constant 0 : i32
    %c0_i32_0 = arith.constant 0 : i32
    %c0_i32_1 = arith.constant 0 : i32
    return %c0_i32, %c0_i32_0 : i32, i32
  }
  func.func @transform_4(%arg0: i32) -> (i32, i32) {
    %c0_i32 = arith.constant 0 : i32
    %c0_i32_0 = arith.constant 0 : i32
    %c0_i32_1 = arith.constant 0 : i32
    return %c0_i32, %c0_i32_0 : i32, i32
  }
  func.func @transform_5(%arg0: i32) -> (i32, i32) {
    %c0_i32 = arith.constant 0 : i32
    %c0_i32_0 = arith.constant 0 : i32
    %c0_i32_1 = arith.constant 0 : i32
    return %c0_i32, %c0_i32_0 : i32, i32
  }
  func.func @transform_6(%arg0: i32) -> (i32, i32) {
    %c0_i32 = arith.constant 0 : i32
    %c0_i32_0 = arith.constant 0 : i32
    return %arg0, %c0_i32 : i32, i32
  }
}

</mosaic_0001>

<sc_bundles>
// kernel: kernel.12.cloned.1.call-start
scs
__scs_entry_jumppad:
0x0: {  	(pc) =	sbr.rel $0x88, $3  }
0x1: {  	(tag) =	ssettag $0x0;
	lr =	simm.s32 $0x1  }
0x2: {  	[smem:$0x3F99] =	sst lr;
	_ =	strace $0xD0000000  }
0x3: {  	_ = 	snop  }
0x4: {  	_ = 	snop  }
0x5: {  	_ = 	snop  }
0x6: {  	_ = 	snop  }
0x7: {  	_ = 	snop  }
__scs_overlays_trampoline_lowered:
0x8: {  	[smem:$0x3FA8] =	sst s0  }
0x9: {  	[smem:$0x3FA9] =	sst s1  }
0xa: {  	[smem:$0x3FAA] =	sst s2  }
0xb: {  	[smem:$0x3FAB] =	sst s3  }
0xc: {  	[smem:$0x3FAC] =	sst s4  }
0xd: {  	[smem:$0x3FAD] =	sst s5  }
0xe: {  	[smem:$0x3FAE] =	sst s6  }
0xf: {  	[smem:$0x3FAF] =	sst s7  }
0x10: {  	[smem:$0x3FB0] =	sst s8  }
0x11: {  	[smem:$0x3FB1] =	sst s9;
	s0 =	simm.s32 @!p0 $0x0  }
0x12: {  	s1 =	sld [smem:$0x3F97];
	s0 =	simm.s32 @p0 $0x1  }
0x13: {  	[smem:$0x3FB2] =	sst s0;
	s0 =	simm.s32 @!p1 $0x0  }
0x14: {  	s2 =	sld [smem:$0x3F96];
	s0 =	simm.s32 @p1 $0x1  }
0x15: {  	[smem:$0x3FB3] =	sst s0;
	s0 =	simm.s32 @!p2 $0x0  }
0x16: {  	s3 =	sld [smem:$0x3FDB];
	s0 =	simm.s32 @p2 $0x1  }
0x17: {  	s4 =	simm.s32 $0x1BF5;
	[smem:$0x3FB5] =	sst s0  }
0x18: {  	s0 =	sld [smem:$0x3F98];
	_ =	swait.ge [sflag:s4], $0x0  }
0x19: {  	s7 =	sld [smem:$0x3F99]  }
0x1a: {  	s8 =	sadd.s32 $0xFFFFE003, lr  }
0x1b: {  	s9 =	sadd.s32 $0xFFFFFEF7, lr;
	s5 =	simm.s32 $0xFFFFFFFF;
	p2 =	slt.u32 s8, $0xFFFFF086  }
0x1c: {  	p1 =	slt.u32 s9, $0xF7A;
	s5 =	simm.s32 @!p2 $0x0  }
0x1d: {  	s5 =	simm.s32 @p1 $0x1;
	p0 =	seq.s32 s7, s2  }
0x1e: {  	s7 =	smul.u32 @!p0 $0xF7A, s2;
	p2 =	seq.s32 @!p0 s5, $0x0  }
0x1f: {  	s9 =	smul.u32 $0xF7A, s1;
	s8 =	simm.s32 @!p0 $0x1BF5;
	p2 =	por !p2, p0  }
0x20: {  	[sflag:s8] =	ssyncset.s32 @!p0 $0xFFFFF086;
	s6 =	sadd.s32 @!p0 s3, s7;
	s7 =	simm.s32 @!p0 $0x108  }
0x21: {  	s3 =	sadd.s32 s3, s9;
	s6 =	sadd.s32 @!p0 $0x88, s6;
	s7 =	simm.s32 @p2 $0x1082  }
0x22: {  	[simem:s7], [sflag:s8] =	dma.local @!p0 [hbm:s6], $0xF7A  }
0x23: {  	s9 =	sor.u32 $0xD0000000, s2;
	s6 =	simm.s32 $0x108;
	_ =	swait.ge @!p0 [sflag:s8], $0x0  }
0x24: {  	s3 =	sadd.s32 $0x88, s3;
	s6 =	simm.s32 @!p1 $0x1082;
	[sflag:s4] =	ssyncset.s32 $0xFFFFF086  }
0x25: {  	[simem:s6], [sflag:s4] =	dma.local [hbm:s3], $0xF7A  }
0x26: {  	[smem:$0x3F99] =	sst s1;
	(tag) =	ssettag s2;
	_ =	strace s9  }
0x27: {  	s1 =	sld [smem:$0x3FA9]  }
0x28: {  	s2 =	sld [smem:$0x3FAA]  }
0x29: {  	s4 =	sld [smem:$0x3FAC]  }
0x2a: {  	p0 =	seq.s32 s5, $0x0;
	s5 =	sld [smem:$0x3FAD]  }
0x2b: {  	s6 =	sld [smem:$0x3FAE]  }
0x2c: {  	s7 =	sld [smem:$0x3FAF]  }
0x2d: {  	s3 =	simm.s32 $0x108;
	s8 =	sld [smem:$0x3FB0]  }
0x2e: {  	s3 =	simm.s32 @!p0 $0x1082;
	s9 =	sld [smem:$0x3FB1]  }
0x2f: {  	lr =	sadd.s32 s0, s3;
	s0 =	sld [smem:$0x3FA8]  }
0x30: {  	s3 =	sld [smem:$0x3FAB]  }
0x31: {  	[smem:$0x3FB4] =	sst s10  }
0x32: {  	s10 =	sld [smem:$0x3FB2];
	_ =	sdelay $0x3  }
0x33: {  	p0 =	seq.s32 s10, $0x1;
	s10 =	sld [smem:$0x3FB4];
	_ =	sdelay $0x3  }
0x34: {  	[smem:$0x3FB4] =	sst s10  }
0x35: {  	s10 =	sld [smem:$0x3FB3];
	_ =	sdelay $0x3  }
0x36: {  	p1 =	seq.s32 s10, $0x1;
	s10 =	sld [smem:$0x3FB4];
	_ =	sdelay $0x3  }
0x37: {  	[smem:$0x3FB4] =	sst s10  }
0x38: {  	s10 =	sld [smem:$0x3FB5]  }
0x39: {  	_ = 	snop;
	(pc) =	sbr.ind lr, $3  }
0x3a: {  	_ = 	snop  }
0x3b: {  	_ = 	snop  }
0x3c: {  	p2 =	seq.s32 s10, $0x1;
	s10 =	sld [smem:$0x3FB4]  }
0x3d: {  	_ =	shalt  }
0x3e: {  	_ =	shalt  }
0x3f: {  	_ =	shalt  }
0x40: {  	_ =	shalt  }
0x41: {  	_ =	shalt  }
0x42: {  	_ =	shalt  }
0x43: {  	_ =	shalt  }
0x44: {  	_ =	shalt  }
0x45: {  	_ =	shalt  }
0x46: {  	_ =	shalt  }
0x47: {  	_ =	shalt  }
0x48: {  	_ =	shalt  }
0x49: {  	_ =	shalt  }
0x4a: {  	_ =	shalt  }
0x4b: {  	_ =	shalt  }
0x4c: {  	_ =	shalt  }
0x4d: {  	_ =	shalt  }
0x4e: {  	_ =	shalt  }
0x4f: {  	_ =	shalt  }
0x50: {  	_ =	shalt  }
0x51: {  	_ =	shalt  }
0x52: {  	_ =	shalt  }
0x53: {  	_ =	shalt  }
0x54: {  	_ =	shalt  }
0x55: {  	_ =	shalt  }
0x56: {  	_ =	shalt  }
0x57: {  	_ =	shalt  }
0x58: {  	_ =	shalt  }
0x59: {  	_ =	shalt  }
0x5a: {  	_ =	shalt  }
0x5b: {  	_ =	shalt  }
0x5c: {  	_ =	shalt  }
0x5d: {  	_ =	shalt  }
0x5e: {  	_ =	shalt  }
0x5f: {  	_ =	shalt  }
0x60: {  	_ =	shalt  }
0x61: {  	_ =	shalt  }
0x62: {  	_ =	shalt  }
0x63: {  	_ =	shalt  }
0x64: {  	_ =	shalt  }
0x65: {  	_ =	shalt  }
0x66: {  	_ =	shalt  }
0x67: {  	_ =	shalt  }
0x68: {  	_ =	shalt  }
0x69: {  	_ =	shalt  }
0x6a: {  	_ =	shalt  }
0x6b: {  	_ =	shalt  }
0x6c: {  	_ =	shalt  }
0x6d: {  	_ =	shalt  }
0x6e: {  	_ =	shalt  }
0x6f: {  	_ =	shalt  }
0x70: {  	_ =	shalt  }
0x71: {  	_ =	shalt  }
0x72: {  	_ =	shalt  }
0x73: {  	_ =	shalt  }
0x74: {  	_ =	shalt  }
0x75: {  	_ =	shalt  }
0x76: {  	_ =	shalt  }
0x77: {  	_ =	shalt  }
0x78: {  	_ =	shalt  }
0x79: {  	_ =	shalt  }
0x7a: {  	_ =	shalt  }
0x7b: {  	_ =	shalt  }
0x7c: {  	_ =	shalt  }
0x7d: {  	_ =	shalt  }
0x7e: {  	_ =	shalt  }
0x7f: {  	_ =	shalt  }
0x80: {  	_ =	shalt  }
0x81: {  	_ =	shalt  }
0x82: {  	_ =	shalt  }
0x83: {  	_ =	shalt  }
0x84: {  	_ =	shalt  }
0x85: {  	_ =	shalt  }
0x86: {  	_ =	shalt  }
0x87: {  	_ =	shalt  }
.Lfunc_end0:
.L_simem_size_0:
called_computation.1_lowered:
.L_overlay_start_0:
0x88: {  	s2 =	sld [smem:$0x3FD9]  }
0x89: {  	s3 =	sld [smem:$0x3FFE];
	_ =	sdelay $0x1  }
0x8a: {  	s1 =	srdreg.scid  }
0x8b: {  	s0 =	sand.u32 $0x1, s1  }
0x8c: {  	s17 =	sshll.u32 s0, $0xA;
	s2 =	sadd.s32 s3, s2  }
0x8d: {  	s2 =	sadd.s32 s2, s17  }
0x8e: {  	[smem:$0x3FC0] =	sst s2  }
0x8f: {  	_ = 	snop  }
0x90: {  	s2 =	sld [smem:$0x3FD0];
	(tm) =	ssettm $0x1  }
0x91: {  	s18 =	sld [smem:$0x3FFB];
	_ =	sdelay $0x3  }
0x92: {  	_ =	strace s18  }
0x93: {  	s3 =	sld [smem:$0x3FFC];
	_ =	sdelay $0x3  }
0x94: {  	_ =	strace s3  }
0x95: {  	s3 =	sld [smem:$0x3FFD];
	_ =	sdelay $0x3  }
0x96: {  	_ =	strace s3  }
0x97: {  	_ =	strace $0x8FFFFFFF  }
0x98: {  	s19 =	sld [smem:$0x3FDB];
	_ =	sdelay $0x1  }
0x99: {  	s4 =	simm.s32 $_scs_section_size  }
0x9a: {  	s5 =	simm.s32 $_size__tile_overlayer_lowered;
	s6 =	simm.s32 $_tile_overlayer_lowered  }
0x9b: {  	s22 =	simm.s32 $0x1BFF;
	s21 =	sshll.u32 s6, $0x1;
	s3 =	sadd.s32 s4, s19  }
0x9c: {  	s7 =	simm.s32 $0x0;
	s20 =	sshll.u32 s5, $0x1;
	s5 =	sadd.s32 s21, s3  }
0x9d: {  	[timem:s7], [sflag:s22] =	dma.local [hbm:s5], s20  }
0x9e: {  	_ =	swait.ge [sflag:s22], s20  }
0x9f: {  	s4 =	ssub.s32 $0x0, s20;
	[sflag:s22] =	ssyncset.done $0x0  }
0xa0: {  	[sflag:s22] =	ssyncadd.s32 s4;
	_ =	sdelay $0x1  }
0xa1: {  	s23 =	simm.s32 $0x1B8B  }
0xa2: {  	_ =	swait.ge [sflag:s23], $0x1  }
0xa3: {  	[sflag:s23] =	ssyncset.done $0x0  }
0xa4: {  	s25 =	simm.s32 $0x1B8E;
	s24 =	sld [smem:$0x3FFE];
	[sflag:s23] =	ssyncadd.s32 $0xFFFFFFFF  }
0xa5: {  	s26 =	simm.s32 $execute0_lowered;
	[smem:$0x3FD2] =	sst s25  }
0xa6: {  	s5 =	sshll.u32 s26, $0x1;
	_ =	strace $0x80000049;
	[dreg:$0x1] =	wrdreg $0xFFFFFFFF  }
0xa7: {  	s28 =	simm.s32 $_size_execute0_lowered;
	s3 =	sadd.s32 s3, s5;
	[dreg:$0x0] =	wrdreg $0x0  }
0xa8: {  	s5 =	sshll.u32 s28, $0x1;
	[dreg:$0x2] =	wrdreg s3  }
0xa9: {  	[dreg:$0x3] =	wrdreg s5  }
0xaa: {  	[dreg:$0x4] =	wrdreg $0xC0  }
0xab: {  	_ =	task [dreg:s7], $0x5FFFF  }
0xac: {  	[dreg:$0x1] =	wrdreg $0xFFFFFFFF  }
0xad: {  	[dreg:$0x0] =	wrdreg $0x60  }
0xae: {  	[dreg:$0x2] =	wrdreg s24  }
0xaf: {  	[dreg:$0x3] =	wrdreg s2  }
0xb0: {  	[dreg:$0x4] =	wrdreg $0xA0000  }
0xb1: {  	[dreg:$0x5] =	wrdreg $0x9  }
0xb2: {  	_ =	task.clear_ibuf [dreg:s7], $0x6FFFF;
	_ =	strace $0x90000049  }
0xb3: {  	s29 =	simm.s32 $0x9;
	_ =	strace $0x8000004B  }
0xb4: {  	_ =	swait.ge [sflag:s29], $0x1  }
0xb5: {  	[sflag:s29] =	ssyncadd.s32 $0xFFFFFFFF  }
0xb6: {  	_ =	strace $0x9000004B  }
0xb7: {  	_ =	sfence  }
0xb8: {  	s30 =	sld [smem:$0x0];
	_ =	sdelay $0x2  }
0xb9: {  	s31 =	sshll.u32 s1, $0xD;
	s1 =	sshrl.u32 s1, $0x2  }
0xba: {  	s3 =	sand.u32 $0x4000, s31;
	s1 =	sadd.s32 s1, s30  }
0xbb: {  	s0 =	sor.u32 s3, s0;
	s1 =	sshll.u32 s1, $0x11  }
0xbc: {  	s0 =	sor.u32 s1, s0  }
0xbd: {  	s0 =	sadd.s32 $0x8F2B, s0  }
0xbe: {  	[sflag:s0] =	ssyncadd.remote.s32 $0x1  }
0xbf: {  	_ =	sfence.sel $0xFFFF  }
0xc0: {  	[dreg:$0x0] =	wrdreg $0xFFFFFFFF;
	(pc) =	sbr.abs _section_cstart, $3  }
0xc1: {  	[dreg:$0x1] =	wrdreg $0xFFFFFFFF  }
0xc2: {  	_ =	task.clear_ibuf [dreg:s7], $0x2FFFF;
	_ =	strace $0x9FFFFFFF  }
0xc3: {  	(tm) =	ssettm $0x7FFFFFFF  }
tec
execute0_lowered:
.L_overlay_start_1:
0x0: {  	(tag) =	ssettag $0x1  }
0x1: {  	s6 =	rddreg [dreg:$0x0]  }
0x2: {  	s1 =	rddreg [dreg:$0x1]  }
0x3: {  	s2 =	rddreg [dreg:$0x2];
	s3 =	srdreg.scid  }
0x4: {  	s0 =	rddreg [dreg:$0x3];
	s4 =	simm.s32 $0x0;
	s17 =	simm.s32 $0x1000  }
0x5: {  	s18 =	simm.s32 $0x80;
	s19 =	simm.s32 $0x2000;
	s20 =	simm.s32 $0x6000  }
0x6: {  	s21 =	simm.s32 $0x1;
	s22 =	simm.s32 $0x2;
	s23 =	simm.s32 $0x1D00  }
0x7: {  	s7 =	sand.u32 $0x1, s3;
	s3 =	stileid.u32;
	[smem:$0x7FF] =	sst s4  }
0x8: {  	s5 =	sadd.s32 $0xE200, s6;
	s11 =	sadd.s32 $0x5EA00, s6;
	s8 =	smul.u32 $0x140000, s7  }
0x9: {  	s12 =	sadd.s32 $0x2200, s6;
	s9 =	smul.u32 $0x14000, s3;
	_ =	strace $0x8000004A  }
0xa: {  	s24 =	ssub.s32 $0x2, s7;
	s7 =	sshll.u32 s7, $0x4;
	s13 =	smul.u32 $0x50000, s3  }
0xb: {  	s28 =	sshll.u32 s3, $0x6;
	s10 =	sshrl.u32 s24, $0x1;
	s7 =	sor.u32 s3, s7  }
0xc: {  	s8 =	sadd.s32 s9, s8;
	s15 =	ssub.s32 s24, s10;
	s25 =	smul.u32 $0x3000, s7  }
0xd: {  	s26 =	sshrl.u32 s13, $0x2;
	s29 =	smul.u32 $0x600, s7;
	s8 =	sshrl.u32 s8, $0x3  }
0xe: {  	s24 =	simm.s32 $0x1D80;
	s16 =	sadd.s32 s26, s2;
	s14 =	sadd.s32 s8, s6  }
0xf: {  	s6 =	sor.u32 $0x1C03, s28;
	s30 =	sshrl.u32 s25, $0x3;
	s7 =	sadd.s32 s11, s29  }
0x10: {  	s8 =	sadd.s32 s12, s29;
	s25 =	simm.s32 $0x0;
	s31 =	sadd.s32 $0x200, s30  }
0x11: {  	s13 =	sadd.s32 $0x400, s30;
	s9 =	sadd.s32 s11, s31;
	s10 =	sadd.s32 s12, s31  }
0x12: {  	s11 =	sadd.s32 s11, s13;
	s12 =	sadd.s32 s12, s13;
	s13 =	sadd.s32 $0x6AA00, s14  }
0x13: {  	s14 =	smax.u32 s15, $0x1;
	s15 =	sshrl.u32 s16, $0x3;
	s16 =	simm.s32 $0x3  }
.LBB2_1:
0x14: {  	[spmem:s15], [sflag:s6] =	dma.local [hbm:s1], $0x2800  }
0x15: {  	_ =	swait.ge [sflag:s16], $0x2800  }
0x16: {  	[sflag:s16] =	ssyncset.done $0x0  }
0x17: {  	[sflag:s16] =	ssyncadd.s32 $0xFFFFD800  }
0x18: {  	[bflag:$0x0] =	sbarrier.arrive $0xFFFF  }
0x19: {  	[tilespmem:s4], [sflag:$0x3] =	stream.linear.gather [hbm4b:s7+s4], $0xE00, $0x38;
	[tilespmem:$0x1E000] =	vst v63  }
0x1a: {  	_ =	swait.ge [sflag:s16], $0xE00  }
0x1b: {  	[sflag:s16] =	ssyncset.done $0x0  }
0x1c: {  	[sflag:s16] =	ssyncadd.s32 $0xFFFFF200  }
0x1d: {  	[tilespmem:s17], [sflag:$0x3] =	stream.linear.gather [hbm4b:s8+s4], $0xE00, $0x38;
	[tilespmem:$0x1E000] =	vst v63  }
0x1e: {  	_ =	swait.ge [sflag:s16], $0xE00  }
0x1f: {  	[sflag:s16] =	ssyncset.done $0x0  }
0x20: {  	[sflag:s16] =	ssyncadd.s32 $0xFFFFF200  }
0x21: {  	[tilespmem:s19], [sflag:$0x1] =	stream.indirect.gather [hbm4b:s5+s18], $0x80, s4, s18, $0xb8;
	[tilespmem:$0x1E000] =	vst v63  }
0x22: {  	_ = 	snop  }
0x23: {  	[tilespmem:s20], [sflag:$0x2] =	stream.indirect.gather [hbm4b:s5+s18], $0x80, s18, s18, $0xb8;
	[tilespmem:$0x1E000] =	vst v63  }
0x24: {  	_ =	swait.ge [sflag:s21], $0x4000  }
0x25: {  	[sflag:s21] =	ssyncset.done $0x0  }
0x26: {  	s26 =	simm.s32 $0x1000;
	[sflag:s21] =	ssyncadd.s32 $0xFFFFC000  }
0x27: {  	[spmem:s2] =	stream.indirect.scatter.add.f32 [tilespmem:s19], [sflag:$0x3], $0x80, s26, s18, $0xb8;
	[tilespmem:$0x1E000] =	vst v63  }
0x28: {  	_ =	swait.ge [sflag:s16], $0x4000  }
0x29: {  	[sflag:s16] =	ssyncset.done $0x0  }
0x2a: {  	s30 =	simm.s32 $0x100;
	[sflag:s16] =	ssyncadd.s32 $0xFFFFC000  }
0x2b: {  	[tilespmem:s19], [sflag:$0x1] =	stream.indirect.gather [hbm4b:s5+s18], $0x80, s30, s18, $0xb8;
	[tilespmem:$0x1E000] =	vst v63  }
0x2c: {  	_ =	swait.ge [sflag:s22], $0x4000  }
0x2d: {  	[sflag:s22] =	ssyncset.done $0x0  }
0x2e: {  	s31 =	simm.s32 $0x1080;
	[sflag:s22] =	ssyncadd.s32 $0xFFFFC000  }
0x2f: {  	[spmem:s2] =	stream.indirect.scatter.add.f32 [tilespmem:s20], [sflag:$0x3], $0x80, s31, s18, $0xb8;
	[tilespmem:$0x1E000] =	vst v63  }
0x30: {  	_ =	swait.ge [sflag:s16], $0x4000  }
0x31: {  	[sflag:s16] =	ssyncset.done $0x0  }
0x32: {  	s28 =	simm.s32 $0x180;
	s26 =	simm.s32 $0x400;
	[sflag:s16] =	ssyncadd.s32 $0xFFFFC000  }
.LBB2_2:
0x33: {  	[tilespmem:s20], [sflag:$0x2] =	stream.indirect.gather [hbm4b:s5+s18], $0x80, s28, s18, $0xb8;
	[tilespmem:$0x1E000] =	vst v63  }
0x34: {  	s28 =	smov.u32 s26  }
0x35: {  	p0 =	sne.s32 s26, $0x3000;
	s26 =	sadd.s32 $0x400, s26;
	_ =	swait.ge [sflag:s21], $0x4000  }
0x36: {  	s28 =	sshra.s32 s28, $0x2;
	[sflag:s21] =	ssyncset.done $0x0  }
0x37: {  	s29 =	sadd.s32 $0x1000, s28;
	[sflag:s21] =	ssyncadd.s32 $0xFFFFC000  }
0x38: {  	[spmem:s2] =	stream.indirect.scatter.add.f32 [tilespmem:s19], [sflag:$0x3], $0x80, s29, s18, $0xb8;
	[tilespmem:$0x1E000] =	vst v63  }
0x39: {  	_ =	swait.ge [sflag:s16], $0x4000  }
0x3a: {  	[sflag:s16] =	ssyncset.done $0x0  }
0x3b: {  	s29 =	sadd.s32 $0x100, s28;
	[sflag:s16] =	ssyncadd.s32 $0xFFFFC000  }
0x3c: {  	[tilespmem:s19], [sflag:$0x1] =	stream.indirect.gather [hbm4b:s5+s18], $0x80, s29, s18, $0xb8;
	[tilespmem:$0x1E000] =	vst v63  }
0x3d: {  	_ =	swait.ge [sflag:s22], $0x4000  }
0x3e: {  	[sflag:s22] =	ssyncset.done $0x0  }
.Ltmp0:
0x3f: {  	s29 =	sadd.s32 $0x1080, s28;
	[sflag:s22] =	ssyncadd.s32 $0xFFFFC000;
	(pc) =	sbr.rel @p0 .LBB2_2-.Ltmp0, $4  }
0x40: {  	[spmem:s2] =	stream.indirect.scatter.add.f32 [tilespmem:s20], [sflag:$0x3], $0x80, s29, s18, $0xb8;
	[tilespmem:$0x1E000] =	vst v63  }
0x41: {  	_ =	swait.ge [sflag:s16], $0x4000  }
0x42: {  	[sflag:s16] =	ssyncset.done $0x0  }
0x43: {  	s28 =	sadd.s32 $0x180, s28;
	[sflag:s16] =	ssyncadd.s32 $0xFFFFC000  }
0x44: {  	[tilespmem:s20], [sflag:$0x2] =	stream.indirect.gather [hbm4b:s5+s18], $0x80, s28, s18, $0xb8;
	[tilespmem:$0x1E000] =	vst v63  }
0x45: {  	_ =	swait.ge [sflag:s21], $0x4000  }
0x46: {  	[sflag:s21] =	ssyncset.done $0x0  }
0x47: {  	[sflag:s21] =	ssyncadd.s32 $0xFFFFC000  }
0x48: {  	[spmem:s2] =	stream.indirect.scatter.add.f32 [tilespmem:s19], [sflag:$0x3], $0x80, s23, s18, $0xb8;
	[tilespmem:$0x1E000] =	vst v63  }
0x49: {  	_ =	swait.ge [sflag:s16], $0x4000  }
0x4a: {  	[sflag:s16] =	ssyncset.done $0x0  }
0x4b: {  	[sflag:s16] =	ssyncadd.s32 $0xFFFFC000  }
0x4c: {  	_ =	swait.ge [sflag:s22], $0x4000  }
0x4d: {  	[sflag:s22] =	ssyncset.done $0x0  }
0x4e: {  	[sflag:s22] =	ssyncadd.s32 $0xFFFFC000  }
0x4f: {  	[spmem:s2] =	stream.indirect.scatter.add.f32 [tilespmem:s20], [sflag:$0x3], $0x80, s24, s18, $0xb8;
	[tilespmem:$0x1E000] =	vst v63  }
0x50: {  	_ =	swait.ge [sflag:s16], $0x4000  }
0x51: {  	[sflag:s16] =	ssyncset.done $0x0  }
0x52: {  	s26 =	simm.s32 $0x0;
	[sflag:s16] =	ssyncadd.s32 $0xFFFFC000  }
0x53: {  	[tilespmem:s26], [sflag:$0x3] =	stream.linear.gather [hbm4b:s9+s26], $0xE00, $0x38;
	[tilespmem:$0x1E000] =	vst v63  }
0x54: {  	_ =	swait.ge [sflag:s16], $0xE00  }
0x55: {  	[sflag:s16] =	ssyncset.done $0x0  }
0x56: {  	[sflag:s16] =	ssyncadd.s32 $0xFFFFF200  }
0x57: {  	[tilespmem:s17], [sflag:$0x3] =	stream.linear.gather [hbm4b:s10+s26], $0xE00, $0x38;
	[tilespmem:$0x1E000] =	vst v63  }
0x58: {  	_ =	swait.ge [sflag:s16], $0xE00  }
0x59: {  	[sflag:s16] =	ssyncset.done $0x0  }
0x5a: {  	[sflag:s16] =	ssyncadd.s32 $0xFFFFF200  }
0x5b: {  	[tilespmem:s19], [sflag:$0x1] =	stream.indirect.gather [hbm4b:s5+s18], $0x80, s26, s18, $0xb8;
	[tilespmem:$0x1E000] =	vst v63  }
0x5c: {  	_ = 	snop  }
0x5d: {  	[tilespmem:s20], [sflag:$0x2] =	stream.indirect.gather [hbm4b:s5+s18], $0x80, s18, s18, $0xb8;
	[tilespmem:$0x1E000] =	vst v63  }
0x5e: {  	_ =	swait.ge [sflag:s21], $0x4000  }
0x5f: {  	[sflag:s21] =	ssyncset.done $0x0  }
0x60: {  	s29 =	simm.s32 $0x1000;
	[sflag:s21] =	ssyncadd.s32 $0xFFFFC000  }
0x61: {  	[spmem:s2] =	stream.indirect.scatter.add.f32 [tilespmem:s19], [sflag:$0x3], $0x80, s29, s18, $0xb8;
	[tilespmem:$0x1E000] =	vst v63  }
0x62: {  	_ =	swait.ge [sflag:s16], $0x4000  }
0x63: {  	[sflag:s16] =	ssyncset.done $0x0  }
0x64: {  	s30 =	simm.s32 $0x100;
	[sflag:s16] =	ssyncadd.s32 $0xFFFFC000  }
0x65: {  	[tilespmem:s19], [sflag:$0x1] =	stream.indirect.gather [hbm4b:s5+s18], $0x80, s30, s18, $0xb8;
	[tilespmem:$0x1E000] =	vst v63  }
0x66: {  	_ =	swait.ge [sflag:s22], $0x4000  }
0x67: {  	[sflag:s22] =	ssyncset.done $0x0  }
0x68: {  	s31 =	simm.s32 $0x1080;
	[sflag:s22] =	ssyncadd.s32 $0xFFFFC000  }
0x69: {  	[spmem:s2] =	stream.indirect.scatter.add.f32 [tilespmem:s20], [sflag:$0x3], $0x80, s31, s18, $0xb8;
	[tilespmem:$0x1E000] =	vst v63  }
0x6a: {  	_ =	swait.ge [sflag:s16], $0x4000  }
0x6b: {  	[sflag:s16] =	ssyncset.done $0x0  }
0x6c: {  	s28 =	simm.s32 $0x180;
	s26 =	simm.s32 $0x400;
	[sflag:s16] =	ssyncadd.s32 $0xFFFFC000  }
.LBB2_4:
0x6d: {  	[tilespmem:s20], [sflag:$0x2] =	stream.indirect.gather [hbm4b:s5+s18], $0x80, s28, s18, $0xb8;
	[tilespmem:$0x1E000] =	vst v63  }
0x6e: {  	s28 =	smov.u32 s26  }
0x6f: {  	p0 =	sne.s32 s26, $0x3000;
	s26 =	sadd.s32 $0x400, s26;
	_ =	swait.ge [sflag:s21], $0x4000  }
0x70: {  	s28 =	sshra.s32 s28, $0x2;
	[sflag:s21] =	ssyncset.done $0x0  }
0x71: {  	s29 =	sadd.s32 $0x1000, s28;
	[sflag:s21] =	ssyncadd.s32 $0xFFFFC000  }
0x72: {  	[spmem:s2] =	stream.indirect.scatter.add.f32 [tilespmem:s19], [sflag:$0x3], $0x80, s29, s18, $0xb8;
	[tilespmem:$0x1E000] =	vst v63  }
0x73: {  	_ =	swait.ge [sflag:s16], $0x4000  }
0x74: {  	[sflag:s16] =	ssyncset.done $0x0  }
0x75: {  	s29 =	sadd.s32 $0x100, s28;
	[sflag:s16] =	ssyncadd.s32 $0xFFFFC000  }
0x76: {  	[tilespmem:s19], [sflag:$0x1] =	stream.indirect.gather [hbm4b:s5+s18], $0x80, s29, s18, $0xb8;
	[tilespmem:$0x1E000] =	vst v63  }
0x77: {  	_ =	swait.ge [sflag:s22], $0x4000  }
0x78: {  	[sflag:s22] =	ssyncset.done $0x0  }
.Ltmp1:
0x79: {  	s29 =	sadd.s32 $0x1080, s28;
	[sflag:s22] =	ssyncadd.s32 $0xFFFFC000;
	(pc) =	sbr.rel @p0 .LBB2_4-.Ltmp1, $4  }
0x7a: {  	[spmem:s2] =	stream.indirect.scatter.add.f32 [tilespmem:s20], [sflag:$0x3], $0x80, s29, s18, $0xb8;
	[tilespmem:$0x1E000] =	vst v63  }
0x7b: {  	_ =	swait.ge [sflag:s16], $0x4000  }
0x7c: {  	[sflag:s16] =	ssyncset.done $0x0  }
0x7d: {  	s28 =	sadd.s32 $0x180, s28;
	[sflag:s16] =	ssyncadd.s32 $0xFFFFC000  }
0x7e: {  	[tilespmem:s20], [sflag:$0x2] =	stream.indirect.gather [hbm4b:s5+s18], $0x80, s28, s18, $0xb8;
	[tilespmem:$0x1E000] =	vst v63  }
0x7f: {  	_ =	swait.ge [sflag:s21], $0x4000  }
0x80: {  	[sflag:s21] =	ssyncset.done $0x0  }
0x81: {  	[sflag:s21] =	ssyncadd.s32 $0xFFFFC000  }
0x82: {  	[spmem:s2] =	stream.indirect.scatter.add.f32 [tilespmem:s19], [sflag:$0x3], $0x80, s23, s18, $0xb8;
	[tilespmem:$0x1E000] =	vst v63  }
0x83: {  	_ =	swait.ge [sflag:s16], $0x4000  }
0x84: {  	[sflag:s16] =	ssyncset.done $0x0  }
0x85: {  	[sflag:s16] =	ssyncadd.s32 $0xFFFFC000  }
0x86: {  	_ =	swait.ge [sflag:s22], $0x4000  }
0x87: {  	[sflag:s22] =	ssyncset.done $0x0  }
0x88: {  	[sflag:s22] =	ssyncadd.s32 $0xFFFFC000  }
0x89: {  	[spmem:s2] =	stream.indirect.scatter.add.f32 [tilespmem:s20], [sflag:$0x3], $0x80, s24, s18, $0xb8;
	[tilespmem:$0x1E000] =	vst v63  }
0x8a: {  	_ =	swait.ge [sflag:s16], $0x4000  }
0x8b: {  	[sflag:s16] =	ssyncset.done $0x0  }
0x8c: {  	s26 =	simm.s32 $0x0;
	[sflag:s16] =	ssyncadd.s32 $0xFFFFC000  }
0x8d: {  	[tilespmem:s26], [sflag:$0x3] =	stream.linear.gather [hbm4b:s11+s26], $0xE00, $0x38;
	[tilespmem:$0x1E000] =	vst v63  }
0x8e: {  	_ =	swait.ge [sflag:s16], $0xE00  }
0x8f: {  	[sflag:s16] =	ssyncset.done $0x0  }
0x90: {  	[sflag:s16] =	ssyncadd.s32 $0xFFFFF200  }
0x91: {  	[tilespmem:s17], [sflag:$0x3] =	stream.linear.gather [hbm4b:s12+s26], $0xE00, $0x38;
	[tilespmem:$0x1E000] =	vst v63  }
0x92: {  	_ =	swait.ge [sflag:s16], $0xE00  }
0x93: {  	[sflag:s16] =	ssyncset.done $0x0  }
0x94: {  	[sflag:s16] =	ssyncadd.s32 $0xFFFFF200  }
0x95: {  	[tilespmem:s19], [sflag:$0x1] =	stream.indirect.gather [hbm4b:s5+s18], $0x80, s26, s18, $0xb8;
	[tilespmem:$0x1E000] =	vst v63  }
0x96: {  	_ = 	snop  }
0x97: {  	[tilespmem:s20], [sflag:$0x2] =	stream.indirect.gather [hbm4b:s5+s18], $0x80, s18, s18, $0xb8;
	[tilespmem:$0x1E000] =	vst v63  }
0x98: {  	_ =	swait.ge [sflag:s21], $0x4000  }
0x99: {  	[sflag:s21] =	ssyncset.done $0x0  }
0x9a: {  	s29 =	simm.s32 $0x1000;
	[sflag:s21] =	ssyncadd.s32 $0xFFFFC000  }
0x9b: {  	[spmem:s2] =	stream.indirect.scatter.add.f32 [tilespmem:s19], [sflag:$0x3], $0x80, s29, s18, $0xb8;
	[tilespmem:$0x1E000] =	vst v63  }
0x9c: {  	_ =	swait.ge [sflag:s16], $0x4000  }
0x9d: {  	[sflag:s16] =	ssyncset.done $0x0  }
0x9e: {  	s30 =	simm.s32 $0x100;
	[sflag:s16] =	ssyncadd.s32 $0xFFFFC000  }
0x9f: {  	[tilespmem:s19], [sflag:$0x1] =	stream.indirect.gather [hbm4b:s5+s18], $0x80, s30, s18, $0xb8;
	[tilespmem:$0x1E000] =	vst v63  }
0xa0: {  	_ =	swait.ge [sflag:s22], $0x4000  }
0xa1: {  	[sflag:s22] =	ssyncset.done $0x0  }
0xa2: {  	s31 =	simm.s32 $0x1080;
	[sflag:s22] =	ssyncadd.s32 $0xFFFFC000  }
0xa3: {  	[spmem:s2] =	stream.indirect.scatter.add.f32 [tilespmem:s20], [sflag:$0x3], $0x80, s31, s18, $0xb8;
	[tilespmem:$0x1E000] =	vst v63  }
0xa4: {  	_ =	swait.ge [sflag:s16], $0x4000  }
0xa5: {  	[sflag:s16] =	ssyncset.done $0x0  }
0xa6: {  	s28 =	simm.s32 $0x180;
	s26 =	simm.s32 $0x400;
	[sflag:s16] =	ssyncadd.s32 $0xFFFFC000  }
.LBB2_6:
0xa7: {  	[tilespmem:s20], [sflag:$0x2] =	stream.indirect.gather [hbm4b:s5+s18], $0x80, s28, s18, $0xb8;
	[tilespmem:$0x1E000] =	vst v63  }
0xa8: {  	s28 =	smov.u32 s26  }
0xa9: {  	p0 =	sne.s32 s26, $0x3000;
	s26 =	sadd.s32 $0x400, s26;
	_ =	swait.ge [sflag:s21], $0x4000  }
0xaa: {  	s28 =	sshra.s32 s28, $0x2;
	[sflag:s21] =	ssyncset.done $0x0  }
0xab: {  	s29 =	sadd.s32 $0x1000, s28;
	[sflag:s21] =	ssyncadd.s32 $0xFFFFC000  }
0xac: {  	[spmem:s2] =	stream.indirect.scatter.add.f32 [tilespmem:s19], [sflag:$0x3], $0x80, s29, s18, $0xb8;
	[tilespmem:$0x1E000] =	vst v63  }
0xad: {  	_ =	swait.ge [sflag:s16], $0x4000  }
0xae: {  	[sflag:s16] =	ssyncset.done $0x0  }
0xaf: {  	s29 =	sadd.s32 $0x100, s28;
	[sflag:s16] =	ssyncadd.s32 $0xFFFFC000  }
0xb0: {  	[tilespmem:s19], [sflag:$0x1] =	stream.indirect.gather [hbm4b:s5+s18], $0x80, s29, s18, $0xb8;
	[tilespmem:$0x1E000] =	vst v63  }
0xb1: {  	_ =	swait.ge [sflag:s22], $0x4000  }
0xb2: {  	[sflag:s22] =	ssyncset.done $0x0  }
.Ltmp2:
0xb3: {  	s29 =	sadd.s32 $0x1080, s28;
	[sflag:s22] =	ssyncadd.s32 $0xFFFFC000;
	(pc) =	sbr.rel @p0 .LBB2_6-.Ltmp2, $4  }
0xb4: {  	[spmem:s2] =	stream.indirect.scatter.add.f32 [tilespmem:s20], [sflag:$0x3], $0x80, s29, s18, $0xb8;
	[tilespmem:$0x1E000] =	vst v63  }
0xb5: {  	_ =	swait.ge [sflag:s16], $0x4000  }
0xb6: {  	[sflag:s16] =	ssyncset.done $0x0  }
0xb7: {  	s28 =	sadd.s32 $0x180, s28;
	[sflag:s16] =	ssyncadd.s32 $0xFFFFC000  }
0xb8: {  	[tilespmem:s20], [sflag:$0x2] =	stream.indirect.gather [hbm4b:s5+s18], $0x80, s28, s18, $0xb8;
	[tilespmem:$0x1E000] =	vst v63  }
0xb9: {  	_ =	swait.ge [sflag:s21], $0x4000  }
0xba: {  	[sflag:s21] =	ssyncset.done $0x0  }
0xbb: {  	[sflag:s21] =	ssyncadd.s32 $0xFFFFC000  }
0xbc: {  	[spmem:s2] =	stream.indirect.scatter.add.f32 [tilespmem:s19], [sflag:$0x3], $0x80, s23, s18, $0xb8;
	[tilespmem:$0x1E000] =	vst v63  }
0xbd: {  	_ =	swait.ge [sflag:s16], $0x4000  }
0xbe: {  	[sflag:s16] =	ssyncset.done $0x0  }
0xbf: {  	[sflag:s16] =	ssyncadd.s32 $0xFFFFC000  }
0xc0: {  	_ =	swait.ge [sflag:s22], $0x4000  }
0xc1: {  	[sflag:s22] =	ssyncset.done $0x0  }
0xc2: {  	[sflag:s22] =	ssyncadd.s32 $0xFFFFC000  }
0xc3: {  	[spmem:s2] =	stream.indirect.scatter.add.f32 [tilespmem:s20], [sflag:$0x3], $0x80, s24, s18, $0xb8;
	[tilespmem:$0x1E000] =	vst v63  }
0xc4: {  	_ =	swait.ge [sflag:s16], $0x4000  }
0xc5: {  	s25 =	sadd.s32 $0x1, s25;
	[sflag:s16] =	ssyncset.done $0x0  }
0xc6: {  	p0 =	sne.s32 s25, s14;
	[sflag:s16] =	ssyncadd.s32 $0xFFFFC000  }
.Ltmp3:
0xc7: {  	[bflag:$0x0] =	sbarrier.arrive $0xFFFF;
	(pc) =	sbr.rel @p0 .LBB2_1-.Ltmp3, $4  }
0xc8: {  	[hbm:s13], [sflag:s6] =	dma.local [spmem:s15], $0x2800  }
0xc9: {  	_ =	swait.ge [sflag:s16], $0x2800  }
0xca: {  	[sflag:s16] =	ssyncset.done $0x0  }
0xcb: {  	[sflag:s16] =	ssyncadd.s32 $0xFFFFD800  }
0xcc: {  	_ =	sfence.sel $0x180000  }
0xcd: {  	[bflag:$0x0] =	sbarrier.arrive $0xFFFF  }
0xce: {  	p0 =	sne.s32 s3, $0x0;
	_ =	strace $0x9000004A  }
0xcf: {  	s0 =	sadd.s32 @!p0 $0x100000, s0;
	[bflag:$0x2] =	sbarrier.arrive $0xFFFF  }
0xd0: {  	[sflag:s0] =	ssyncadd.tile.s32 @!p0 $0x1;
	_ =	shalt  }
.Lfunc_end2:
_tile_overlayer_lowered:
.L_overlay_start_2:
0xd1: {  	(tag) =	ssettag $0x2  }
0xd2: {  	s0 =	rddreg [dreg:$0x0];
	s2 =	stileid.u32  }
0xd3: {  	s1 =	rddreg [dreg:$0x1];
	p0 =	sne.s32 s2, $0x0  }
0xd4: {  	s3 =	rddreg [dreg:$0x2];
	[bflag:$0x3] =	sbarrier.arrive $0xFFFF;
	s2 =	simm.s32 @!p0 $0x1C03  }
0xd5: {  	[timem:s3], [sflag:s2] =	dma.local @!p0 [hbm:s0], s1  }
0xd6: {  	s0 =	simm.s32 @!p0 $0x3  }
0xd7: {  	_ =	swait.ge @!p0 [sflag:s0], s1  }
0xd8: {  	s1 =	ssub.s32 @!p0 $0x0, s1;
	[sflag:s0] =	ssyncset.done @!p0 $0x0  }
0xd9: {  	[sflag:s0] =	ssyncadd.s32 @!p0 s1  }
0xda: {  	[bflag:$0x3] =	sbarrier.arrive $0xFFFF  }
0xdb: {  	_ =	shalt  }

// kernel: kernel.15.cloned.1.call-start
scs
__scs_entry_jumppad:
0x0: {  	(pc) =	sbr.rel $0x88, $3  }
0x1: {  	(tag) =	ssettag $0x0;
	lr =	simm.s32 $0x1  }
0x2: {  	[smem:$0x3F99] =	sst lr;
	_ =	strace $0xD0000000  }
0x3: {  	_ = 	snop  }
0x4: {  	_ = 	snop  }
0x5: {  	_ = 	snop  }
0x6: {  	_ = 	snop  }
0x7: {  	_ = 	snop  }
__scs_overlays_trampoline_lowered:
0x8: {  	[smem:$0x3FA8] =	sst s0  }
0x9: {  	[smem:$0x3FA9] =	sst s1  }
0xa: {  	[smem:$0x3FAA] =	sst s2  }
0xb: {  	[smem:$0x3FAB] =	sst s3  }
0xc: {  	[smem:$0x3FAC] =	sst s4  }
0xd: {  	[smem:$0x3FAD] =	sst s5  }
0xe: {  	[smem:$0x3FAE] =	sst s6  }
0xf: {  	[smem:$0x3FAF] =	sst s7  }
0x10: {  	[smem:$0x3FB0] =	sst s8  }
0x11: {  	[smem:$0x3FB1] =	sst s9;
	s0 =	simm.s32 @!p0 $0x0  }
0x12: {  	s1 =	sld [smem:$0x3F97];
	s0 =	simm.s32 @p0 $0x1  }
0x13: {  	[smem:$0x3FB2] =	sst s0;
	s0 =	simm.s32 @!p1 $0x0  }
0x14: {  	s2 =	sld [smem:$0x3F96];
	s0 =	simm.s32 @p1 $0x1  }
0x15: {  	[smem:$0x3FB3] =	sst s0;
	s0 =	simm.s32 @!p2 $0x0  }
0x16: {  	s3 =	sld [smem:$0x3FDB];
	s0 =	simm.s32 @p2 $0x1  }
0x17: {  	s4 =	simm.s32 $0x1BF5;
	[smem:$0x3FB5] =	sst s0  }
0x18: {  	s0 =	sld [smem:$0x3F98];
	_ =	swait.ge [sflag:s4], $0x0  }
0x19: {  	s7 =	sld [smem:$0x3F99]  }
0x1a: {  	s8 =	sadd.s32 $0xFFFFE003, lr  }
0x1b: {  	s9 =	sadd.s32 $0xFFFFFEF7, lr;
	s5 =	simm.s32 $0xFFFFFFFF;
	p2 =	slt.u32 s8, $0xFFFFF086  }
0x1c: {  	p1 =	slt.u32 s9, $0xF7A;
	s5 =	simm.s32 @!p2 $0x0  }
0x1d: {  	s5 =	simm.s32 @p1 $0x1;
	p0 =	seq.s32 s7, s2  }
0x1e: {  	s7 =	smul.u32 @!p0 $0xF7A, s2;
	p2 =	seq.s32 @!p0 s5, $0x0  }
0x1f: {  	s9 =	smul.u32 $0xF7A, s1;
	s8 =	simm.s32 @!p0 $0x1BF5;
	p2 =	por !p2, p0  }
0x20: {  	[sflag:s8] =	ssyncset.s32 @!p0 $0xFFFFF086;
	s6 =	sadd.s32 @!p0 s3, s7;
	s7 =	simm.s32 @!p0 $0x108  }
0x21: {  	s3 =	sadd.s32 s3, s9;
	s6 =	sadd.s32 @!p0 $0x88, s6;
	s7 =	simm.s32 @p2 $0x1082  }
0x22: {  	[simem:s7], [sflag:s8] =	dma.local @!p0 [hbm:s6], $0xF7A  }
0x23: {  	s9 =	sor.u32 $0xD0000000, s2;
	s6 =	simm.s32 $0x108;
	_ =	swait.ge @!p0 [sflag:s8], $0x0  }
0x24: {  	s3 =	sadd.s32 $0x88, s3;
	s6 =	simm.s32 @!p1 $0x1082;
	[sflag:s4] =	ssyncset.s32 $0xFFFFF086  }
0x25: {  	[simem:s6], [sflag:s4] =	dma.local [hbm:s3], $0xF7A  }
0x26: {  	[smem:$0x3F99] =	sst s1;
	(tag) =	ssettag s2;
	_ =	strace s9  }
0x27: {  	s1 =	sld [smem:$0x3FA9]  }
0x28: {  	s2 =	sld [smem:$0x3FAA]  }
0x29: {  	s4 =	sld [smem:$0x3FAC]  }
0x2a: {  	p0 =	seq.s32 s5, $0x0;
	s5 =	sld [smem:$0x3FAD]  }
0x2b: {  	s6 =	sld [smem:$0x3FAE]  }
0x2c: {  	s7 =	sld [smem:$0x3FAF]  }
0x2d: {  	s3 =	simm.s32 $0x108;
	s8 =	sld [smem:$0x3FB0]  }
0x2e: {  	s3 =	simm.s32 @!p0 $0x1082;
	s9 =	sld [smem:$0x3FB1]  }
0x2f: {  	lr =	sadd.s32 s0, s3;
	s0 =	sld [smem:$0x3FA8]  }
0x30: {  	s3 =	sld [smem:$0x3FAB]  }
0x31: {  	[smem:$0x3FB4] =	sst s10  }
0x32: {  	s10 =	sld [smem:$0x3FB2];
	_ =	sdelay $0x3  }
0x33: {  	p0 =	seq.s32 s10, $0x1;
	s10 =	sld [smem:$0x3FB4];
	_ =	sdelay $0x3  }
0x34: {  	[smem:$0x3FB4] =	sst s10  }
0x35: {  	s10 =	sld [smem:$0x3FB3];
	_ =	sdelay $0x3  }
0x36: {  	p1 =	seq.s32 s10, $0x1;
	s10 =	sld [smem:$0x3FB4];
	_ =	sdelay $0x3  }
0x37: {  	[smem:$0x3FB4] =	sst s10  }
0x38: {  	s10 =	sld [smem:$0x3FB5]  }
0x39: {  	_ = 	snop;
	(pc) =	sbr.ind lr, $3  }
0x3a: {  	_ = 	snop  }
0x3b: {  	_ = 	snop  }
0x3c: {  	p2 =	seq.s32 s10, $0x1;
	s10 =	sld [smem:$0x3FB4]  }
0x3d: {  	_ =	shalt  }
0x3e: {  	_ =	shalt  }
0x3f: {  	_ =	shalt  }
0x40: {  	_ =	shalt  }
0x41: {  	_ =	shalt  }
0x42: {  	_ =	shalt  }
0x43: {  	_ =	shalt  }
0x44: {  	_ =	shalt  }
0x45: {  	_ =	shalt  }
0x46: {  	_ =	shalt  }
0x47: {  	_ =	shalt  }
0x48: {  	_ =	shalt  }
0x49: {  	_ =	shalt  }
0x4a: {  	_ =	shalt  }
0x4b: {  	_ =	shalt  }
0x4c: {  	_ =	shalt  }
0x4d: {  	_ =	shalt  }
0x4e: {  	_ =	shalt  }
0x4f: {  	_ =	shalt  }
0x50: {  	_ =	shalt  }
0x51: {  	_ =	shalt  }
0x52: {  	_ =	shalt  }
0x53: {  	_ =	shalt  }
0x54: {  	_ =	shalt  }
0x55: {  	_ =	shalt  }
0x56: {  	_ =	shalt  }
0x57: {  	_ =	shalt  }
0x58: {  	_ =	shalt  }
0x59: {  	_ =	shalt  }
0x5a: {  	_ =	shalt  }
0x5b: {  	_ =	shalt  }
0x5c: {  	_ =	shalt  }
0x5d: {  	_ =	shalt  }
0x5e: {  	_ =	shalt  }
0x5f: {  	_ =	shalt  }
0x60: {  	_ =	shalt  }
0x61: {  	_ =	shalt  }
0x62: {  	_ =	shalt  }
0x63: {  	_ =	shalt  }
0x64: {  	_ =	shalt  }
0x65: {  	_ =	shalt  }
0x66: {  	_ =	shalt  }
0x67: {  	_ =	shalt  }
0x68: {  	_ =	shalt  }
0x69: {  	_ =	shalt  }
0x6a: {  	_ =	shalt  }
0x6b: {  	_ =	shalt  }
0x6c: {  	_ =	shalt  }
0x6d: {  	_ =	shalt  }
0x6e: {  	_ =	shalt  }
0x6f: {  	_ =	shalt  }
0x70: {  	_ =	shalt  }
0x71: {  	_ =	shalt  }
0x72: {  	_ =	shalt  }
0x73: {  	_ =	shalt  }
0x74: {  	_ =	shalt  }
0x75: {  	_ =	shalt  }
0x76: {  	_ =	shalt  }
0x77: {  	_ =	shalt  }
0x78: {  	_ =	shalt  }
0x79: {  	_ =	shalt  }
0x7a: {  	_ =	shalt  }
0x7b: {  	_ =	shalt  }
0x7c: {  	_ =	shalt  }
0x7d: {  	_ =	shalt  }
0x7e: {  	_ =	shalt  }
0x7f: {  	_ =	shalt  }
0x80: {  	_ =	shalt  }
0x81: {  	_ =	shalt  }
0x82: {  	_ =	shalt  }
0x83: {  	_ =	shalt  }
0x84: {  	_ =	shalt  }
0x85: {  	_ =	shalt  }
0x86: {  	_ =	shalt  }
0x87: {  	_ =	shalt  }
.Lfunc_end0:
.L_simem_size_0:
called_computation.2_lowered:
.L_overlay_start_0:
0x88: {  	s2 =	sld [smem:$0x3FD9]  }
0x89: {  	s3 =	sld [smem:$0x3FFE];
	_ =	sdelay $0x1  }
0x8a: {  	s1 =	srdreg.scid  }
0x8b: {  	s0 =	sand.u32 $0x1, s1  }
0x8c: {  	s17 =	sshll.u32 s0, $0xA;
	s2 =	sadd.s32 s3, s2  }
0x8d: {  	s2 =	sadd.s32 s2, s17  }
0x8e: {  	[smem:$0x3FC0] =	sst s2  }
0x8f: {  	_ = 	snop  }
0x90: {  	s2 =	sld [smem:$0x3FD0];
	(tm) =	ssettm $0x1  }
0x91: {  	s18 =	sld [smem:$0x3FFB];
	_ =	sdelay $0x3  }
0x92: {  	_ =	strace s18  }
0x93: {  	s3 =	sld [smem:$0x3FFC];
	_ =	sdelay $0x3  }
0x94: {  	_ =	strace s3  }
0x95: {  	s3 =	sld [smem:$0x3FFD];
	_ =	sdelay $0x3  }
0x96: {  	_ =	strace s3  }
0x97: {  	_ =	strace $0x8FFFFFFF  }
0x98: {  	s19 =	sld [smem:$0x3FDB];
	_ =	sdelay $0x1  }
0x99: {  	s4 =	simm.s32 $_scs_section_size  }
0x9a: {  	s5 =	simm.s32 $_size__tile_overlayer_lowered;
	s6 =	simm.s32 $_tile_overlayer_lowered  }
0x9b: {  	s22 =	simm.s32 $0x1BFF;
	s21 =	sshll.u32 s6, $0x1;
	s3 =	sadd.s32 s4, s19  }
0x9c: {  	s7 =	simm.s32 $0x0;
	s20 =	sshll.u32 s5, $0x1;
	s5 =	sadd.s32 s21, s3  }
0x9d: {  	[timem:s7], [sflag:s22] =	dma.local [hbm:s5], s20  }
0x9e: {  	_ =	swait.ge [sflag:s22], s20  }
0x9f: {  	s4 =	ssub.s32 $0x0, s20;
	[sflag:s22] =	ssyncset.done $0x0  }
0xa0: {  	[sflag:s22] =	ssyncadd.s32 s4;
	_ =	sdelay $0x1  }
0xa1: {  	s23 =	simm.s32 $0x1B8B  }
0xa2: {  	_ =	swait.ge [sflag:s23], $0x1  }
0xa3: {  	[sflag:s23] =	ssyncset.done $0x0  }
0xa4: {  	s25 =	simm.s32 $0x1B8E;
	s24 =	sld [smem:$0x3FFE];
	[sflag:s23] =	ssyncadd.s32 $0xFFFFFFFF  }
0xa5: {  	s26 =	simm.s32 $execute0_lowered;
	[smem:$0x3FD2] =	sst s25  }
0xa6: {  	s5 =	sshll.u32 s26, $0x1;
	_ =	strace $0x8000004C;
	[dreg:$0x1] =	wrdreg $0xFFFFFFFF  }
0xa7: {  	s28 =	simm.s32 $_size_execute0_lowered;
	s3 =	sadd.s32 s3, s5;
	[dreg:$0x0] =	wrdreg $0x0  }
0xa8: {  	s5 =	sshll.u32 s28, $0x1;
	[dreg:$0x2] =	wrdreg s3  }
0xa9: {  	[dreg:$0x3] =	wrdreg s5  }
0xaa: {  	[dreg:$0x4] =	wrdreg $0xC0  }
0xab: {  	_ =	task [dreg:s7], $0x5FFFF  }
0xac: {  	[dreg:$0x1] =	wrdreg $0xFFFFFFFF  }
0xad: {  	[dreg:$0x0] =	wrdreg $0x60  }
0xae: {  	[dreg:$0x2] =	wrdreg s24  }
0xaf: {  	[dreg:$0x3] =	wrdreg s2  }
0xb0: {  	[dreg:$0x4] =	wrdreg $0xA0000  }
0xb1: {  	[dreg:$0x5] =	wrdreg $0x9  }
0xb2: {  	_ =	task.clear_ibuf [dreg:s7], $0x6FFFF;
	_ =	strace $0x9000004C  }
0xb3: {  	s29 =	simm.s32 $0x9;
	_ =	strace $0x8000004E  }
0xb4: {  	_ =	swait.ge [sflag:s29], $0x1  }
0xb5: {  	[sflag:s29] =	ssyncadd.s32 $0xFFFFFFFF  }
0xb6: {  	_ =	strace $0x9000004E  }
0xb7: {  	_ =	sfence  }
0xb8: {  	s30 =	sld [smem:$0x0];
	_ =	sdelay $0x2  }
0xb9: {  	s31 =	sshll.u32 s1, $0xD;
	s1 =	sshrl.u32 s1, $0x2  }
0xba: {  	s3 =	sand.u32 $0x4000, s31;
	s1 =	sadd.s32 s1, s30  }
0xbb: {  	s0 =	sor.u32 s3, s0;
	s1 =	sshll.u32 s1, $0x11  }
0xbc: {  	s0 =	sor.u32 s1, s0  }
0xbd: {  	s0 =	sadd.s32 $0x8F2B, s0  }
0xbe: {  	[sflag:s0] =	ssyncadd.remote.s32 $0x1  }
0xbf: {  	_ =	sfence.sel $0xFFFF  }
0xc0: {  	[dreg:$0x0] =	wrdreg $0xFFFFFFFF;
	(pc) =	sbr.abs _section_cstart, $3  }
0xc1: {  	[dreg:$0x1] =	wrdreg $0xFFFFFFFF  }
0xc2: {  	_ =	task.clear_ibuf [dreg:s7], $0x2FFFF;
	_ =	strace $0x9FFFFFFF  }
0xc3: {  	(tm) =	ssettm $0x7FFFFFFF  }
tec
execute0_lowered:
.L_overlay_start_1:
0x0: {  	(tag) =	ssettag $0x1  }
0x1: {  	s6 =	rddreg [dreg:$0x0]  }
0x2: {  	s1 =	rddreg [dreg:$0x1]  }
0x3: {  	s2 =	rddreg [dreg:$0x2];
	s3 =	srdreg.scid  }
0x4: {  	s0 =	rddreg [dreg:$0x3];
	s4 =	simm.s32 $0x0;
	s17 =	simm.s32 $0x1000  }
0x5: {  	s18 =	simm.s32 $0x80;
	s19 =	simm.s32 $0x2000;
	s20 =	simm.s32 $0x6000  }
0x6: {  	s21 =	simm.s32 $0x1;
	s22 =	simm.s32 $0x2;
	s23 =	simm.s32 $0x1D00  }
0x7: {  	s7 =	sand.u32 $0x1, s3;
	s3 =	stileid.u32;
	[smem:$0x7FF] =	sst s4  }
0x8: {  	s5 =	sadd.s32 $0xE200, s6;
	s11 =	sadd.s32 $0x5EA00, s6;
	s8 =	smul.u32 $0x140000, s7  }
0x9: {  	s12 =	sadd.s32 $0x2200, s6;
	s9 =	smul.u32 $0x14000, s3;
	_ =	strace $0x8000004D  }
0xa: {  	s24 =	ssub.s32 $0x2, s7;
	s7 =	sshll.u32 s7, $0x4;
	s13 =	smul.u32 $0x50000, s3  }
0xb: {  	s28 =	sshll.u32 s3, $0x6;
	s10 =	sshrl.u32 s24, $0x1;
	s7 =	sor.u32 s3, s7  }
0xc: {  	s8 =	sadd.s32 s9, s8;
	s15 =	ssub.s32 s24, s10;
	s25 =	smul.u32 $0x3000, s7  }
0xd: {  	s26 =	sshrl.u32 s13, $0x2;
	s29 =	smul.u32 $0x600, s7;
	s8 =	sshrl.u32 s8, $0x3  }
0xe: {  	s24 =	simm.s32 $0x1D80;
	s16 =	sadd.s32 s26, s2;
	s14 =	sadd.s32 s8, s6  }
0xf: {  	s6 =	sor.u32 $0x1C03, s28;
	s30 =	sshrl.u32 s25, $0x3;
	s7 =	sadd.s32 s11, s29  }
0x10: {  	s8 =	sadd.s32 s12, s29;
	s25 =	simm.s32 $0x0;
	s31 =	sadd.s32 $0x200, s30  }
0x11: {  	s13 =	sadd.s32 $0x400, s30;
	s9 =	sadd.s32 s11, s31;
	s10 =	sadd.s32 s12, s31  }
0x12: {  	s11 =	sadd.s32 s11, s13;
	s12 =	sadd.s32 s12, s13;
	s13 =	sadd.s32 $0x6AA00, s14  }
0x13: {  	s14 =	smax.u32 s15, $0x1;
	s15 =	sshrl.u32 s16, $0x3;
	s16 =	simm.s32 $0x3  }
.LBB2_1:
0x14: {  	[spmem:s15], [sflag:s6] =	dma.local [hbm:s1], $0x2800  }
0x15: {  	_ =	swait.ge [sflag:s16], $0x2800  }
0x16: {  	[sflag:s16] =	ssyncset.done $0x0  }
0x17: {  	[sflag:s16] =	ssyncadd.s32 $0xFFFFD800  }
0x18: {  	[bflag:$0x0] =	sbarrier.arrive $0xFFFF  }
0x19: {  	[tilespmem:s4], [sflag:$0x3] =	stream.linear.gather [hbm4b:s7+s4], $0xE00, $0x38;
	[tilespmem:$0x1E000] =	vst v63  }
0x1a: {  	_ =	swait.ge [sflag:s16], $0xE00  }
0x1b: {  	[sflag:s16] =	ssyncset.done $0x0  }
0x1c: {  	[sflag:s16] =	ssyncadd.s32 $0xFFFFF200  }
0x1d: {  	[tilespmem:s17], [sflag:$0x3] =	stream.linear.gather [hbm4b:s8+s4], $0xE00, $0x38;
	[tilespmem:$0x1E000] =	vst v63  }
0x1e: {  	_ =	swait.ge [sflag:s16], $0xE00  }
0x1f: {  	[sflag:s16] =	ssyncset.done $0x0  }
0x20: {  	[sflag:s16] =	ssyncadd.s32 $0xFFFFF200  }
0x21: {  	[tilespmem:s19], [sflag:$0x1] =	stream.indirect.gather [hbm4b:s5+s18], $0x80, s4, s18, $0xb8;
	[tilespmem:$0x1E000] =	vst v63  }
0x22: {  	_ = 	snop  }
0x23: {  	[tilespmem:s20], [sflag:$0x2] =	stream.indirect.gather [hbm4b:s5+s18], $0x80, s18, s18, $0xb8;
	[tilespmem:$0x1E000] =	vst v63  }
0x24: {  	_ =	swait.ge [sflag:s21], $0x4000  }
0x25: {  	[sflag:s21] =	ssyncset.done $0x0  }
0x26: {  	s26 =	simm.s32 $0x1000;
	[sflag:s21] =	ssyncadd.s32 $0xFFFFC000  }
0x27: {  	[spmem:s2] =	stream.indirect.scatter.add.f32 [tilespmem:s19], [sflag:$0x3], $0x80, s26, s18, $0xb8;
	[tilespmem:$0x1E000] =	vst v63  }
0x28: {  	_ =	swait.ge [sflag:s16], $0x4000  }
0x29: {  	[sflag:s16] =	ssyncset.done $0x0  }
0x2a: {  	s30 =	simm.s32 $0x100;
	[sflag:s16] =	ssyncadd.s32 $0xFFFFC000  }
0x2b: {  	[tilespmem:s19], [sflag:$0x1] =	stream.indirect.gather [hbm4b:s5+s18], $0x80, s30, s18, $0xb8;
	[tilespmem:$0x1E000] =	vst v63  }
0x2c: {  	_ =	swait.ge [sflag:s22], $0x4000  }
0x2d: {  	[sflag:s22] =	ssyncset.done $0x0  }
0x2e: {  	s31 =	simm.s32 $0x1080;
	[sflag:s22] =	ssyncadd.s32 $0xFFFFC000  }
0x2f: {  	[spmem:s2] =	stream.indirect.scatter.add.f32 [tilespmem:s20], [sflag:$0x3], $0x80, s31, s18, $0xb8;
	[tilespmem:$0x1E000] =	vst v63  }
0x30: {  	_ =	swait.ge [sflag:s16], $0x4000  }
0x31: {  	[sflag:s16] =	ssyncset.done $0x0  }
0x32: {  	s28 =	simm.s32 $0x180;
	s26 =	simm.s32 $0x400;
	[sflag:s16] =	ssyncadd.s32 $0xFFFFC000  }
.LBB2_2:
0x33: {  	[tilespmem:s20], [sflag:$0x2] =	stream.indirect.gather [hbm4b:s5+s18], $0x80, s28, s18, $0xb8;
	[tilespmem:$0x1E000] =	vst v63  }
0x34: {  	s28 =	smov.u32 s26  }
0x35: {  	p0 =	sne.s32 s26, $0x3000;
	s26 =	sadd.s32 $0x400, s26;
	_ =	swait.ge [sflag:s21], $0x4000  }
0x36: {  	s28 =	sshra.s32 s28, $0x2;
	[sflag:s21] =	ssyncset.done $0x0  }
0x37: {  	s29 =	sadd.s32 $0x1000, s28;
	[sflag:s21] =	ssyncadd.s32 $0xFFFFC000  }
0x38: {  	[spmem:s2] =	stream.indirect.scatter.add.f32 [tilespmem:s19], [sflag:$0x3], $0x80, s29, s18, $0xb8;
	[tilespmem:$0x1E000] =	vst v63  }
0x39: {  	_ =	swait.ge [sflag:s16], $0x4000  }
0x3a: {  	[sflag:s16] =	ssyncset.done $0x0  }
0x3b: {  	s29 =	sadd.s32 $0x100, s28;
	[sflag:s16] =	ssyncadd.s32 $0xFFFFC000  }
0x3c: {  	[tilespmem:s19], [sflag:$0x1] =	stream.indirect.gather [hbm4b:s5+s18], $0x80, s29, s18, $0xb8;
	[tilespmem:$0x1E000] =	vst v63  }
0x3d: {  	_ =	swait.ge [sflag:s22], $0x4000  }
0x3e: {  	[sflag:s22] =	ssyncset.done $0x0  }
.Ltmp0:
0x3f: {  	s29 =	sadd.s32 $0x1080, s28;
	[sflag:s22] =	ssyncadd.s32 $0xFFFFC000;
	(pc) =	sbr.rel @p0 .LBB2_2-.Ltmp0, $4  }
0x40: {  	[spmem:s2] =	stream.indirect.scatter.add.f32 [tilespmem:s20], [sflag:$0x3], $0x80, s29, s18, $0xb8;
	[tilespmem:$0x1E000] =	vst v63  }
0x41: {  	_ =	swait.ge [sflag:s16], $0x4000  }
0x42: {  	[sflag:s16] =	ssyncset.done $0x0  }
0x43: {  	s28 =	sadd.s32 $0x180, s28;
	[sflag:s16] =	ssyncadd.s32 $0xFFFFC000  }
0x44: {  	[tilespmem:s20], [sflag:$0x2] =	stream.indirect.gather [hbm4b:s5+s18], $0x80, s28, s18, $0xb8;
	[tilespmem:$0x1E000] =	vst v63  }
0x45: {  	_ =	swait.ge [sflag:s21], $0x4000  }
0x46: {  	[sflag:s21] =	ssyncset.done $0x0  }
0x47: {  	[sflag:s21] =	ssyncadd.s32 $0xFFFFC000  }
0x48: {  	[spmem:s2] =	stream.indirect.scatter.add.f32 [tilespmem:s19], [sflag:$0x3], $0x80, s23, s18, $0xb8;
	[tilespmem:$0x1E000] =	vst v63  }
0x49: {  	_ =	swait.ge [sflag:s16], $0x4000  }
0x4a: {  	[sflag:s16] =	ssyncset.done $0x0  }
0x4b: {  	[sflag:s16] =	ssyncadd.s32 $0xFFFFC000  }
0x4c: {  	_ =	swait.ge [sflag:s22], $0x4000  }
0x4d: {  	[sflag:s22] =	ssyncset.done $0x0  }
0x4e: {  	[sflag:s22] =	ssyncadd.s32 $0xFFFFC000  }
0x4f: {  	[spmem:s2] =	stream.indirect.scatter.add.f32 [tilespmem:s20], [sflag:$0x3], $0x80, s24, s18, $0xb8;
	[tilespmem:$0x1E000] =	vst v63  }
0x50: {  	_ =	swait.ge [sflag:s16], $0x4000  }
0x51: {  	[sflag:s16] =	ssyncset.done $0x0  }
0x52: {  	s26 =	simm.s32 $0x0;
	[sflag:s16] =	ssyncadd.s32 $0xFFFFC000  }
0x53: {  	[tilespmem:s26], [sflag:$0x3] =	stream.linear.gather [hbm4b:s9+s26], $0xE00, $0x38;
	[tilespmem:$0x1E000] =	vst v63  }
0x54: {  	_ =	swait.ge [sflag:s16], $0xE00  }
0x55: {  	[sflag:s16] =	ssyncset.done $0x0  }
0x56: {  	[sflag:s16] =	ssyncadd.s32 $0xFFFFF200  }
0x57: {  	[tilespmem:s17], [sflag:$0x3] =	stream.linear.gather [hbm4b:s10+s26], $0xE00, $0x38;
	[tilespmem:$0x1E000] =	vst v63  }
0x58: {  	_ =	swait.ge [sflag:s16], $0xE00  }
0x59: {  	[sflag:s16] =	ssyncset.done $0x0  }
0x5a: {  	[sflag:s16] =	ssyncadd.s32 $0xFFFFF200  }
0x5b: {  	[tilespmem:s19], [sflag:$0x1] =	stream.indirect.gather [hbm4b:s5+s18], $0x80, s26, s18, $0xb8;
	[tilespmem:$0x1E000] =	vst v63  }
0x5c: {  	_ = 	snop  }
0x5d: {  	[tilespmem:s20], [sflag:$0x2] =	stream.indirect.gather [hbm4b:s5+s18], $0x80, s18, s18, $0xb8;
	[tilespmem:$0x1E000] =	vst v63  }
0x5e: {  	_ =	swait.ge [sflag:s21], $0x4000  }
0x5f: {  	[sflag:s21] =	ssyncset.done $0x0  }
0x60: {  	s29 =	simm.s32 $0x1000;
	[sflag:s21] =	ssyncadd.s32 $0xFFFFC000  }
0x61: {  	[spmem:s2] =	stream.indirect.scatter.add.f32 [tilespmem:s19], [sflag:$0x3], $0x80, s29, s18, $0xb8;
	[tilespmem:$0x1E000] =	vst v63  }
0x62: {  	_ =	swait.ge [sflag:s16], $0x4000  }
0x63: {  	[sflag:s16] =	ssyncset.done $0x0  }
0x64: {  	s30 =	simm.s32 $0x100;
	[sflag:s16] =	ssyncadd.s32 $0xFFFFC000  }
0x65: {  	[tilespmem:s19], [sflag:$0x1] =	stream.indirect.gather [hbm4b:s5+s18], $0x80, s30, s18, $0xb8;
	[tilespmem:$0x1E000] =	vst v63  }
0x66: {  	_ =	swait.ge [sflag:s22], $0x4000  }
0x67: {  	[sflag:s22] =	ssyncset.done $0x0  }
0x68: {  	s31 =	simm.s32 $0x1080;
	[sflag:s22] =	ssyncadd.s32 $0xFFFFC000  }
0x69: {  	[spmem:s2] =	stream.indirect.scatter.add.f32 [tilespmem:s20], [sflag:$0x3], $0x80, s31, s18, $0xb8;
	[tilespmem:$0x1E000] =	vst v63  }
0x6a: {  	_ =	swait.ge [sflag:s16], $0x4000  }
0x6b: {  	[sflag:s16] =	ssyncset.done $0x0  }
0x6c: {  	s28 =	simm.s32 $0x180;
	s26 =	simm.s32 $0x400;
	[sflag:s16] =	ssyncadd.s32 $0xFFFFC000  }
.LBB2_4:
0x6d: {  	[tilespmem:s20], [sflag:$0x2] =	stream.indirect.gather [hbm4b:s5+s18], $0x80, s28, s18, $0xb8;
	[tilespmem:$0x1E000] =	vst v63  }
0x6e: {  	s28 =	smov.u32 s26  }
0x6f: {  	p0 =	sne.s32 s26, $0x3000;
	s26 =	sadd.s32 $0x400, s26;
	_ =	swait.ge [sflag:s21], $0x4000  }
0x70: {  	s28 =	sshra.s32 s28, $0x2;
	[sflag:s21] =	ssyncset.done $0x0  }
0x71: {  	s29 =	sadd.s32 $0x1000, s28;
	[sflag:s21] =	ssyncadd.s32 $0xFFFFC000  }
0x72: {  	[spmem:s2] =	stream.indirect.scatter.add.f32 [tilespmem:s19], [sflag:$0x3], $0x80, s29, s18, $0xb8;
	[tilespmem:$0x1E000] =	vst v63  }
0x73: {  	_ =	swait.ge [sflag:s16], $0x4000  }
0x74: {  	[sflag:s16] =	ssyncset.done $0x0  }
0x75: {  	s29 =	sadd.s32 $0x100, s28;
	[sflag:s16] =	ssyncadd.s32 $0xFFFFC000  }
0x76: {  	[tilespmem:s19], [sflag:$0x1] =	stream.indirect.gather [hbm4b:s5+s18], $0x80, s29, s18, $0xb8;
	[tilespmem:$0x1E000] =	vst v63  }
0x77: {  	_ =	swait.ge [sflag:s22], $0x4000  }
0x78: {  	[sflag:s22] =	ssyncset.done $0x0  }
.Ltmp1:
0x79: {  	s29 =	sadd.s32 $0x1080, s28;
	[sflag:s22] =	ssyncadd.s32 $0xFFFFC000;
	(pc) =	sbr.rel @p0 .LBB2_4-.Ltmp1, $4  }
0x7a: {  	[spmem:s2] =	stream.indirect.scatter.add.f32 [tilespmem:s20], [sflag:$0x3], $0x80, s29, s18, $0xb8;
	[tilespmem:$0x1E000] =	vst v63  }
0x7b: {  	_ =	swait.ge [sflag:s16], $0x4000  }
0x7c: {  	[sflag:s16] =	ssyncset.done $0x0  }
0x7d: {  	s28 =	sadd.s32 $0x180, s28;
	[sflag:s16] =	ssyncadd.s32 $0xFFFFC000  }
0x7e: {  	[tilespmem:s20], [sflag:$0x2] =	stream.indirect.gather [hbm4b:s5+s18], $0x80, s28, s18, $0xb8;
	[tilespmem:$0x1E000] =	vst v63  }
0x7f: {  	_ =	swait.ge [sflag:s21], $0x4000  }
0x80: {  	[sflag:s21] =	ssyncset.done $0x0  }
0x81: {  	[sflag:s21] =	ssyncadd.s32 $0xFFFFC000  }
0x82: {  	[spmem:s2] =	stream.indirect.scatter.add.f32 [tilespmem:s19], [sflag:$0x3], $0x80, s23, s18, $0xb8;
	[tilespmem:$0x1E000] =	vst v63  }
0x83: {  	_ =	swait.ge [sflag:s16], $0x4000  }
0x84: {  	[sflag:s16] =	ssyncset.done $0x0  }
0x85: {  	[sflag:s16] =	ssyncadd.s32 $0xFFFFC000  }
0x86: {  	_ =	swait.ge [sflag:s22], $0x4000  }
0x87: {  	[sflag:s22] =	ssyncset.done $0x0  }
0x88: {  	[sflag:s22] =	ssyncadd.s32 $0xFFFFC000  }
0x89: {  	[spmem:s2] =	stream.indirect.scatter.add.f32 [tilespmem:s20], [sflag:$0x3], $0x80, s24, s18, $0xb8;
	[tilespmem:$0x1E000] =	vst v63  }
0x8a: {  	_ =	swait.ge [sflag:s16], $0x4000  }
0x8b: {  	[sflag:s16] =	ssyncset.done $0x0  }
0x8c: {  	s26 =	simm.s32 $0x0;
	[sflag:s16] =	ssyncadd.s32 $0xFFFFC000  }
0x8d: {  	[tilespmem:s26], [sflag:$0x3] =	stream.linear.gather [hbm4b:s11+s26], $0xE00, $0x38;
	[tilespmem:$0x1E000] =	vst v63  }
0x8e: {  	_ =	swait.ge [sflag:s16], $0xE00  }
0x8f: {  	[sflag:s16] =	ssyncset.done $0x0  }
0x90: {  	[sflag:s16] =	ssyncadd.s32 $0xFFFFF200  }
0x91: {  	[tilespmem:s17], [sflag:$0x3] =	stream.linear.gather [hbm4b:s12+s26], $0xE00, $0x38;
	[tilespmem:$0x1E000] =	vst v63  }
0x92: {  	_ =	swait.ge [sflag:s16], $0xE00  }
0x93: {  	[sflag:s16] =	ssyncset.done $0x0  }
0x94: {  	[sflag:s16] =	ssyncadd.s32 $0xFFFFF200  }
0x95: {  	[tilespmem:s19], [sflag:$0x1] =	stream.indirect.gather [hbm4b:s5+s18], $0x80, s26, s18, $0xb8;
	[tilespmem:$0x1E000] =	vst v63  }
0x96: {  	_ = 	snop  }
0x97: {  	[tilespmem:s20], [sflag:$0x2] =	stream.indirect.gather [hbm4b:s5+s18], $0x80, s18, s18, $0xb8;
	[tilespmem:$0x1E000] =	vst v63  }
0x98: {  	_ =	swait.ge [sflag:s21], $0x4000  }
0x99: {  	[sflag:s21] =	ssyncset.done $0x0  }
0x9a: {  	s29 =	simm.s32 $0x1000;
	[sflag:s21] =	ssyncadd.s32 $0xFFFFC000  }
0x9b: {  	[spmem:s2] =	stream.indirect.scatter.add.f32 [tilespmem:s19], [sflag:$0x3], $0x80, s29, s18, $0xb8;
	[tilespmem:$0x1E000] =	vst v63  }
0x9c: {  	_ =	swait.ge [sflag:s16], $0x4000  }
0x9d: {  	[sflag:s16] =	ssyncset.done $0x0  }
0x9e: {  	s30 =	simm.s32 $0x100;
	[sflag:s16] =	ssyncadd.s32 $0xFFFFC000  }
0x9f: {  	[tilespmem:s19], [sflag:$0x1] =	stream.indirect.gather [hbm4b:s5+s18], $0x80, s30, s18, $0xb8;
	[tilespmem:$0x1E000] =	vst v63  }
0xa0: {  	_ =	swait.ge [sflag:s22], $0x4000  }
0xa1: {  	[sflag:s22] =	ssyncset.done $0x0  }
0xa2: {  	s31 =	simm.s32 $0x1080;
	[sflag:s22] =	ssyncadd.s32 $0xFFFFC000  }
0xa3: {  	[spmem:s2] =	stream.indirect.scatter.add.f32 [tilespmem:s20], [sflag:$0x3], $0x80, s31, s18, $0xb8;
	[tilespmem:$0x1E000] =	vst v63  }
0xa4: {  	_ =	swait.ge [sflag:s16], $0x4000  }
0xa5: {  	[sflag:s16] =	ssyncset.done $0x0  }
0xa6: {  	s28 =	simm.s32 $0x180;
	s26 =	simm.s32 $0x400;
	[sflag:s16] =	ssyncadd.s32 $0xFFFFC000  }
.LBB2_6:
0xa7: {  	[tilespmem:s20], [sflag:$0x2] =	stream.indirect.gather [hbm4b:s5+s18], $0x80, s28, s18, $0xb8;
	[tilespmem:$0x1E000] =	vst v63  }
0xa8: {  	s28 =	smov.u32 s26  }
0xa9: {  	p0 =	sne.s32 s26, $0x3000;
	s26 =	sadd.s32 $0x400, s26;
	_ =	swait.ge [sflag:s21], $0x4000  }
0xaa: {  	s28 =	sshra.s32 s28, $0x2;
	[sflag:s21] =	ssyncset.done $0x0  }
0xab: {  	s29 =	sadd.s32 $0x1000, s28;
	[sflag:s21] =	ssyncadd.s32 $0xFFFFC000  }
0xac: {  	[spmem:s2] =	stream.indirect.scatter.add.f32 [tilespmem:s19], [sflag:$0x3], $0x80, s29, s18, $0xb8;
	[tilespmem:$0x1E000] =	vst v63  }
0xad: {  	_ =	swait.ge [sflag:s16], $0x4000  }
0xae: {  	[sflag:s16] =	ssyncset.done $0x0  }
0xaf: {  	s29 =	sadd.s32 $0x100, s28;
	[sflag:s16] =	ssyncadd.s32 $0xFFFFC000  }
0xb0: {  	[tilespmem:s19], [sflag:$0x1] =	stream.indirect.gather [hbm4b:s5+s18], $0x80, s29, s18, $0xb8;
	[tilespmem:$0x1E000] =	vst v63  }
0xb1: {  	_ =	swait.ge [sflag:s22], $0x4000  }
0xb2: {  	[sflag:s22] =	ssyncset.done $0x0  }
.Ltmp2:
0xb3: {  	s29 =	sadd.s32 $0x1080, s28;
	[sflag:s22] =	ssyncadd.s32 $0xFFFFC000;
	(pc) =	sbr.rel @p0 .LBB2_6-.Ltmp2, $4  }
0xb4: {  	[spmem:s2] =	stream.indirect.scatter.add.f32 [tilespmem:s20], [sflag:$0x3], $0x80, s29, s18, $0xb8;
	[tilespmem:$0x1E000] =	vst v63  }
0xb5: {  	_ =	swait.ge [sflag:s16], $0x4000  }
0xb6: {  	[sflag:s16] =	ssyncset.done $0x0  }
0xb7: {  	s28 =	sadd.s32 $0x180, s28;
	[sflag:s16] =	ssyncadd.s32 $0xFFFFC000  }
0xb8: {  	[tilespmem:s20], [sflag:$0x2] =	stream.indirect.gather [hbm4b:s5+s18], $0x80, s28, s18, $0xb8;
	[tilespmem:$0x1E000] =	vst v63  }
0xb9: {  	_ =	swait.ge [sflag:s21], $0x4000  }
0xba: {  	[sflag:s21] =	ssyncset.done $0x0  }
0xbb: {  	[sflag:s21] =	ssyncadd.s32 $0xFFFFC000  }
0xbc: {  	[spmem:s2] =	stream.indirect.scatter.add.f32 [tilespmem:s19], [sflag:$0x3], $0x80, s23, s18, $0xb8;
	[tilespmem:$0x1E000] =	vst v63  }
0xbd: {  	_ =	swait.ge [sflag:s16], $0x4000  }
0xbe: {  	[sflag:s16] =	ssyncset.done $0x0  }
0xbf: {  	[sflag:s16] =	ssyncadd.s32 $0xFFFFC000  }
0xc0: {  	_ =	swait.ge [sflag:s22], $0x4000  }
0xc1: {  	[sflag:s22] =	ssyncset.done $0x0  }
0xc2: {  	[sflag:s22] =	ssyncadd.s32 $0xFFFFC000  }
0xc3: {  	[spmem:s2] =	stream.indirect.scatter.add.f32 [tilespmem:s20], [sflag:$0x3], $0x80, s24, s18, $0xb8;
	[tilespmem:$0x1E000] =	vst v63  }
0xc4: {  	_ =	swait.ge [sflag:s16], $0x4000  }
0xc5: {  	s25 =	sadd.s32 $0x1, s25;
	[sflag:s16] =	ssyncset.done $0x0  }
0xc6: {  	p0 =	sne.s32 s25, s14;
	[sflag:s16] =	ssyncadd.s32 $0xFFFFC000  }
.Ltmp3:
0xc7: {  	[bflag:$0x0] =	sbarrier.arrive $0xFFFF;
	(pc) =	sbr.rel @p0 .LBB2_1-.Ltmp3, $4  }
0xc8: {  	[hbm:s13], [sflag:s6] =	dma.local [spmem:s15], $0x2800  }
0xc9: {  	_ =	swait.ge [sflag:s16], $0x2800  }
0xca: {  	[sflag:s16] =	ssyncset.done $0x0  }
0xcb: {  	[sflag:s16] =	ssyncadd.s32 $0xFFFFD800  }
0xcc: {  	_ =	sfence.sel $0x180000  }
0xcd: {  	[bflag:$0x0] =	sbarrier.arrive $0xFFFF  }
0xce: {  	p0 =	sne.s32 s3, $0x0;
	_ =	strace $0x9000004D  }
0xcf: {  	s0 =	sadd.s32 @!p0 $0x100000, s0;
	[bflag:$0x2] =	sbarrier.arrive $0xFFFF  }
0xd0: {  	[sflag:s0] =	ssyncadd.tile.s32 @!p0 $0x1;
	_ =	shalt  }
.Lfunc_end2:
_tile_overlayer_lowered:
.L_overlay_start_2:
0xd1: {  	(tag) =	ssettag $0x2  }
0xd2: {  	s0 =	rddreg [dreg:$0x0];
	s2 =	stileid.u32  }
0xd3: {  	s1 =	rddreg [dreg:$0x1];
	p0 =	sne.s32 s2, $0x0  }
0xd4: {  	s3 =	rddreg [dreg:$0x2];
	[bflag:$0x3] =	sbarrier.arrive $0xFFFF;
	s2 =	simm.s32 @!p0 $0x1C03  }
0xd5: {  	[timem:s3], [sflag:s2] =	dma.local @!p0 [hbm:s0], s1  }
0xd6: {  	s0 =	simm.s32 @!p0 $0x3  }
0xd7: {  	_ =	swait.ge @!p0 [sflag:s0], s1  }
0xd8: {  	s1 =	ssub.s32 @!p0 $0x0, s1;
	[sflag:s0] =	ssyncset.done @!p0 $0x0  }
0xd9: {  	[sflag:s0] =	ssyncadd.s32 @!p0 s1  }
0xda: {  	[bflag:$0x3] =	sbarrier.arrive $0xFFFF  }
0xdb: {  	_ =	shalt  }

// kernel: kernel.9.cloned.1.call-start
scs
__scs_entry_jumppad:
0x0: {  	(pc) =	sbr.rel $0x88, $3  }
0x1: {  	(tag) =	ssettag $0x0;
	lr =	simm.s32 $0x1  }
0x2: {  	[smem:$0x3F99] =	sst lr;
	_ =	strace $0xD0000000  }
0x3: {  	_ = 	snop  }
0x4: {  	_ = 	snop  }
0x5: {  	_ = 	snop  }
0x6: {  	_ = 	snop  }
0x7: {  	_ = 	snop  }
__scs_overlays_trampoline_lowered:
0x8: {  	[smem:$0x3FA8] =	sst s0  }
0x9: {  	[smem:$0x3FA9] =	sst s1  }
0xa: {  	[smem:$0x3FAA] =	sst s2  }
0xb: {  	[smem:$0x3FAB] =	sst s3  }
0xc: {  	[smem:$0x3FAC] =	sst s4  }
0xd: {  	[smem:$0x3FAD] =	sst s5  }
0xe: {  	[smem:$0x3FAE] =	sst s6  }
0xf: {  	[smem:$0x3FAF] =	sst s7  }
0x10: {  	[smem:$0x3FB0] =	sst s8  }
0x11: {  	[smem:$0x3FB1] =	sst s9;
	s0 =	simm.s32 @!p0 $0x0  }
0x12: {  	s1 =	sld [smem:$0x3F97];
	s0 =	simm.s32 @p0 $0x1  }
0x13: {  	[smem:$0x3FB2] =	sst s0;
	s0 =	simm.s32 @!p1 $0x0  }
0x14: {  	s2 =	sld [smem:$0x3F96];
	s0 =	simm.s32 @p1 $0x1  }
0x15: {  	[smem:$0x3FB3] =	sst s0;
	s0 =	simm.s32 @!p2 $0x0  }
0x16: {  	s3 =	sld [smem:$0x3FDB];
	s0 =	simm.s32 @p2 $0x1  }
0x17: {  	s4 =	simm.s32 $0x1BF5;
	[smem:$0x3FB5] =	sst s0  }
0x18: {  	s0 =	sld [smem:$0x3F98];
	_ =	swait.ge [sflag:s4], $0x0  }
0x19: {  	s7 =	sld [smem:$0x3F99]  }
0x1a: {  	s8 =	sadd.s32 $0xFFFFE003, lr  }
0x1b: {  	s9 =	sadd.s32 $0xFFFFFEF7, lr;
	s5 =	simm.s32 $0xFFFFFFFF;
	p2 =	slt.u32 s8, $0xFFFFF086  }
0x1c: {  	p1 =	slt.u32 s9, $0xF7A;
	s5 =	simm.s32 @!p2 $0x0  }
0x1d: {  	s5 =	simm.s32 @p1 $0x1;
	p0 =	seq.s32 s7, s2  }
0x1e: {  	s7 =	smul.u32 @!p0 $0xF7A, s2;
	p2 =	seq.s32 @!p0 s5, $0x0  }
0x1f: {  	s9 =	smul.u32 $0xF7A, s1;
	s8 =	simm.s32 @!p0 $0x1BF5;
	p2 =	por !p2, p0  }
0x20: {  	[sflag:s8] =	ssyncset.s32 @!p0 $0xFFFFF086;
	s6 =	sadd.s32 @!p0 s3, s7;
	s7 =	simm.s32 @!p0 $0x108  }
0x21: {  	s3 =	sadd.s32 s3, s9;
	s6 =	sadd.s32 @!p0 $0x88, s6;
	s7 =	simm.s32 @p2 $0x1082  }
0x22: {  	[simem:s7], [sflag:s8] =	dma.local @!p0 [hbm:s6], $0xF7A  }
0x23: {  	s9 =	sor.u32 $0xD0000000, s2;
	s6 =	simm.s32 $0x108;
	_ =	swait.ge @!p0 [sflag:s8], $0x0  }
0x24: {  	s3 =	sadd.s32 $0x88, s3;
	s6 =	simm.s32 @!p1 $0x1082;
	[sflag:s4] =	ssyncset.s32 $0xFFFFF086  }
0x25: {  	[simem:s6], [sflag:s4] =	dma.local [hbm:s3], $0xF7A  }
0x26: {  	[smem:$0x3F99] =	sst s1;
	(tag) =	ssettag s2;
	_ =	strace s9  }
0x27: {  	s1 =	sld [smem:$0x3FA9]  }
0x28: {  	s2 =	sld [smem:$0x3FAA]  }
0x29: {  	s4 =	sld [smem:$0x3FAC]  }
0x2a: {  	p0 =	seq.s32 s5, $0x0;
	s5 =	sld [smem:$0x3FAD]  }
0x2b: {  	s6 =	sld [smem:$0x3FAE]  }
0x2c: {  	s7 =	sld [smem:$0x3FAF]  }
0x2d: {  	s3 =	simm.s32 $0x108;
	s8 =	sld [smem:$0x3FB0]  }
0x2e: {  	s3 =	simm.s32 @!p0 $0x1082;
	s9 =	sld [smem:$0x3FB1]  }
0x2f: {  	lr =	sadd.s32 s0, s3;
	s0 =	sld [smem:$0x3FA8]  }
0x30: {  	s3 =	sld [smem:$0x3FAB]  }
0x31: {  	[smem:$0x3FB4] =	sst s10  }
0x32: {  	s10 =	sld [smem:$0x3FB2];
	_ =	sdelay $0x3  }
0x33: {  	p0 =	seq.s32 s10, $0x1;
	s10 =	sld [smem:$0x3FB4];
	_ =	sdelay $0x3  }
0x34: {  	[smem:$0x3FB4] =	sst s10  }
0x35: {  	s10 =	sld [smem:$0x3FB3];
	_ =	sdelay $0x3  }
0x36: {  	p1 =	seq.s32 s10, $0x1;
	s10 =	sld [smem:$0x3FB4];
	_ =	sdelay $0x3  }
0x37: {  	[smem:$0x3FB4] =	sst s10  }
0x38: {  	s10 =	sld [smem:$0x3FB5]  }
0x39: {  	_ = 	snop;
	(pc) =	sbr.ind lr, $3  }
0x3a: {  	_ = 	snop  }
0x3b: {  	_ = 	snop  }
0x3c: {  	p2 =	seq.s32 s10, $0x1;
	s10 =	sld [smem:$0x3FB4]  }
0x3d: {  	_ =	shalt  }
0x3e: {  	_ =	shalt  }
0x3f: {  	_ =	shalt  }
0x40: {  	_ =	shalt  }
0x41: {  	_ =	shalt  }
0x42: {  	_ =	shalt  }
0x43: {  	_ =	shalt  }
0x44: {  	_ =	shalt  }
0x45: {  	_ =	shalt  }
0x46: {  	_ =	shalt  }
0x47: {  	_ =	shalt  }
0x48: {  	_ =	shalt  }
0x49: {  	_ =	shalt  }
0x4a: {  	_ =	shalt  }
0x4b: {  	_ =	shalt  }
0x4c: {  	_ =	shalt  }
0x4d: {  	_ =	shalt  }
0x4e: {  	_ =	shalt  }
0x4f: {  	_ =	shalt  }
0x50: {  	_ =	shalt  }
0x51: {  	_ =	shalt  }
0x52: {  	_ =	shalt  }
0x53: {  	_ =	shalt  }
0x54: {  	_ =	shalt  }
0x55: {  	_ =	shalt  }
0x56: {  	_ =	shalt  }
0x57: {  	_ =	shalt  }
0x58: {  	_ =	shalt  }
0x59: {  	_ =	shalt  }
0x5a: {  	_ =	shalt  }
0x5b: {  	_ =	shalt  }
0x5c: {  	_ =	shalt  }
0x5d: {  	_ =	shalt  }
0x5e: {  	_ =	shalt  }
0x5f: {  	_ =	shalt  }
0x60: {  	_ =	shalt  }
0x61: {  	_ =	shalt  }
0x62: {  	_ =	shalt  }
0x63: {  	_ =	shalt  }
0x64: {  	_ =	shalt  }
0x65: {  	_ =	shalt  }
0x66: {  	_ =	shalt  }
0x67: {  	_ =	shalt  }
0x68: {  	_ =	shalt  }
0x69: {  	_ =	shalt  }
0x6a: {  	_ =	shalt  }
0x6b: {  	_ =	shalt  }
0x6c: {  	_ =	shalt  }
0x6d: {  	_ =	shalt  }
0x6e: {  	_ =	shalt  }
0x6f: {  	_ =	shalt  }
0x70: {  	_ =	shalt  }
0x71: {  	_ =	shalt  }
0x72: {  	_ =	shalt  }
0x73: {  	_ =	shalt  }
0x74: {  	_ =	shalt  }
0x75: {  	_ =	shalt  }
0x76: {  	_ =	shalt  }
0x77: {  	_ =	shalt  }
0x78: {  	_ =	shalt  }
0x79: {  	_ =	shalt  }
0x7a: {  	_ =	shalt  }
0x7b: {  	_ =	shalt  }
0x7c: {  	_ =	shalt  }
0x7d: {  	_ =	shalt  }
0x7e: {  	_ =	shalt  }
0x7f: {  	_ =	shalt  }
0x80: {  	_ =	shalt  }
0x81: {  	_ =	shalt  }
0x82: {  	_ =	shalt  }
0x83: {  	_ =	shalt  }
0x84: {  	_ =	shalt  }
0x85: {  	_ =	shalt  }
0x86: {  	_ =	shalt  }
0x87: {  	_ =	shalt  }
.Lfunc_end0:
.L_simem_size_0:
called_computation_lowered:
.L_overlay_start_0:
0x88: {  	s2 =	sld [smem:$0x3FD9]  }
0x89: {  	s3 =	sld [smem:$0x3FFE];
	_ =	sdelay $0x1  }
0x8a: {  	s1 =	srdreg.scid  }
0x8b: {  	s0 =	sand.u32 $0x1, s1  }
0x8c: {  	s17 =	sshll.u32 s0, $0xA;
	s2 =	sadd.s32 s3, s2  }
0x8d: {  	s2 =	sadd.s32 s2, s17  }
0x8e: {  	[smem:$0x3FC0] =	sst s2  }
0x8f: {  	_ = 	snop  }
0x90: {  	s2 =	sld [smem:$0x3FD0];
	(tm) =	ssettm $0x1  }
0x91: {  	s18 =	sld [smem:$0x3FFB];
	_ =	sdelay $0x3  }
0x92: {  	_ =	strace s18  }
0x93: {  	s3 =	sld [smem:$0x3FFC];
	_ =	sdelay $0x3  }
0x94: {  	_ =	strace s3  }
0x95: {  	s3 =	sld [smem:$0x3FFD];
	_ =	sdelay $0x3  }
0x96: {  	_ =	strace s3  }
0x97: {  	_ =	strace $0x8FFFFFFF  }
0x98: {  	s19 =	sld [smem:$0x3FDB];
	_ =	sdelay $0x1  }
0x99: {  	s4 =	simm.s32 $_scs_section_size  }
0x9a: {  	s5 =	simm.s32 $_size__tile_overlayer_lowered;
	s6 =	simm.s32 $_tile_overlayer_lowered  }
0x9b: {  	s22 =	simm.s32 $0x1BFF;
	s21 =	sshll.u32 s6, $0x1;
	s3 =	sadd.s32 s4, s19  }
0x9c: {  	s7 =	simm.s32 $0x0;
	s20 =	sshll.u32 s5, $0x1;
	s5 =	sadd.s32 s21, s3  }
0x9d: {  	[timem:s7], [sflag:s22] =	dma.local [hbm:s5], s20  }
0x9e: {  	_ =	swait.ge [sflag:s22], s20  }
0x9f: {  	s4 =	ssub.s32 $0x0, s20;
	[sflag:s22] =	ssyncset.done $0x0  }
0xa0: {  	[sflag:s22] =	ssyncadd.s32 s4;
	_ =	sdelay $0x1  }
0xa1: {  	s23 =	simm.s32 $0x1B8B  }
0xa2: {  	_ =	swait.ge [sflag:s23], $0x1  }
0xa3: {  	[sflag:s23] =	ssyncset.done $0x0  }
0xa4: {  	s25 =	simm.s32 $0x1B8E;
	s24 =	sld [smem:$0x3FFE];
	[sflag:s23] =	ssyncadd.s32 $0xFFFFFFFF  }
0xa5: {  	s26 =	simm.s32 $execute0_lowered;
	[smem:$0x3FD2] =	sst s25  }
0xa6: {  	s5 =	sshll.u32 s26, $0x1;
	_ =	strace $0x80000046;
	[dreg:$0x1] =	wrdreg $0xFFFFFFFF  }
0xa7: {  	s28 =	simm.s32 $_size_execute0_lowered;
	s3 =	sadd.s32 s3, s5;
	[dreg:$0x0] =	wrdreg $0x0  }
0xa8: {  	s5 =	sshll.u32 s28, $0x1;
	[dreg:$0x2] =	wrdreg s3  }
0xa9: {  	[dreg:$0x3] =	wrdreg s5  }
0xaa: {  	[dreg:$0x4] =	wrdreg $0xC0  }
0xab: {  	_ =	task [dreg:s7], $0x5FFFF  }
0xac: {  	[dreg:$0x1] =	wrdreg $0xFFFFFFFF  }
0xad: {  	[dreg:$0x0] =	wrdreg $0x60  }
0xae: {  	[dreg:$0x2] =	wrdreg s24  }
0xaf: {  	[dreg:$0x3] =	wrdreg s2  }
0xb0: {  	[dreg:$0x4] =	wrdreg $0x50000  }
0xb1: {  	[dreg:$0x5] =	wrdreg $0x9  }
0xb2: {  	_ =	task.clear_ibuf [dreg:s7], $0x6FFFF;
	_ =	strace $0x90000046  }
0xb3: {  	s29 =	simm.s32 $0x9;
	_ =	strace $0x80000048  }
0xb4: {  	_ =	swait.ge [sflag:s29], $0x1  }
0xb5: {  	[sflag:s29] =	ssyncadd.s32 $0xFFFFFFFF  }
0xb6: {  	_ =	strace $0x90000048  }
0xb7: {  	_ =	sfence  }
0xb8: {  	s30 =	sld [smem:$0x0];
	_ =	sdelay $0x2  }
0xb9: {  	s31 =	sshll.u32 s1, $0xD;
	s1 =	sshrl.u32 s1, $0x2  }
0xba: {  	s3 =	sand.u32 $0x4000, s31;
	s1 =	sadd.s32 s1, s30  }
0xbb: {  	s0 =	sor.u32 s3, s0;
	s1 =	sshll.u32 s1, $0x11  }
0xbc: {  	s0 =	sor.u32 s1, s0  }
0xbd: {  	s0 =	sadd.s32 $0x8F2B, s0  }
0xbe: {  	[sflag:s0] =	ssyncadd.remote.s32 $0x1  }
0xbf: {  	_ =	sfence.sel $0xFFFF  }
0xc0: {  	[dreg:$0x0] =	wrdreg $0xFFFFFFFF;
	(pc) =	sbr.abs _section_cstart, $3  }
0xc1: {  	[dreg:$0x1] =	wrdreg $0xFFFFFFFF  }
0xc2: {  	_ =	task.clear_ibuf [dreg:s7], $0x2FFFF;
	_ =	strace $0x9FFFFFFF  }
0xc3: {  	(tm) =	ssettm $0x7FFFFFFF  }
tec
execute0_lowered:
.L_overlay_start_1:
0x0: {  	(tag) =	ssettag $0x1  }
0x1: {  	s6 =	rddreg [dreg:$0x0]  }
0x2: {  	s1 =	rddreg [dreg:$0x1]  }
0x3: {  	s2 =	rddreg [dreg:$0x2]  }
0x4: {  	s3 =	srdreg.scid;
	s0 =	rddreg [dreg:$0x3]  }
0x5: {  	s4 =	simm.s32 $0x0;
	s15 =	simm.s32 $0x80;
	s5 =	sand.u32 $0x1, s3  }
0x6: {  	s16 =	simm.s32 $0x0;
	s3 =	stileid.u32;
	s7 =	smul.u32 $0x140000, s5  }
0x7: {  	[smem:$0x7FF] =	sst s4;
	s9 =	sadd.s32 $0x2200, s6;
	s8 =	smul.u32 $0x14000, s3  }
0x8: {  	_ =	strace $0x80000047;
	s10 =	sshll.u32 s5, $0x4;
	s26 =	smul.u32 $0x50000, s3  }
0x9: {  	s11 =	ssub.s32 $0x2, s5;
	s5 =	sadd.s32 $0xE200, s6;
	s25 =	sor.u32 s3, s10  }
0xa: {  	s31 =	sshll.u32 s3, $0x6;
	s28 =	sshrl.u32 s11, $0x1;
	s12 =	smul.u32 $0x3000, s25  }
0xb: {  	s7 =	sadd.s32 s8, s7;
	s29 =	sshrl.u32 s26, $0x2;
	s8 =	smul.u32 $0x600, s25  }
0xc: {  	s11 =	ssub.s32 s11, s28;
	s7 =	sshrl.u32 s7, $0x3;
	s14 =	sadd.s32 s29, s2  }
0xd: {  	s13 =	sadd.s32 s7, s6;
	s30 =	sshrl.u32 s12, $0x3;
	s6 =	sadd.s32 s9, s8  }
0xe: {  	s12 =	simm.s32 $0x1;
	s14 =	sshrl.u32 s14, $0x3;
	s10 =	sadd.s32 s9, s30  }
0xf: {  	s9 =	sadd.s32 $0xEA00, s13;
	s13 =	sor.u32 $0x1C01, s31;
	s7 =	sadd.s32 $0x200, s10  }
0x10: {  	s8 =	sadd.s32 $0x400, s10;
	s10 =	smax.u32 s11, $0x1;
	s11 =	simm.s32 $0x1000  }
.LBB2_1:
0x11: {  	[tilespmem:s11], [sflag:$0x1] =	stream.linear.gather [hbm4b:s5+s4], $0x4000, $0x38;
	[tilespmem:$0x7800] =	vst v63  }
0x12: {  	_ =	swait.ge [sflag:s12], $0x4000  }
0x13: {  	[sflag:s12] =	ssyncset.done $0x0  }
0x14: {  	[sflag:s12] =	ssyncadd.s32 $0xFFFFC000  }
0x15: {  	[spmem:s14], [sflag:s13] =	dma.local [hbm:s1], $0x2800  }
0x16: {  	_ =	swait.ge [sflag:s12], $0x2800  }
0x17: {  	[sflag:s12] =	ssyncset.done $0x0  }
0x18: {  	[sflag:s12] =	ssyncadd.s32 $0xFFFFD800  }
0x19: {  	[bflag:$0x0] =	sbarrier.arrive $0xFFFF  }
0x1a: {  	[tilespmem:s4], [sflag:$0x1] =	stream.linear.gather [hbm4b:s6+s4], $0xE00, $0x38;
	[tilespmem:$0x7800] =	vst v63  }
0x1b: {  	_ =	swait.ge [sflag:s12], $0xE00  }
0x1c: {  	[sflag:s12] =	ssyncset.done $0x0  }
0x1d: {  	s17 =	simm.s32 $0x0;
	[sflag:s12] =	ssyncadd.s32 $0xFFFFF200  }
0x1e: {  	[spmem:s2] =	stream.indirect.scatter.add.f32 [tilespmem:s11], [sflag:$0x1], $0x10, s17, s15, $0xb8;
	[tilespmem:$0x7800] =	vst v63  }
0x1f: {  	_ =	swait.ge [sflag:s12], $0x800  }
0x20: {  	s17 =	simm.s32 $0x200;
	[sflag:s12] =	ssyncset.done $0x0  }
.LBB2_2:
0x21: {  	s18 =	sshra.s32 s17, $0x2;
	[sflag:s12] =	ssyncadd.s32 $0xFFFFF800;
	p0 =	sne.s32 s17, $0x3600  }
0x22: {  	[spmem:s2] =	stream.indirect.scatter.add.f32 [tilespmem:s11], [sflag:$0x1], $0x10, s18, s15, $0xb8;
	[tilespmem:$0x7800] =	vst v63  }
.Ltmp0:
0x23: {  	_ = 	snop;
	(pc) =	sbr.rel @p0 .LBB2_2-.Ltmp0, $4  }
0x24: {  	_ = 	snop  }
0x25: {  	s17 =	sadd.s32 $0x200, s17  }
0x26: {  	_ =	swait.ge [sflag:s12], $0x800  }
0x27: {  	[sflag:s12] =	ssyncset.done $0x0  }
0x28: {  	[sflag:s12] =	ssyncadd.s32 $0xFFFFF800;
	s17 =	simm.s32 $0x0  }
0x29: {  	[tilespmem:s17], [sflag:$0x1] =	stream.linear.gather [hbm4b:s7+s17], $0xE00, $0x38;
	[tilespmem:$0x7800] =	vst v63  }
0x2a: {  	_ =	swait.ge [sflag:s12], $0xE00  }
0x2b: {  	[sflag:s12] =	ssyncset.done $0x0  }
0x2c: {  	s31 =	simm.s32 $0x0;
	[sflag:s12] =	ssyncadd.s32 $0xFFFFF200  }
0x2d: {  	[spmem:s2] =	stream.indirect.scatter.add.f32 [tilespmem:s11], [sflag:$0x1], $0x10, s31, s15, $0xb8;
	[tilespmem:$0x7800] =	vst v63  }
0x2e: {  	_ =	swait.ge [sflag:s12], $0x800  }
0x2f: {  	s17 =	simm.s32 $0x200;
	[sflag:s12] =	ssyncset.done $0x0  }
.LBB2_4:
0x30: {  	s18 =	sshra.s32 s17, $0x2;
	[sflag:s12] =	ssyncadd.s32 $0xFFFFF800;
	p0 =	sne.s32 s17, $0x3600  }
0x31: {  	[spmem:s2] =	stream.indirect.scatter.add.f32 [tilespmem:s11], [sflag:$0x1], $0x10, s18, s15, $0xb8;
	[tilespmem:$0x7800] =	vst v63  }
.Ltmp1:
0x32: {  	_ = 	snop;
	(pc) =	sbr.rel @p0 .LBB2_4-.Ltmp1, $4  }
0x33: {  	_ = 	snop  }
0x34: {  	s17 =	sadd.s32 $0x200, s17  }
0x35: {  	_ =	swait.ge [sflag:s12], $0x800  }
0x36: {  	[sflag:s12] =	ssyncset.done $0x0  }
0x37: {  	[sflag:s12] =	ssyncadd.s32 $0xFFFFF800;
	s17 =	simm.s32 $0x0  }
0x38: {  	[tilespmem:s17], [sflag:$0x1] =	stream.linear.gather [hbm4b:s8+s17], $0xE00, $0x38;
	[tilespmem:$0x7800] =	vst v63  }
0x39: {  	_ =	swait.ge [sflag:s12], $0xE00  }
0x3a: {  	[sflag:s12] =	ssyncset.done $0x0  }
0x3b: {  	s31 =	simm.s32 $0x0;
	[sflag:s12] =	ssyncadd.s32 $0xFFFFF200  }
0x3c: {  	[spmem:s2] =	stream.indirect.scatter.add.f32 [tilespmem:s11], [sflag:$0x1], $0x10, s31, s15, $0xb8;
	[tilespmem:$0x7800] =	vst v63  }
0x3d: {  	_ =	swait.ge [sflag:s12], $0x800  }
0x3e: {  	s17 =	simm.s32 $0x200;
	[sflag:s12] =	ssyncset.done $0x0  }
.LBB2_6:
0x3f: {  	s18 =	sshra.s32 s17, $0x2;
	[sflag:s12] =	ssyncadd.s32 $0xFFFFF800;
	p0 =	sne.s32 s17, $0x3600  }
0x40: {  	[spmem:s2] =	stream.indirect.scatter.add.f32 [tilespmem:s11], [sflag:$0x1], $0x10, s18, s15, $0xb8;
	[tilespmem:$0x7800] =	vst v63  }
.Ltmp2:
0x41: {  	_ = 	snop;
	(pc) =	sbr.rel @p0 .LBB2_6-.Ltmp2, $4  }
0x42: {  	_ = 	snop  }
0x43: {  	s17 =	sadd.s32 $0x200, s17  }
0x44: {  	_ =	swait.ge [sflag:s12], $0x800  }
0x45: {  	[sflag:s12] =	ssyncset.done $0x0  }
0x46: {  	s16 =	sadd.s32 $0x1, s16  }
0x47: {  	[sflag:s12] =	ssyncadd.s32 $0xFFFFF800;
	p0 =	sne.s32 s16, s10  }
.Ltmp3:
0x48: {  	[bflag:$0x0] =	sbarrier.arrive $0xFFFF;
	(pc) =	sbr.rel @p0 .LBB2_1-.Ltmp3, $4  }
0x49: {  	[hbm:s9], [sflag:s13] =	dma.local [spmem:s14], $0x2800  }
0x4a: {  	_ =	swait.ge [sflag:s12], $0x2800  }
0x4b: {  	[sflag:s12] =	ssyncset.done $0x0  }
0x4c: {  	[sflag:s12] =	ssyncadd.s32 $0xFFFFD800  }
0x4d: {  	_ =	sfence.sel $0x180000  }
0x4e: {  	[bflag:$0x0] =	sbarrier.arrive $0xFFFF  }
0x4f: {  	p0 =	sne.s32 s3, $0x0;
	_ =	strace $0x90000047  }
0x50: {  	s0 =	sadd.s32 @!p0 $0x100000, s0;
	[bflag:$0x2] =	sbarrier.arrive $0xFFFF  }
0x51: {  	[sflag:s0] =	ssyncadd.tile.s32 @!p0 $0x1;
	_ =	shalt  }
.Lfunc_end2:
_tile_overlayer_lowered:
.L_overlay_start_2:
0x52: {  	(tag) =	ssettag $0x2  }
0x53: {  	s0 =	rddreg [dreg:$0x0];
	s2 =	stileid.u32  }
0x54: {  	s1 =	rddreg [dreg:$0x1];
	p0 =	sne.s32 s2, $0x0  }
0x55: {  	s3 =	rddreg [dreg:$0x2];
	[bflag:$0x3] =	sbarrier.arrive $0xFFFF;
	s2 =	simm.s32 @!p0 $0x1C01  }
0x56: {  	[timem:s3], [sflag:s2] =	dma.local @!p0 [hbm:s0], s1  }
0x57: {  	s0 =	simm.s32 @!p0 $0x1  }
0x58: {  	_ =	swait.ge @!p0 [sflag:s0], s1  }
0x59: {  	s1 =	ssub.s32 @!p0 $0x0, s1;
	[sflag:s0] =	ssyncset.done @!p0 $0x0  }
0x5a: {  	[sflag:s0] =	ssyncadd.s32 @!p0 s1  }
0x5b: {  	[bflag:$0x3] =	sbarrier.arrive $0xFFFF  }
0x5c: {  	_ =	shalt  }

</sc_bundles>
